<compile_context>
chip_gen: v7x
topology: tpu7x:2x2x1
jax: 0.10.2.dev20260603
libtpu: 0.0.44.dev20260713+nightly
codegen_flags: <defaults>
</compile_context>

<pallas_src>
import functools

import jax
import jax.numpy as jnp
from jax import lax
from jax.experimental import pallas as pl
from jax.experimental.pallas import tpu as pltpu
from jax.experimental.pallas import tpu_sc as plsc

NC = 2
NS = 16
LANES = 16
NL = 4


def _sc_lookup(idx, emb_table, special_table, *, n_valid):
    nb_total, seq = idx.shape
    d = emb_table.shape[1]
    nw = NC * NS
    bpw = nb_total // nw
    n_chunks = seq // NL
    assert n_chunks % 2 == 0 and bpw % LANES == 0 and seq % (2 * NL) == 0
    nspec = special_table.shape[0]

    mesh = plsc.VectorSubcoreMesh(
        core_axis_name="c", subcore_axis_name="s", num_cores=NC, num_subcores=NS
    )

    @functools.partial(
        pl.kernel,
        out_type=jax.ShapeDtypeStruct((seq // 2, nb_total, 2 * d), jnp.float32),
        mesh=mesh,
        scratch_types=[
            pltpu.VMEM((bpw, seq), jnp.int32),
            pltpu.VMEM((2, NL, bpw), jnp.int32),
            pltpu.VMEM((2, NL, bpw, d), jnp.float32),
            pltpu.VMEM((nspec, d), jnp.float32),
            pltpu.SemaphoreType.DMA,
            pltpu.SemaphoreType.DMA,
            pltpu.SemaphoreType.DMA,
            pltpu.SemaphoreType.DMA,
        ],
        compiler_params=pltpu.CompilerParams(
            needs_layout_passes=False, use_tc_tiling_on_sc=False
        ),
    )
    def run(idx_hbm, emb_hbm, spec_hbm, z_hbm, idx_v, idxcol_v, zv, spec_v,
            gsem0, gsem1, osem0, osem1):
        gsems = (gsem0, gsem1)
        osems = (osem0, osem1)
        wid = lax.axis_index("s") * NC + lax.axis_index("c")
        b0 = wid * bpw
        pltpu.sync_copy(spec_hbm, spec_v)
        pltpu.sync_copy(idx_hbm.at[pl.ds(b0, bpw)], idx_v)
        lane = lax.iota(jnp.int32, LANES)

        def build_idxcol(slot, t):
            for li in range(NL):
                lcol = jnp.full((LANES,), NL * t + li, dtype=jnp.int32)
                for g in range(bpw // LANES):
                    bvec = g * LANES + lane
                    v = plsc.load_gather(idx_v, [bvec, lcol])
                    idxcol_v[slot, li, pl.ds(g * LANES, LANES)] = v

        def gather_descs(slot, make):
            return [
                make(
                    emb_hbm.at[idxcol_v.at[slot, li]],
                    zv.at[slot, li],
                    gsems[slot],
                )
                for li in range(NL)
            ]

        def z_dst(t, li):
            lp = (NL * t + li) // 2
            half = (li % 2) * d
            return z_hbm.at[lp, pl.ds(b0, bpw), pl.ds(half, d)]

        def fixup(slot):
            for li in range(NL):
                def group(g, _, li=li, slot=slot):
                    bvec = g * LANES + lane
                    toks = plsc.load_gather(idxcol_v.at[slot, li], [bvec])

                    @pl.when(jnp.max(toks) > n_valid)
                    def _fix():
                        sidx = jnp.maximum(toks - n_valid, 0)

                        def col(c, _):
                            cvec = jnp.full((LANES,), c, dtype=jnp.int32)
                            svals = plsc.load_gather(spec_v, [sidx, cvec])
                            cur = plsc.load_gather(
                                zv.at[slot, li], [bvec, cvec]
                            )
                            plsc.store_scatter(
                                zv.at[slot, li], [bvec, cvec], cur + svals
                            )
                            return 0

                        lax.fori_loop(0, d, col, 0)

                    return 0

                lax.fori_loop(0, bpw // LANES, group, 0)

        build_idxcol(0, 0)
        gather_descs(0, pltpu.async_copy)

        def outer(ti, _):
            for s in (0, 1):
                t = ti * 2 + s
                nxt = 1 - s

                @pl.when(t + 1 < n_chunks)
                def _prefetch(t=t, nxt=nxt):
                    @pl.when(t >= 1)
                    def _drain_prev():
                        for li in range(NL):
                            pltpu.make_async_copy(
                                zv.at[nxt, li], z_dst(0, li), osems[nxt]
                            ).wait()

                    build_idxcol(nxt, t + 1)
                    gather_descs(nxt, pltpu.async_copy)

                for cp in gather_descs(s, pltpu.make_async_copy):
                    cp.wait()
                fixup(s)
                for li in range(NL):
                    pltpu.async_copy(zv.at[s, li], z_dst(t, li), osems[s])
            return 0

        lax.fori_loop(0, n_chunks // 2, outer, 0)
        for s in (0, 1):
            for li in range(NL):
                pltpu.make_async_copy(
                    zv.at[s, li], z_dst(0, li), osems[s]
                ).wait()

    return run(idx, emb_table, special_table)


def _tc_transpose(z):
    half_seq, b, two_d = z.shape
    d = two_d // 2
    bb = 4096

    def body(x_ref, o_ref):
        t = jnp.transpose(x_ref[0], (1, 0))
        o_ref[0] = t[:d]
        o_ref[1] = t[d:]

    return pl.pallas_call(
        body,
        grid=(half_seq, b // bb),
        in_specs=[pl.BlockSpec((1, bb, two_d), lambda lp, i: (lp, i, 0))],
        out_specs=pl.BlockSpec((2, d, bb), lambda lp, i: (lp, 0, i)),
        out_shape=jax.ShapeDtypeStruct((2 * half_seq, d, b), jnp.float32),
    )(z)


def kernel(inputs, emb_table, special_table):
    n_valid = (emb_table.shape[0] - 1) - (special_table.shape[0] - 1)
    z = _sc_lookup(inputs, emb_table, special_table, n_valid=n_valid)
    t = _tc_transpose(z)
    return jnp.transpose(t, (2, 0, 1))

# --- scband reference (transcript-rebuilt; emitter-appended) ---
"""Pipeline reference for scband-word-embedding-layer-33827162423383 (READ-ONLY COPY).

The authoritative reference and input builder live on the scoring server;
editing this copy changes nothing except your own understanding.
"""

import jax, jax.numpy as jnp
import numpy as np

VOCAB = 100000
EMB = 64
NSP = 10
B = 4096
L = 200


def setup_inputs(seed: int = 0) -> dict:
    key = jax.random.key(seed)
    k1, k2 = jax.random.split(key)
    inputs = jax.random.randint(k1, (B, L), 0, VOCAB).astype(jnp.int32)
    # pretrained weight matrix (emb_weight_matrix init kwarg)
    pretrained = jax.random.normal(k2, (VOCAB, EMB), dtype=jnp.float32)
    zero = jnp.zeros((1, EMB), dtype=jnp.float32)
    # _set_weights: main table = [0-row, pretrained[:-NSP], NSP zero rows] -> (VOCAB+1, EMB)
    emb_table = jnp.concatenate([zero, pretrained[:-NSP], jnp.zeros((NSP, EMB), dtype=jnp.float32)], axis=0)
    # special table = [0-row, pretrained[-NSP:]] -> (NSP+1, EMB)
    special_table = jnp.concatenate([zero, pretrained[-NSP:]], axis=0)
    return {"inputs": inputs, "emb_table": emb_table, "special_table": special_table}


def reference(inputs, emb_table, special_table):
    n_valid_tokens = VOCAB - NSP
    # Lambda(x - n_valid) followed by relu -> indices into special table in [0, NSP]
    special_idx = jnp.maximum(inputs - n_valid_tokens, 0)
    embedded_sequences = jnp.take(emb_table, inputs, axis=0)
    embedded_special = jnp.take(special_table, special_idx, axis=0)
    return embedded_sequences + embedded_special

if __name__ == "__main__":
    import jax
    _d = setup_inputs()
    print(jax.jit(kernel)(*tuple(_d.values())))

</pallas_src>

<mosaic_0001>
#map = affine_map<(d0, d1) -> (0, 0)>
#map1 = affine_map<(d0, d1) -> (0, 0, 0)>
module attributes {stable_mosaic.version = 14 : i64} {
  func.func @run(%arg0: i32, %arg1: i32, %arg2: memref<4096x200xi32, #tpu.memory_space<hbm>>, %arg3: memref<100001x64xf32, #tpu.memory_space<hbm>>, %arg4: memref<11x64xf32, #tpu.memory_space<hbm>>, %arg5: memref<100x4096x128xf32, #tpu.memory_space<hbm>>, %arg6: memref<128x200xi32, #tpu.memory_space<vmem>>, %arg7: memref<2x4x128xi32, #tpu.memory_space<vmem>>, %arg8: memref<2x4x128x64xf32, #tpu.memory_space<vmem>>, %arg9: memref<11x64xf32, #tpu.memory_space<vmem>>, %arg10: memref<!tpu.dma_semaphore, #tpu.memory_space<semaphore_mem>>, %arg11: memref<!tpu.dma_semaphore, #tpu.memory_space<semaphore_mem>>, %arg12: memref<!tpu.dma_semaphore, #tpu.memory_space<semaphore_mem>>, %arg13: memref<!tpu.dma_semaphore, #tpu.memory_space<semaphore_mem>>) attributes {dimension_semantics = [#tpu.dimension_semantics<core_parallel>, #tpu.dimension_semantics<subcore_parallel>], iteration_bounds = array<i64: 2, 16>, scalar_prefetch = 0 : i64, scratch_operands = 8 : i64, tpu.core_type = #tpu.core_type<sc_vector_subcore>, window_params = [{transform_indices = #map}, {transform_indices = #map}, {transform_indices = #map}, {transform_indices = #map1}]} {
    %mul3A = arith.constant 2 : i32
    %mul3A_0 = arith.muli %arg1, %mul3A : i32
    %add3A = arith.addi %mul3A_0, %arg0 : i32
    %mul3A_1 = arith.constant 128 : i32
    %mul3A_2 = arith.muli %add3A, %mul3A_1 : i32
    "tpu.region"() ({
      %run_scoped3A = tpu.sem_alloc : memref<!tpu.dma_semaphore, #tpu.memory_space<semaphore_mem>>
      tpu.enqueue_dma source(%arg4 : memref<11x64xf32, #tpu.memory_space<hbm>>) target(%arg9 : memref<11x64xf32, #tpu.memory_space<vmem>>) target_semaphore(%run_scoped3A : memref<!tpu.dma_semaphore, #tpu.memory_space<semaphore_mem>>)
      tpu.wait_dma2 semaphore(%run_scoped3A : memref<!tpu.dma_semaphore, #tpu.memory_space<semaphore_mem>>) src(%arg4 : memref<11x64xf32, #tpu.memory_space<hbm>>) dst(%arg9 : memref<11x64xf32, #tpu.memory_space<vmem>>)
      tpu.yield
    }) : () -> ()
    "tpu.region"() ({
      %run_scoped3A = tpu.sem_alloc : memref<!tpu.dma_semaphore, #tpu.memory_space<semaphore_mem>>
      %dma_start3A_524 = arith.constant 0 : i32
      %dma_start3A_525 = tpu.memref_slice %arg2[%mul3A_2, %dma_start3A_524] : memref<4096x200xi32, #tpu.memory_space<hbm>> -> memref<128x200xi32, #tpu.memory_space<hbm>>
      %dma_start3A_526 = arith.constant 0 : i32
      %dma_start3A_527 = tpu.memref_slice %arg2[%mul3A_2, %dma_start3A_526] : memref<4096x200xi32, #tpu.memory_space<hbm>> -> memref<128x200xi32, #tpu.memory_space<hbm>>
      tpu.enqueue_dma source(%dma_start3A_527 : memref<128x200xi32, #tpu.memory_space<hbm>>) target(%arg6 : memref<128x200xi32, #tpu.memory_space<vmem>>) target_semaphore(%run_scoped3A : memref<!tpu.dma_semaphore, #tpu.memory_space<semaphore_mem>>)
      %dma_wait3A_528 = arith.constant 0 : i32
      %dma_wait3A_529 = tpu.memref_slice %arg2[%mul3A_2, %dma_wait3A_528] : memref<4096x200xi32, #tpu.memory_space<hbm>> -> memref<128x200xi32, #tpu.memory_space<hbm>>
      %dma_wait3A_530 = arith.constant 0 : i32
      %dma_wait3A_531 = tpu.memref_slice %arg2[%mul3A_2, %dma_wait3A_530] : memref<4096x200xi32, #tpu.memory_space<hbm>> -> memref<128x200xi32, #tpu.memory_space<hbm>>
      tpu.wait_dma2 semaphore(%run_scoped3A : memref<!tpu.dma_semaphore, #tpu.memory_space<semaphore_mem>>) src(%dma_wait3A_531 : memref<128x200xi32, #tpu.memory_space<hbm>>) dst(%arg6 : memref<128x200xi32, #tpu.memory_space<vmem>>)
      tpu.yield
    }) : () -> ()
    %iota3A = tpu.iota {dimensions = array<i32: 0>} : vector<16xi32>
    %broadcast_in_dim3A = arith.constant 0 : i32
    %broadcast_in_dim3A_3 = vector.broadcast %broadcast_in_dim3A : i32 to vector<16xi32>
    %add3A_4 = arith.constant 0 : i32
    %add3A_5 = vector.broadcast %add3A_4 : i32 to vector<16xi32>
    %add3A_6 = arith.addi %add3A_5, %iota3A : vector<16xi32>
    %gather3A = tpu.vector_load_idx %arg6[%add3A_6, %broadcast_in_dim3A_3] : memref<128x200xi32, #tpu.memory_space<vmem>>[vector<16xi32>, vector<16xi32>], vector<16xi32>,
    %swap3A = arith.constant 0 : i32
    %swap3A_7 = arith.constant 0 : i32
    %swap3A_8 = arith.index_cast %swap3A : i32 to index
    %swap3A_9 = arith.index_cast %swap3A_7 : i32 to index
    %swap3A_10 = arith.constant 0 : index
    %swap3A_11 = tpu.vector_load %arg7[%swap3A_8, %swap3A_9, %swap3A_10] {strides = array<i32>} : memref<2x4x128xi32, #tpu.memory_space<vmem>>, vector<16xi32>,
    tpu.vector_store %arg7[%swap3A_8, %swap3A_9, %swap3A_10], %gather3A {strides = array<i32>} : memref<2x4x128xi32, #tpu.memory_space<vmem>>, vector<16xi32>,
    %add3A_12 = arith.constant 16 : i32
    %add3A_13 = vector.broadcast %add3A_12 : i32 to vector<16xi32>
    %add3A_14 = arith.addi %add3A_13, %iota3A : vector<16xi32>
    %gather3A_15 = tpu.vector_load_idx %arg6[%add3A_14, %broadcast_in_dim3A_3] : memref<128x200xi32, #tpu.memory_space<vmem>>[vector<16xi32>, vector<16xi32>], vector<16xi32>,
    %swap3A_16 = arith.constant 0 : i32
    %swap3A_17 = arith.constant 0 : i32
    %swap3A_18 = arith.index_cast %swap3A_16 : i32 to index
    %swap3A_19 = arith.index_cast %swap3A_17 : i32 to index
    %swap3A_20 = arith.constant 16 : index
    %swap3A_21 = tpu.vector_load %arg7[%swap3A_18, %swap3A_19, %swap3A_20] {strides = array<i32>} : memref<2x4x128xi32, #tpu.memory_space<vmem>>, vector<16xi32>,
    tpu.vector_store %arg7[%swap3A_18, %swap3A_19, %swap3A_20], %gather3A_15 {strides = array<i32>} : memref<2x4x128xi32, #tpu.memory_space<vmem>>, vector<16xi32>,
    %add3A_22 = arith.constant 32 : i32
    %add3A_23 = vector.broadcast %add3A_22 : i32 to vector<16xi32>
    %add3A_24 = arith.addi %add3A_23, %iota3A : vector<16xi32>
    %gather3A_25 = tpu.vector_load_idx %arg6[%add3A_24, %broadcast_in_dim3A_3] : memref<128x200xi32, #tpu.memory_space<vmem>>[vector<16xi32>, vector<16xi32>], vector<16xi32>,
    %swap3A_26 = arith.constant 0 : i32
    %swap3A_27 = arith.constant 0 : i32
    %swap3A_28 = arith.index_cast %swap3A_26 : i32 to index
    %swap3A_29 = arith.index_cast %swap3A_27 : i32 to index
    %swap3A_30 = arith.constant 32 : index
    %swap3A_31 = tpu.vector_load %arg7[%swap3A_28, %swap3A_29, %swap3A_30] {strides = array<i32>} : memref<2x4x128xi32, #tpu.memory_space<vmem>>, vector<16xi32>,
    tpu.vector_store %arg7[%swap3A_28, %swap3A_29, %swap3A_30], %gather3A_25 {strides = array<i32>} : memref<2x4x128xi32, #tpu.memory_space<vmem>>, vector<16xi32>,
    %add3A_32 = arith.constant 48 : i32
    %add3A_33 = vector.broadcast %add3A_32 : i32 to vector<16xi32>
    %add3A_34 = arith.addi %add3A_33, %iota3A : vector<16xi32>
    %gather3A_35 = tpu.vector_load_idx %arg6[%add3A_34, %broadcast_in_dim3A_3] : memref<128x200xi32, #tpu.memory_space<vmem>>[vector<16xi32>, vector<16xi32>], vector<16xi32>,
    %swap3A_36 = arith.constant 0 : i32
    %swap3A_37 = arith.constant 0 : i32
    %swap3A_38 = arith.index_cast %swap3A_36 : i32 to index
    %swap3A_39 = arith.index_cast %swap3A_37 : i32 to index
    %swap3A_40 = arith.constant 48 : index
    %swap3A_41 = tpu.vector_load %arg7[%swap3A_38, %swap3A_39, %swap3A_40] {strides = array<i32>} : memref<2x4x128xi32, #tpu.memory_space<vmem>>, vector<16xi32>,
    tpu.vector_store %arg7[%swap3A_38, %swap3A_39, %swap3A_40], %gather3A_35 {strides = array<i32>} : memref<2x4x128xi32, #tpu.memory_space<vmem>>, vector<16xi32>,
    %add3A_42 = arith.constant 64 : i32
    %add3A_43 = vector.broadcast %add3A_42 : i32 to vector<16xi32>
    %add3A_44 = arith.addi %add3A_43, %iota3A : vector<16xi32>
    %gather3A_45 = tpu.vector_load_idx %arg6[%add3A_44, %broadcast_in_dim3A_3] : memref<128x200xi32, #tpu.memory_space<vmem>>[vector<16xi32>, vector<16xi32>], vector<16xi32>,
    %swap3A_46 = arith.constant 0 : i32
    %swap3A_47 = arith.constant 0 : i32
    %swap3A_48 = arith.index_cast %swap3A_46 : i32 to index
    %swap3A_49 = arith.index_cast %swap3A_47 : i32 to index
    %swap3A_50 = arith.constant 64 : index
    %swap3A_51 = tpu.vector_load %arg7[%swap3A_48, %swap3A_49, %swap3A_50] {strides = array<i32>} : memref<2x4x128xi32, #tpu.memory_space<vmem>>, vector<16xi32>,
    tpu.vector_store %arg7[%swap3A_48, %swap3A_49, %swap3A_50], %gather3A_45 {strides = array<i32>} : memref<2x4x128xi32, #tpu.memory_space<vmem>>, vector<16xi32>,
    %add3A_52 = arith.constant 80 : i32
    %add3A_53 = vector.broadcast %add3A_52 : i32 to vector<16xi32>
    %add3A_54 = arith.addi %add3A_53, %iota3A : vector<16xi32>
    %gather3A_55 = tpu.vector_load_idx %arg6[%add3A_54, %broadcast_in_dim3A_3] : memref<128x200xi32, #tpu.memory_space<vmem>>[vector<16xi32>, vector<16xi32>], vector<16xi32>,
    %swap3A_56 = arith.constant 0 : i32
    %swap3A_57 = arith.constant 0 : i32
    %swap3A_58 = arith.index_cast %swap3A_56 : i32 to index
    %swap3A_59 = arith.index_cast %swap3A_57 : i32 to index
    %swap3A_60 = arith.constant 80 : index
    %swap3A_61 = tpu.vector_load %arg7[%swap3A_58, %swap3A_59, %swap3A_60] {strides = array<i32>} : memref<2x4x128xi32, #tpu.memory_space<vmem>>, vector<16xi32>,
    tpu.vector_store %arg7[%swap3A_58, %swap3A_59, %swap3A_60], %gather3A_55 {strides = array<i32>} : memref<2x4x128xi32, #tpu.memory_space<vmem>>, vector<16xi32>,
    %add3A_62 = arith.constant 96 : i32
    %add3A_63 = vector.broadcast %add3A_62 : i32 to vector<16xi32>
    %add3A_64 = arith.addi %add3A_63, %iota3A : vector<16xi32>
    %gather3A_65 = tpu.vector_load_idx %arg6[%add3A_64, %broadcast_in_dim3A_3] : memref<128x200xi32, #tpu.memory_space<vmem>>[vector<16xi32>, vector<16xi32>], vector<16xi32>,
    %swap3A_66 = arith.constant 0 : i32
    %swap3A_67 = arith.constant 0 : i32
    %swap3A_68 = arith.index_cast %swap3A_66 : i32 to index
    %swap3A_69 = arith.index_cast %swap3A_67 : i32 to index
    %swap3A_70 = arith.constant 96 : index
    %swap3A_71 = tpu.vector_load %arg7[%swap3A_68, %swap3A_69, %swap3A_70] {strides = array<i32>} : memref<2x4x128xi32, #tpu.memory_space<vmem>>, vector<16xi32>,
    tpu.vector_store %arg7[%swap3A_68, %swap3A_69, %swap3A_70], %gather3A_65 {strides = array<i32>} : memref<2x4x128xi32, #tpu.memory_space<vmem>>, vector<16xi32>,
    %add3A_72 = arith.constant 112 : i32
    %add3A_73 = vector.broadcast %add3A_72 : i32 to vector<16xi32>
    %add3A_74 = arith.addi %add3A_73, %iota3A : vector<16xi32>
    %gather3A_75 = tpu.vector_load_idx %arg6[%add3A_74, %broadcast_in_dim3A_3] : memref<128x200xi32, #tpu.memory_space<vmem>>[vector<16xi32>, vector<16xi32>], vector<16xi32>,
    %swap3A_76 = arith.constant 0 : i32
    %swap3A_77 = arith.constant 0 : i32
    %swap3A_78 = arith.index_cast %swap3A_76 : i32 to index
    %swap3A_79 = arith.index_cast %swap3A_77 : i32 to index
    %swap3A_80 = arith.constant 112 : index
    %swap3A_81 = tpu.vector_load %arg7[%swap3A_78, %swap3A_79, %swap3A_80] {strides = array<i32>} : memref<2x4x128xi32, #tpu.memory_space<vmem>>, vector<16xi32>,
    tpu.vector_store %arg7[%swap3A_78, %swap3A_79, %swap3A_80], %gather3A_75 {strides = array<i32>} : memref<2x4x128xi32, #tpu.memory_space<vmem>>, vector<16xi32>,
    %broadcast_in_dim3A_82 = arith.constant 1 : i32
    %broadcast_in_dim3A_83 = vector.broadcast %broadcast_in_dim3A_82 : i32 to vector<16xi32>
    %add3A_84 = arith.constant 0 : i32
    %add3A_85 = vector.broadcast %add3A_84 : i32 to vector<16xi32>
    %add3A_86 = arith.addi %add3A_85, %iota3A : vector<16xi32>
    %gather3A_87 = tpu.vector_load_idx %arg6[%add3A_86, %broadcast_in_dim3A_83] : memref<128x200xi32, #tpu.memory_space<vmem>>[vector<16xi32>, vector<16xi32>], vector<16xi32>,
    %swap3A_88 = arith.constant 0 : i32
    %swap3A_89 = arith.constant 1 : i32
    %swap3A_90 = arith.index_cast %swap3A_88 : i32 to index
    %swap3A_91 = arith.index_cast %swap3A_89 : i32 to index
    %swap3A_92 = arith.constant 0 : index
    %swap3A_93 = tpu.vector_load %arg7[%swap3A_90, %swap3A_91, %swap3A_92] {strides = array<i32>} : memref<2x4x128xi32, #tpu.memory_space<vmem>>, vector<16xi32>,
    tpu.vector_store %arg7[%swap3A_90, %swap3A_91, %swap3A_92], %gather3A_87 {strides = array<i32>} : memref<2x4x128xi32, #tpu.memory_space<vmem>>, vector<16xi32>,
    %add3A_94 = arith.constant 16 : i32
    %add3A_95 = vector.broadcast %add3A_94 : i32 to vector<16xi32>
    %add3A_96 = arith.addi %add3A_95, %iota3A : vector<16xi32>
    %gather3A_97 = tpu.vector_load_idx %arg6[%add3A_96, %broadcast_in_dim3A_83] : memref<128x200xi32, #tpu.memory_space<vmem>>[vector<16xi32>, vector<16xi32>], vector<16xi32>,
    %swap3A_98 = arith.constant 0 : i32
    %swap3A_99 = arith.constant 1 : i32
    %swap3A_100 = arith.index_cast %swap3A_98 : i32 to index
    %swap3A_101 = arith.index_cast %swap3A_99 : i32 to index
    %swap3A_102 = arith.constant 16 : index
    %swap3A_103 = tpu.vector_load %arg7[%swap3A_100, %swap3A_101, %swap3A_102] {strides = array<i32>} : memref<2x4x128xi32, #tpu.memory_space<vmem>>, vector<16xi32>,
    tpu.vector_store %arg7[%swap3A_100, %swap3A_101, %swap3A_102], %gather3A_97 {strides = array<i32>} : memref<2x4x128xi32, #tpu.memory_space<vmem>>, vector<16xi32>,
    %add3A_104 = arith.constant 32 : i32
    %add3A_105 = vector.broadcast %add3A_104 : i32 to vector<16xi32>
    %add3A_106 = arith.addi %add3A_105, %iota3A : vector<16xi32>
    %gather3A_107 = tpu.vector_load_idx %arg6[%add3A_106, %broadcast_in_dim3A_83] : memref<128x200xi32, #tpu.memory_space<vmem>>[vector<16xi32>, vector<16xi32>], vector<16xi32>,
    %swap3A_108 = arith.constant 0 : i32
    %swap3A_109 = arith.constant 1 : i32
    %swap3A_110 = arith.index_cast %swap3A_108 : i32 to index
    %swap3A_111 = arith.index_cast %swap3A_109 : i32 to index
    %swap3A_112 = arith.constant 32 : index
    %swap3A_113 = tpu.vector_load %arg7[%swap3A_110, %swap3A_111, %swap3A_112] {strides = array<i32>} : memref<2x4x128xi32, #tpu.memory_space<vmem>>, vector<16xi32>,
    tpu.vector_store %arg7[%swap3A_110, %swap3A_111, %swap3A_112], %gather3A_107 {strides = array<i32>} : memref<2x4x128xi32, #tpu.memory_space<vmem>>, vector<16xi32>,
    %add3A_114 = arith.constant 48 : i32
    %add3A_115 = vector.broadcast %add3A_114 : i32 to vector<16xi32>
    %add3A_116 = arith.addi %add3A_115, %iota3A : vector<16xi32>
    %gather3A_117 = tpu.vector_load_idx %arg6[%add3A_116, %broadcast_in_dim3A_83] : memref<128x200xi32, #tpu.memory_space<vmem>>[vector<16xi32>, vector<16xi32>], vector<16xi32>,
    %swap3A_118 = arith.constant 0 : i32
    %swap3A_119 = arith.constant 1 : i32
    %swap3A_120 = arith.index_cast %swap3A_118 : i32 to index
    %swap3A_121 = arith.index_cast %swap3A_119 : i32 to index
    %swap3A_122 = arith.constant 48 : index
    %swap3A_123 = tpu.vector_load %arg7[%swap3A_120, %swap3A_121, %swap3A_122] {strides = array<i32>} : memref<2x4x128xi32, #tpu.memory_space<vmem>>, vector<16xi32>,
    tpu.vector_store %arg7[%swap3A_120, %swap3A_121, %swap3A_122], %gather3A_117 {strides = array<i32>} : memref<2x4x128xi32, #tpu.memory_space<vmem>>, vector<16xi32>,
    %add3A_124 = arith.constant 64 : i32
    %add3A_125 = vector.broadcast %add3A_124 : i32 to vector<16xi32>
    %add3A_126 = arith.addi %add3A_125, %iota3A : vector<16xi32>
    %gather3A_127 = tpu.vector_load_idx %arg6[%add3A_126, %broadcast_in_dim3A_83] : memref<128x200xi32, #tpu.memory_space<vmem>>[vector<16xi32>, vector<16xi32>], vector<16xi32>,
    %swap3A_128 = arith.constant 0 : i32
    %swap3A_129 = arith.constant 1 : i32
    %swap3A_130 = arith.index_cast %swap3A_128 : i32 to index
    %swap3A_131 = arith.index_cast %swap3A_129 : i32 to index
    %swap3A_132 = arith.constant 64 : index
    %swap3A_133 = tpu.vector_load %arg7[%swap3A_130, %swap3A_131, %swap3A_132] {strides = array<i32>} : memref<2x4x128xi32, #tpu.memory_space<vmem>>, vector<16xi32>,
    tpu.vector_store %arg7[%swap3A_130, %swap3A_131, %swap3A_132], %gather3A_127 {strides = array<i32>} : memref<2x4x128xi32, #tpu.memory_space<vmem>>, vector<16xi32>,
    %add3A_134 = arith.constant 80 : i32
    %add3A_135 = vector.broadcast %add3A_134 : i32 to vector<16xi32>
    %add3A_136 = arith.addi %add3A_135, %iota3A : vector<16xi32>
    %gather3A_137 = tpu.vector_load_idx %arg6[%add3A_136, %broadcast_in_dim3A_83] : memref<128x200xi32, #tpu.memory_space<vmem>>[vector<16xi32>, vector<16xi32>], vector<16xi32>,
    %swap3A_138 = arith.constant 0 : i32
    %swap3A_139 = arith.constant 1 : i32
    %swap3A_140 = arith.index_cast %swap3A_138 : i32 to index
    %swap3A_141 = arith.index_cast %swap3A_139 : i32 to index
    %swap3A_142 = arith.constant 80 : index
    %swap3A_143 = tpu.vector_load %arg7[%swap3A_140, %swap3A_141, %swap3A_142] {strides = array<i32>} : memref<2x4x128xi32, #tpu.memory_space<vmem>>, vector<16xi32>,
    tpu.vector_store %arg7[%swap3A_140, %swap3A_141, %swap3A_142], %gather3A_137 {strides = array<i32>} : memref<2x4x128xi32, #tpu.memory_space<vmem>>, vector<16xi32>,
    %add3A_144 = arith.constant 96 : i32
    %add3A_145 = vector.broadcast %add3A_144 : i32 to vector<16xi32>
    %add3A_146 = arith.addi %add3A_145, %iota3A : vector<16xi32>
    %gather3A_147 = tpu.vector_load_idx %arg6[%add3A_146, %broadcast_in_dim3A_83] : memref<128x200xi32, #tpu.memory_space<vmem>>[vector<16xi32>, vector<16xi32>], vector<16xi32>,
    %swap3A_148 = arith.constant 0 : i32
    %swap3A_149 = arith.constant 1 : i32
    %swap3A_150 = arith.index_cast %swap3A_148 : i32 to index
    %swap3A_151 = arith.index_cast %swap3A_149 : i32 to index
    %swap3A_152 = arith.constant 96 : index
    %swap3A_153 = tpu.vector_load %arg7[%swap3A_150, %swap3A_151, %swap3A_152] {strides = array<i32>} : memref<2x4x128xi32, #tpu.memory_space<vmem>>, vector<16xi32>,
    tpu.vector_store %arg7[%swap3A_150, %swap3A_151, %swap3A_152], %gather3A_147 {strides = array<i32>} : memref<2x4x128xi32, #tpu.memory_space<vmem>>, vector<16xi32>,
    %add3A_154 = arith.constant 112 : i32
    %add3A_155 = vector.broadcast %add3A_154 : i32 to vector<16xi32>
    %add3A_156 = arith.addi %add3A_155, %iota3A : vector<16xi32>
    %gather3A_157 = tpu.vector_load_idx %arg6[%add3A_156, %broadcast_in_dim3A_83] : memref<128x200xi32, #tpu.memory_space<vmem>>[vector<16xi32>, vector<16xi32>], vector<16xi32>,
    %swap3A_158 = arith.constant 0 : i32
    %swap3A_159 = arith.constant 1 : i32
    %swap3A_160 = arith.index_cast %swap3A_158 : i32 to index
    %swap3A_161 = arith.index_cast %swap3A_159 : i32 to index
    %swap3A_162 = arith.constant 112 : index
    %swap3A_163 = tpu.vector_load %arg7[%swap3A_160, %swap3A_161, %swap3A_162] {strides = array<i32>} : memref<2x4x128xi32, #tpu.memory_space<vmem>>, vector<16xi32>,
    tpu.vector_store %arg7[%swap3A_160, %swap3A_161, %swap3A_162], %gather3A_157 {strides = array<i32>} : memref<2x4x128xi32, #tpu.memory_space<vmem>>, vector<16xi32>,
    %broadcast_in_dim3A_164 = arith.constant 2 : i32
    %broadcast_in_dim3A_165 = vector.broadcast %broadcast_in_dim3A_164 : i32 to vector<16xi32>
    %add3A_166 = arith.constant 0 : i32
    %add3A_167 = vector.broadcast %add3A_166 : i32 to vector<16xi32>
    %add3A_168 = arith.addi %add3A_167, %iota3A : vector<16xi32>
    %gather3A_169 = tpu.vector_load_idx %arg6[%add3A_168, %broadcast_in_dim3A_165] : memref<128x200xi32, #tpu.memory_space<vmem>>[vector<16xi32>, vector<16xi32>], vector<16xi32>,
    %swap3A_170 = arith.constant 0 : i32
    %swap3A_171 = arith.constant 2 : i32
    %swap3A_172 = arith.index_cast %swap3A_170 : i32 to index
    %swap3A_173 = arith.index_cast %swap3A_171 : i32 to index
    %swap3A_174 = arith.constant 0 : index
    %swap3A_175 = tpu.vector_load %arg7[%swap3A_172, %swap3A_173, %swap3A_174] {strides = array<i32>} : memref<2x4x128xi32, #tpu.memory_space<vmem>>, vector<16xi32>,
    tpu.vector_store %arg7[%swap3A_172, %swap3A_173, %swap3A_174], %gather3A_169 {strides = array<i32>} : memref<2x4x128xi32, #tpu.memory_space<vmem>>, vector<16xi32>,
    %add3A_176 = arith.constant 16 : i32
    %add3A_177 = vector.broadcast %add3A_176 : i32 to vector<16xi32>
    %add3A_178 = arith.addi %add3A_177, %iota3A : vector<16xi32>
    %gather3A_179 = tpu.vector_load_idx %arg6[%add3A_178, %broadcast_in_dim3A_165] : memref<128x200xi32, #tpu.memory_space<vmem>>[vector<16xi32>, vector<16xi32>], vector<16xi32>,
    %swap3A_180 = arith.constant 0 : i32
    %swap3A_181 = arith.constant 2 : i32
    %swap3A_182 = arith.index_cast %swap3A_180 : i32 to index
    %swap3A_183 = arith.index_cast %swap3A_181 : i32 to index
    %swap3A_184 = arith.constant 16 : index
    %swap3A_185 = tpu.vector_load %arg7[%swap3A_182, %swap3A_183, %swap3A_184] {strides = array<i32>} : memref<2x4x128xi32, #tpu.memory_space<vmem>>, vector<16xi32>,
    tpu.vector_store %arg7[%swap3A_182, %swap3A_183, %swap3A_184], %gather3A_179 {strides = array<i32>} : memref<2x4x128xi32, #tpu.memory_space<vmem>>, vector<16xi32>,
    %add3A_186 = arith.constant 32 : i32
    %add3A_187 = vector.broadcast %add3A_186 : i32 to vector<16xi32>
    %add3A_188 = arith.addi %add3A_187, %iota3A : vector<16xi32>
    %gather3A_189 = tpu.vector_load_idx %arg6[%add3A_188, %broadcast_in_dim3A_165] : memref<128x200xi32, #tpu.memory_space<vmem>>[vector<16xi32>, vector<16xi32>], vector<16xi32>,
    %swap3A_190 = arith.constant 0 : i32
    %swap3A_191 = arith.constant 2 : i32
    %swap3A_192 = arith.index_cast %swap3A_190 : i32 to index
    %swap3A_193 = arith.index_cast %swap3A_191 : i32 to index
    %swap3A_194 = arith.constant 32 : index
    %swap3A_195 = tpu.vector_load %arg7[%swap3A_192, %swap3A_193, %swap3A_194] {strides = array<i32>} : memref<2x4x128xi32, #tpu.memory_space<vmem>>, vector<16xi32>,
    tpu.vector_store %arg7[%swap3A_192, %swap3A_193, %swap3A_194], %gather3A_189 {strides = array<i32>} : memref<2x4x128xi32, #tpu.memory_space<vmem>>, vector<16xi32>,
    %add3A_196 = arith.constant 48 : i32
    %add3A_197 = vector.broadcast %add3A_196 : i32 to vector<16xi32>
    %add3A_198 = arith.addi %add3A_197, %iota3A : vector<16xi32>
    %gather3A_199 = tpu.vector_load_idx %arg6[%add3A_198, %broadcast_in_dim3A_165] : memref<128x200xi32, #tpu.memory_space<vmem>>[vector<16xi32>, vector<16xi32>], vector<16xi32>,
    %swap3A_200 = arith.constant 0 : i32
    %swap3A_201 = arith.constant 2 : i32
    %swap3A_202 = arith.index_cast %swap3A_200 : i32 to index
    %swap3A_203 = arith.index_cast %swap3A_201 : i32 to index
    %swap3A_204 = arith.constant 48 : index
    %swap3A_205 = tpu.vector_load %arg7[%swap3A_202, %swap3A_203, %swap3A_204] {strides = array<i32>} : memref<2x4x128xi32, #tpu.memory_space<vmem>>, vector<16xi32>,
    tpu.vector_store %arg7[%swap3A_202, %swap3A_203, %swap3A_204], %gather3A_199 {strides = array<i32>} : memref<2x4x128xi32, #tpu.memory_space<vmem>>, vector<16xi32>,
    %add3A_206 = arith.constant 64 : i32
    %add3A_207 = vector.broadcast %add3A_206 : i32 to vector<16xi32>
    %add3A_208 = arith.addi %add3A_207, %iota3A : vector<16xi32>
    %gather3A_209 = tpu.vector_load_idx %arg6[%add3A_208, %broadcast_in_dim3A_165] : memref<128x200xi32, #tpu.memory_space<vmem>>[vector<16xi32>, vector<16xi32>], vector<16xi32>,
    %swap3A_210 = arith.constant 0 : i32
    %swap3A_211 = arith.constant 2 : i32
    %swap3A_212 = arith.index_cast %swap3A_210 : i32 to index
    %swap3A_213 = arith.index_cast %swap3A_211 : i32 to index
    %swap3A_214 = arith.constant 64 : index
    %swap3A_215 = tpu.vector_load %arg7[%swap3A_212, %swap3A_213, %swap3A_214] {strides = array<i32>} : memref<2x4x128xi32, #tpu.memory_space<vmem>>, vector<16xi32>,
    tpu.vector_store %arg7[%swap3A_212, %swap3A_213, %swap3A_214], %gather3A_209 {strides = array<i32>} : memref<2x4x128xi32, #tpu.memory_space<vmem>>, vector<16xi32>,
    %add3A_216 = arith.constant 80 : i32
    %add3A_217 = vector.broadcast %add3A_216 : i32 to vector<16xi32>
    %add3A_218 = arith.addi %add3A_217, %iota3A : vector<16xi32>
    %gather3A_219 = tpu.vector_load_idx %arg6[%add3A_218, %broadcast_in_dim3A_165] : memref<128x200xi32, #tpu.memory_space<vmem>>[vector<16xi32>, vector<16xi32>], vector<16xi32>,
    %swap3A_220 = arith.constant 0 : i32
    %swap3A_221 = arith.constant 2 : i32
    %swap3A_222 = arith.index_cast %swap3A_220 : i32 to index
    %swap3A_223 = arith.index_cast %swap3A_221 : i32 to index
    %swap3A_224 = arith.constant 80 : index
    %swap3A_225 = tpu.vector_load %arg7[%swap3A_222, %swap3A_223, %swap3A_224] {strides = array<i32>} : memref<2x4x128xi32, #tpu.memory_space<vmem>>, vector<16xi32>,
    tpu.vector_store %arg7[%swap3A_222, %swap3A_223, %swap3A_224], %gather3A_219 {strides = array<i32>} : memref<2x4x128xi32, #tpu.memory_space<vmem>>, vector<16xi32>,
    %add3A_226 = arith.constant 96 : i32
    %add3A_227 = vector.broadcast %add3A_226 : i32 to vector<16xi32>
    %add3A_228 = arith.addi %add3A_227, %iota3A : vector<16xi32>
    %gather3A_229 = tpu.vector_load_idx %arg6[%add3A_228, %broadcast_in_dim3A_165] : memref<128x200xi32, #tpu.memory_space<vmem>>[vector<16xi32>, vector<16xi32>], vector<16xi32>,
    %swap3A_230 = arith.constant 0 : i32
    %swap3A_231 = arith.constant 2 : i32
    %swap3A_232 = arith.index_cast %swap3A_230 : i32 to index
    %swap3A_233 = arith.index_cast %swap3A_231 : i32 to index
    %swap3A_234 = arith.constant 96 : index
    %swap3A_235 = tpu.vector_load %arg7[%swap3A_232, %swap3A_233, %swap3A_234] {strides = array<i32>} : memref<2x4x128xi32, #tpu.memory_space<vmem>>, vector<16xi32>,
    tpu.vector_store %arg7[%swap3A_232, %swap3A_233, %swap3A_234], %gather3A_229 {strides = array<i32>} : memref<2x4x128xi32, #tpu.memory_space<vmem>>, vector<16xi32>,
    %add3A_236 = arith.constant 112 : i32
    %add3A_237 = vector.broadcast %add3A_236 : i32 to vector<16xi32>
    %add3A_238 = arith.addi %add3A_237, %iota3A : vector<16xi32>
    %gather3A_239 = tpu.vector_load_idx %arg6[%add3A_238, %broadcast_in_dim3A_165] : memref<128x200xi32, #tpu.memory_space<vmem>>[vector<16xi32>, vector<16xi32>], vector<16xi32>,
    %swap3A_240 = arith.constant 0 : i32
    %swap3A_241 = arith.constant 2 : i32
    %swap3A_242 = arith.index_cast %swap3A_240 : i32 to index
    %swap3A_243 = arith.index_cast %swap3A_241 : i32 to index
    %swap3A_244 = arith.constant 112 : index
    %swap3A_245 = tpu.vector_load %arg7[%swap3A_242, %swap3A_243, %swap3A_244] {strides = array<i32>} : memref<2x4x128xi32, #tpu.memory_space<vmem>>, vector<16xi32>,
    tpu.vector_store %arg7[%swap3A_242, %swap3A_243, %swap3A_244], %gather3A_239 {strides = array<i32>} : memref<2x4x128xi32, #tpu.memory_space<vmem>>, vector<16xi32>,
    %broadcast_in_dim3A_246 = arith.constant 3 : i32
    %broadcast_in_dim3A_247 = vector.broadcast %broadcast_in_dim3A_246 : i32 to vector<16xi32>
    %add3A_248 = arith.constant 0 : i32
    %add3A_249 = vector.broadcast %add3A_248 : i32 to vector<16xi32>
    %add3A_250 = arith.addi %add3A_249, %iota3A : vector<16xi32>
    %gather3A_251 = tpu.vector_load_idx %arg6[%add3A_250, %broadcast_in_dim3A_247] : memref<128x200xi32, #tpu.memory_space<vmem>>[vector<16xi32>, vector<16xi32>], vector<16xi32>,
    %swap3A_252 = arith.constant 0 : i32
    %swap3A_253 = arith.constant 3 : i32
    %swap3A_254 = arith.index_cast %swap3A_252 : i32 to index
    %swap3A_255 = arith.index_cast %swap3A_253 : i32 to index
    %swap3A_256 = arith.constant 0 : index
    %swap3A_257 = tpu.vector_load %arg7[%swap3A_254, %swap3A_255, %swap3A_256] {strides = array<i32>} : memref<2x4x128xi32, #tpu.memory_space<vmem>>, vector<16xi32>,
    tpu.vector_store %arg7[%swap3A_254, %swap3A_255, %swap3A_256], %gather3A_251 {strides = array<i32>} : memref<2x4x128xi32, #tpu.memory_space<vmem>>, vector<16xi32>,
    %add3A_258 = arith.constant 16 : i32
    %add3A_259 = vector.broadcast %add3A_258 : i32 to vector<16xi32>
    %add3A_260 = arith.addi %add3A_259, %iota3A : vector<16xi32>
    %gather3A_261 = tpu.vector_load_idx %arg6[%add3A_260, %broadcast_in_dim3A_247] : memref<128x200xi32, #tpu.memory_space<vmem>>[vector<16xi32>, vector<16xi32>], vector<16xi32>,
    %swap3A_262 = arith.constant 0 : i32
    %swap3A_263 = arith.constant 3 : i32
    %swap3A_264 = arith.index_cast %swap3A_262 : i32 to index
    %swap3A_265 = arith.index_cast %swap3A_263 : i32 to index
    %swap3A_266 = arith.constant 16 : index
    %swap3A_267 = tpu.vector_load %arg7[%swap3A_264, %swap3A_265, %swap3A_266] {strides = array<i32>} : memref<2x4x128xi32, #tpu.memory_space<vmem>>, vector<16xi32>,
    tpu.vector_store %arg7[%swap3A_264, %swap3A_265, %swap3A_266], %gather3A_261 {strides = array<i32>} : memref<2x4x128xi32, #tpu.memory_space<vmem>>, vector<16xi32>,
    %add3A_268 = arith.constant 32 : i32
    %add3A_269 = vector.broadcast %add3A_268 : i32 to vector<16xi32>
    %add3A_270 = arith.addi %add3A_269, %iota3A : vector<16xi32>
    %gather3A_271 = tpu.vector_load_idx %arg6[%add3A_270, %broadcast_in_dim3A_247] : memref<128x200xi32, #tpu.memory_space<vmem>>[vector<16xi32>, vector<16xi32>], vector<16xi32>,
    %swap3A_272 = arith.constant 0 : i32
    %swap3A_273 = arith.constant 3 : i32
    %swap3A_274 = arith.index_cast %swap3A_272 : i32 to index
    %swap3A_275 = arith.index_cast %swap3A_273 : i32 to index
    %swap3A_276 = arith.constant 32 : index
    %swap3A_277 = tpu.vector_load %arg7[%swap3A_274, %swap3A_275, %swap3A_276] {strides = array<i32>} : memref<2x4x128xi32, #tpu.memory_space<vmem>>, vector<16xi32>,
    tpu.vector_store %arg7[%swap3A_274, %swap3A_275, %swap3A_276], %gather3A_271 {strides = array<i32>} : memref<2x4x128xi32, #tpu.memory_space<vmem>>, vector<16xi32>,
    %add3A_278 = arith.constant 48 : i32
    %add3A_279 = vector.broadcast %add3A_278 : i32 to vector<16xi32>
    %add3A_280 = arith.addi %add3A_279, %iota3A : vector<16xi32>
    %gather3A_281 = tpu.vector_load_idx %arg6[%add3A_280, %broadcast_in_dim3A_247] : memref<128x200xi32, #tpu.memory_space<vmem>>[vector<16xi32>, vector<16xi32>], vector<16xi32>,
    %swap3A_282 = arith.constant 0 : i32
    %swap3A_283 = arith.constant 3 : i32
    %swap3A_284 = arith.index_cast %swap3A_282 : i32 to index
    %swap3A_285 = arith.index_cast %swap3A_283 : i32 to index
    %swap3A_286 = arith.constant 48 : index
    %swap3A_287 = tpu.vector_load %arg7[%swap3A_284, %swap3A_285, %swap3A_286] {strides = array<i32>} : memref<2x4x128xi32, #tpu.memory_space<vmem>>, vector<16xi32>,
    tpu.vector_store %arg7[%swap3A_284, %swap3A_285, %swap3A_286], %gather3A_281 {strides = array<i32>} : memref<2x4x128xi32, #tpu.memory_space<vmem>>, vector<16xi32>,
    %add3A_288 = arith.constant 64 : i32
    %add3A_289 = vector.broadcast %add3A_288 : i32 to vector<16xi32>
    %add3A_290 = arith.addi %add3A_289, %iota3A : vector<16xi32>
    %gather3A_291 = tpu.vector_load_idx %arg6[%add3A_290, %broadcast_in_dim3A_247] : memref<128x200xi32, #tpu.memory_space<vmem>>[vector<16xi32>, vector<16xi32>], vector<16xi32>,
    %swap3A_292 = arith.constant 0 : i32
    %swap3A_293 = arith.constant 3 : i32
    %swap3A_294 = arith.index_cast %swap3A_292 : i32 to index
    %swap3A_295 = arith.index_cast %swap3A_293 : i32 to index
    %swap3A_296 = arith.constant 64 : index
    %swap3A_297 = tpu.vector_load %arg7[%swap3A_294, %swap3A_295, %swap3A_296] {strides = array<i32>} : memref<2x4x128xi32, #tpu.memory_space<vmem>>, vector<16xi32>,
    tpu.vector_store %arg7[%swap3A_294, %swap3A_295, %swap3A_296], %gather3A_291 {strides = array<i32>} : memref<2x4x128xi32, #tpu.memory_space<vmem>>, vector<16xi32>,
    %add3A_298 = arith.constant 80 : i32
    %add3A_299 = vector.broadcast %add3A_298 : i32 to vector<16xi32>
    %add3A_300 = arith.addi %add3A_299, %iota3A : vector<16xi32>
    %gather3A_301 = tpu.vector_load_idx %arg6[%add3A_300, %broadcast_in_dim3A_247] : memref<128x200xi32, #tpu.memory_space<vmem>>[vector<16xi32>, vector<16xi32>], vector<16xi32>,
    %swap3A_302 = arith.constant 0 : i32
    %swap3A_303 = arith.constant 3 : i32
    %swap3A_304 = arith.index_cast %swap3A_302 : i32 to index
    %swap3A_305 = arith.index_cast %swap3A_303 : i32 to index
    %swap3A_306 = arith.constant 80 : index
    %swap3A_307 = tpu.vector_load %arg7[%swap3A_304, %swap3A_305, %swap3A_306] {strides = array<i32>} : memref<2x4x128xi32, #tpu.memory_space<vmem>>, vector<16xi32>,
    tpu.vector_store %arg7[%swap3A_304, %swap3A_305, %swap3A_306], %gather3A_301 {strides = array<i32>} : memref<2x4x128xi32, #tpu.memory_space<vmem>>, vector<16xi32>,
    %add3A_308 = arith.constant 96 : i32
    %add3A_309 = vector.broadcast %add3A_308 : i32 to vector<16xi32>
    %add3A_310 = arith.addi %add3A_309, %iota3A : vector<16xi32>
    %gather3A_311 = tpu.vector_load_idx %arg6[%add3A_310, %broadcast_in_dim3A_247] : memref<128x200xi32, #tpu.memory_space<vmem>>[vector<16xi32>, vector<16xi32>], vector<16xi32>,
    %swap3A_312 = arith.constant 0 : i32
    %swap3A_313 = arith.constant 3 : i32
    %swap3A_314 = arith.index_cast %swap3A_312 : i32 to index
    %swap3A_315 = arith.index_cast %swap3A_313 : i32 to index
    %swap3A_316 = arith.constant 96 : index
    %swap3A_317 = tpu.vector_load %arg7[%swap3A_314, %swap3A_315, %swap3A_316] {strides = array<i32>} : memref<2x4x128xi32, #tpu.memory_space<vmem>>, vector<16xi32>,
    tpu.vector_store %arg7[%swap3A_314, %swap3A_315, %swap3A_316], %gather3A_311 {strides = array<i32>} : memref<2x4x128xi32, #tpu.memory_space<vmem>>, vector<16xi32>,
    %add3A_318 = arith.constant 112 : i32
    %add3A_319 = vector.broadcast %add3A_318 : i32 to vector<16xi32>
    %add3A_320 = arith.addi %add3A_319, %iota3A : vector<16xi32>
    %gather3A_321 = tpu.vector_load_idx %arg6[%add3A_320, %broadcast_in_dim3A_247] : memref<128x200xi32, #tpu.memory_space<vmem>>[vector<16xi32>, vector<16xi32>], vector<16xi32>,
    %swap3A_322 = arith.constant 0 : i32
    %swap3A_323 = arith.constant 3 : i32
    %swap3A_324 = arith.index_cast %swap3A_322 : i32 to index
    %swap3A_325 = arith.index_cast %swap3A_323 : i32 to index
    %swap3A_326 = arith.constant 112 : index
    %swap3A_327 = tpu.vector_load %arg7[%swap3A_324, %swap3A_325, %swap3A_326] {strides = array<i32>} : memref<2x4x128xi32, #tpu.memory_space<vmem>>, vector<16xi32>,
    tpu.vector_store %arg7[%swap3A_324, %swap3A_325, %swap3A_326], %gather3A_321 {strides = array<i32>} : memref<2x4x128xi32, #tpu.memory_space<vmem>>, vector<16xi32>,
    %dma_start3A = arith.constant 0 : i32
    %dma_start3A_328 = arith.constant 0 : i32
    %dma_start3A_329 = arith.constant 0 : i32
    %dma_start3A_330 = arith.constant 0 : i32
    %dma_start3A_331 = arith.constant 0 : i32
    %dma_start3A_332 = arith.constant 0 : i32
    %dma_start3A_333 = tpu.memref_slice %arg8[%dma_start3A_329, %dma_start3A_330, %dma_start3A_331, %dma_start3A_332] : memref<2x4x128x64xf32, #tpu.memory_space<vmem>> -> memref<1x1x128x64xf32, #tpu.memory_space<vmem>>
    %dma_start3A_334 = tpu.memref_squeeze %dma_start3A_333 : memref<1x1x128x64xf32, #tpu.memory_space<vmem>> -> memref<128x64xf32, #tpu.memory_space<vmem>>
    %dma_start3A_335 = arith.constant 0 : i32
    %dma_start3A_336 = tpu.memref_slice %arg7[%dma_start3A, %dma_start3A_328, %dma_start3A_335] : memref<2x4x128xi32, #tpu.memory_space<vmem>> -> memref<1x1x128xi32, #tpu.memory_space<vmem>>
    %dma_start3A_337 = tpu.memref_squeeze %dma_start3A_336 : memref<1x1x128xi32, #tpu.memory_space<vmem>> -> memref<128xi32, #tpu.memory_space<vmem>>
    %dma_start3A_338 = arith.constant 0 : i32
    %dma_start3A_339 = arith.constant 0 : i32
    %dma_start3A_340 = tpu.memref_slice %arg3[%dma_start3A_338, %dma_start3A_339] : memref<100001x64xf32, #tpu.memory_space<hbm>> -> memref<100001x64xf32, #tpu.memory_space<hbm>>
    tpu.enqueue_indirect_dma source(%dma_start3A_340 : memref<100001x64xf32, #tpu.memory_space<hbm>>) target(%dma_start3A_334 : memref<128x64xf32, #tpu.memory_space<vmem>>) offsets(%dma_start3A_337 : memref<128xi32, #tpu.memory_space<vmem>>) semaphore(%arg10 : memref<!tpu.dma_semaphore, #tpu.memory_space<semaphore_mem>>)
    %dma_start3A_341 = arith.constant 0 : i32
    %dma_start3A_342 = arith.constant 1 : i32
    %dma_start3A_343 = arith.constant 0 : i32
    %dma_start3A_344 = arith.constant 1 : i32
    %dma_start3A_345 = arith.constant 0 : i32
    %dma_start3A_346 = arith.constant 0 : i32
    %dma_start3A_347 = tpu.memref_slice %arg8[%dma_start3A_343, %dma_start3A_344, %dma_start3A_345, %dma_start3A_346] : memref<2x4x128x64xf32, #tpu.memory_space<vmem>> -> memref<1x1x128x64xf32, #tpu.memory_space<vmem>>
    %dma_start3A_348 = tpu.memref_squeeze %dma_start3A_347 : memref<1x1x128x64xf32, #tpu.memory_space<vmem>> -> memref<128x64xf32, #tpu.memory_space<vmem>>
    %dma_start3A_349 = arith.constant 0 : i32
    %dma_start3A_350 = tpu.memref_slice %arg7[%dma_start3A_341, %dma_start3A_342, %dma_start3A_349] : memref<2x4x128xi32, #tpu.memory_space<vmem>> -> memref<1x1x128xi32, #tpu.memory_space<vmem>>
    %dma_start3A_351 = tpu.memref_squeeze %dma_start3A_350 : memref<1x1x128xi32, #tpu.memory_space<vmem>> -> memref<128xi32, #tpu.memory_space<vmem>>
    %dma_start3A_352 = arith.constant 0 : i32
    %dma_start3A_353 = arith.constant 0 : i32
    %dma_start3A_354 = tpu.memref_slice %arg3[%dma_start3A_352, %dma_start3A_353] : memref<100001x64xf32, #tpu.memory_space<hbm>> -> memref<100001x64xf32, #tpu.memory_space<hbm>>
    tpu.enqueue_indirect_dma source(%dma_start3A_354 : memref<100001x64xf32, #tpu.memory_space<hbm>>) target(%dma_start3A_348 : memref<128x64xf32, #tpu.memory_space<vmem>>) offsets(%dma_start3A_351 : memref<128xi32, #tpu.memory_space<vmem>>) semaphore(%arg10 : memref<!tpu.dma_semaphore, #tpu.memory_space<semaphore_mem>>)
    %dma_start3A_355 = arith.constant 0 : i32
    %dma_start3A_356 = arith.constant 2 : i32
    %dma_start3A_357 = arith.constant 0 : i32
    %dma_start3A_358 = arith.constant 2 : i32
    %dma_start3A_359 = arith.constant 0 : i32
    %dma_start3A_360 = arith.constant 0 : i32
    %dma_start3A_361 = tpu.memref_slice %arg8[%dma_start3A_357, %dma_start3A_358, %dma_start3A_359, %dma_start3A_360] : memref<2x4x128x64xf32, #tpu.memory_space<vmem>> -> memref<1x1x128x64xf32, #tpu.memory_space<vmem>>
    %dma_start3A_362 = tpu.memref_squeeze %dma_start3A_361 : memref<1x1x128x64xf32, #tpu.memory_space<vmem>> -> memref<128x64xf32, #tpu.memory_space<vmem>>
    %dma_start3A_363 = arith.constant 0 : i32
    %dma_start3A_364 = tpu.memref_slice %arg7[%dma_start3A_355, %dma_start3A_356, %dma_start3A_363] : memref<2x4x128xi32, #tpu.memory_space<vmem>> -> memref<1x1x128xi32, #tpu.memory_space<vmem>>
    %dma_start3A_365 = tpu.memref_squeeze %dma_start3A_364 : memref<1x1x128xi32, #tpu.memory_space<vmem>> -> memref<128xi32, #tpu.memory_space<vmem>>
    %dma_start3A_366 = arith.constant 0 : i32
    %dma_start3A_367 = arith.constant 0 : i32
    %dma_start3A_368 = tpu.memref_slice %arg3[%dma_start3A_366, %dma_start3A_367] : memref<100001x64xf32, #tpu.memory_space<hbm>> -> memref<100001x64xf32, #tpu.memory_space<hbm>>
    tpu.enqueue_indirect_dma source(%dma_start3A_368 : memref<100001x64xf32, #tpu.memory_space<hbm>>) target(%dma_start3A_362 : memref<128x64xf32, #tpu.memory_space<vmem>>) offsets(%dma_start3A_365 : memref<128xi32, #tpu.memory_space<vmem>>) semaphore(%arg10 : memref<!tpu.dma_semaphore, #tpu.memory_space<semaphore_mem>>)
    %dma_start3A_369 = arith.constant 0 : i32
    %dma_start3A_370 = arith.constant 3 : i32
    %dma_start3A_371 = arith.constant 0 : i32
    %dma_start3A_372 = arith.constant 3 : i32
    %dma_start3A_373 = arith.constant 0 : i32
    %dma_start3A_374 = arith.constant 0 : i32
    %dma_start3A_375 = tpu.memref_slice %arg8[%dma_start3A_371, %dma_start3A_372, %dma_start3A_373, %dma_start3A_374] : memref<2x4x128x64xf32, #tpu.memory_space<vmem>> -> memref<1x1x128x64xf32, #tpu.memory_space<vmem>>
    %dma_start3A_376 = tpu.memref_squeeze %dma_start3A_375 : memref<1x1x128x64xf32, #tpu.memory_space<vmem>> -> memref<128x64xf32, #tpu.memory_space<vmem>>
    %dma_start3A_377 = arith.constant 0 : i32
    %dma_start3A_378 = tpu.memref_slice %arg7[%dma_start3A_369, %dma_start3A_370, %dma_start3A_377] : memref<2x4x128xi32, #tpu.memory_space<vmem>> -> memref<1x1x128xi32, #tpu.memory_space<vmem>>
    %dma_start3A_379 = tpu.memref_squeeze %dma_start3A_378 : memref<1x1x128xi32, #tpu.memory_space<vmem>> -> memref<128xi32, #tpu.memory_space<vmem>>
    %dma_start3A_380 = arith.constant 0 : i32
    %dma_start3A_381 = arith.constant 0 : i32
    %dma_start3A_382 = tpu.memref_slice %arg3[%dma_start3A_380, %dma_start3A_381] : memref<100001x64xf32, #tpu.memory_space<hbm>> -> memref<100001x64xf32, #tpu.memory_space<hbm>>
    tpu.enqueue_indirect_dma source(%dma_start3A_382 : memref<100001x64xf32, #tpu.memory_space<hbm>>) target(%dma_start3A_376 : memref<128x64xf32, #tpu.memory_space<vmem>>) offsets(%dma_start3A_379 : memref<128xi32, #tpu.memory_space<vmem>>) semaphore(%arg10 : memref<!tpu.dma_semaphore, #tpu.memory_space<semaphore_mem>>)
    %scan3A = arith.constant 0 : i32
    %scan3A_383 = arith.constant 0 : i32
    %scan3A_384 = arith.constant 25 : i32
    %scan3A_385 = arith.addi %scan3A_383, %scan3A_384 : i32
    %scan3A_386 = arith.constant 1 : i32
    %scan3A_387 = scf.for %scan3A_524 = %scan3A_383 to %scan3A_385 step %scan3A_386 iter_args(%scan3A_525 = %scan3A) -> (i32)  : i32 {
      %mul3A_526 = arith.constant 2 : i32
      %mul3A_527 = arith.muli %scan3A_524, %mul3A_526 : i32
      %add3A_528 = arith.constant 0 : i32
      %add3A_529 = arith.addi %mul3A_527, %add3A_528 : i32
      %add3A_530 = arith.constant 1 : i32
      %add3A_531 = arith.addi %add3A_529, %add3A_530 : i32
      %lt3A = arith.constant 50 : i32
      %lt3A_532 = arith.cmpi slt, %add3A_531, %lt3A : i32
      %convert_element_type3A = arith.extui %lt3A_532 : i1 to i32
      %cond3A = arith.constant 0 : i32
      %cond3A_533 = arith.cmpi ne, %convert_element_type3A, %cond3A : i32
      scf.if %cond3A_533 {
        %ge3A = arith.constant 1 : i32
        %ge3A_1058 = arith.cmpi sge, %add3A_529, %ge3A : i32
        %convert_element_type3A_1059 = arith.extui %ge3A_1058 : i1 to i32
        %cond3A_1060 = arith.constant 0 : i32
        %cond3A_1061 = arith.cmpi ne, %convert_element_type3A_1059, %cond3A_1060 : i32
        scf.if %cond3A_1061 {
          %dma_wait3A_1460 = arith.constant 1 : i32
          %dma_wait3A_1461 = arith.constant 0 : i32
          %dma_wait3A_1462 = arith.constant 0 : i32
          %dma_wait3A_1463 = arith.constant 0 : i32
          %dma_wait3A_1464 = arith.constant 0 : i32
          %dma_wait3A_1465 = tpu.memref_slice %arg8[%dma_wait3A_1460, %dma_wait3A_1461, %dma_wait3A_1463, %dma_wait3A_1464] : memref<2x4x128x64xf32, #tpu.memory_space<vmem>> -> memref<1x1x128x64xf32, #tpu.memory_space<vmem>>
          %dma_wait3A_1466 = tpu.memref_squeeze %dma_wait3A_1465 : memref<1x1x128x64xf32, #tpu.memory_space<vmem>> -> memref<128x64xf32, #tpu.memory_space<vmem>>
          %dma_wait3A_1467 = arith.constant 0 : i32
          %dma_wait3A_1468 = tpu.memref_slice %arg5[%dma_wait3A_1462, %mul3A_2, %dma_wait3A_1467] : memref<100x4096x128xf32, #tpu.memory_space<hbm>> -> memref<1x128x64xf32, #tpu.memory_space<hbm>>
          %dma_wait3A_1469 = tpu.memref_squeeze %dma_wait3A_1468 : memref<1x128x64xf32, #tpu.memory_space<hbm>> -> memref<128x64xf32, #tpu.memory_space<hbm>>
          %dma_wait3A_1470 = arith.constant 0 : i32
          %dma_wait3A_1471 = tpu.memref_slice %arg5[%dma_wait3A_1462, %mul3A_2, %dma_wait3A_1470] : memref<100x4096x128xf32, #tpu.memory_space<hbm>> -> memref<1x128x64xf32, #tpu.memory_space<hbm>>
          %dma_wait3A_1472 = tpu.memref_squeeze %dma_wait3A_1471 : memref<1x128x64xf32, #tpu.memory_space<hbm>> -> memref<128x64xf32, #tpu.memory_space<hbm>>
          %dma_wait3A_1473 = arith.constant 0 : i32
          %dma_wait3A_1474 = arith.constant 0 : i32
          %dma_wait3A_1475 = tpu.memref_slice %arg8[%dma_wait3A_1460, %dma_wait3A_1461, %dma_wait3A_1473, %dma_wait3A_1474] : memref<2x4x128x64xf32, #tpu.memory_space<vmem>> -> memref<1x1x128x64xf32, #tpu.memory_space<vmem>>
          %dma_wait3A_1476 = tpu.memref_squeeze %dma_wait3A_1475 : memref<1x1x128x64xf32, #tpu.memory_space<vmem>> -> memref<128x64xf32, #tpu.memory_space<vmem>>
          tpu.wait_dma2 semaphore(%arg13 : memref<!tpu.dma_semaphore, #tpu.memory_space<semaphore_mem>>) src(%dma_wait3A_1476 : memref<128x64xf32, #tpu.memory_space<vmem>>) dst(%dma_wait3A_1472 : memref<128x64xf32, #tpu.memory_space<hbm>>)
          %dma_wait3A_1477 = arith.constant 1 : i32
          %dma_wait3A_1478 = arith.constant 1 : i32
          %dma_wait3A_1479 = arith.constant 0 : i32
          %dma_wait3A_1480 = arith.constant 0 : i32
          %dma_wait3A_1481 = arith.constant 0 : i32
          %dma_wait3A_1482 = tpu.memref_slice %arg8[%dma_wait3A_1477, %dma_wait3A_1478, %dma_wait3A_1480, %dma_wait3A_1481] : memref<2x4x128x64xf32, #tpu.memory_space<vmem>> -> memref<1x1x128x64xf32, #tpu.memory_space<vmem>>
          %dma_wait3A_1483 = tpu.memref_squeeze %dma_wait3A_1482 : memref<1x1x128x64xf32, #tpu.memory_space<vmem>> -> memref<128x64xf32, #tpu.memory_space<vmem>>
          %dma_wait3A_1484 = arith.constant 64 : i32
          %dma_wait3A_1485 = tpu.memref_slice %arg5[%dma_wait3A_1479, %mul3A_2, %dma_wait3A_1484] : memref<100x4096x128xf32, #tpu.memory_space<hbm>> -> memref<1x128x64xf32, #tpu.memory_space<hbm>>
          %dma_wait3A_1486 = tpu.memref_squeeze %dma_wait3A_1485 : memref<1x128x64xf32, #tpu.memory_space<hbm>> -> memref<128x64xf32, #tpu.memory_space<hbm>>
          %dma_wait3A_1487 = arith.constant 64 : i32
          %dma_wait3A_1488 = tpu.memref_slice %arg5[%dma_wait3A_1479, %mul3A_2, %dma_wait3A_1487] : memref<100x4096x128xf32, #tpu.memory_space<hbm>> -> memref<1x128x64xf32, #tpu.memory_space<hbm>>
          %dma_wait3A_1489 = tpu.memref_squeeze %dma_wait3A_1488 : memref<1x128x64xf32, #tpu.memory_space<hbm>> -> memref<128x64xf32, #tpu.memory_space<hbm>>
          %dma_wait3A_1490 = arith.constant 0 : i32
          %dma_wait3A_1491 = arith.constant 0 : i32
          %dma_wait3A_1492 = tpu.memref_slice %arg8[%dma_wait3A_1477, %dma_wait3A_1478, %dma_wait3A_1490, %dma_wait3A_1491] : memref<2x4x128x64xf32, #tpu.memory_space<vmem>> -> memref<1x1x128x64xf32, #tpu.memory_space<vmem>>
          %dma_wait3A_1493 = tpu.memref_squeeze %dma_wait3A_1492 : memref<1x1x128x64xf32, #tpu.memory_space<vmem>> -> memref<128x64xf32, #tpu.memory_space<vmem>>
          tpu.wait_dma2 semaphore(%arg13 : memref<!tpu.dma_semaphore, #tpu.memory_space<semaphore_mem>>) src(%dma_wait3A_1493 : memref<128x64xf32, #tpu.memory_space<vmem>>) dst(%dma_wait3A_1489 : memref<128x64xf32, #tpu.memory_space<hbm>>)
          %dma_wait3A_1494 = arith.constant 1 : i32
          %dma_wait3A_1495 = arith.constant 2 : i32
          %dma_wait3A_1496 = arith.constant 1 : i32
          %dma_wait3A_1497 = arith.constant 0 : i32
          %dma_wait3A_1498 = arith.constant 0 : i32
          %dma_wait3A_1499 = tpu.memref_slice %arg8[%dma_wait3A_1494, %dma_wait3A_1495, %dma_wait3A_1497, %dma_wait3A_1498] : memref<2x4x128x64xf32, #tpu.memory_space<vmem>> -> memref<1x1x128x64xf32, #tpu.memory_space<vmem>>
          %dma_wait3A_1500 = tpu.memref_squeeze %dma_wait3A_1499 : memref<1x1x128x64xf32, #tpu.memory_space<vmem>> -> memref<128x64xf32, #tpu.memory_space<vmem>>
          %dma_wait3A_1501 = arith.constant 0 : i32
          %dma_wait3A_1502 = tpu.memref_slice %arg5[%dma_wait3A_1496, %mul3A_2, %dma_wait3A_1501] : memref<100x4096x128xf32, #tpu.memory_space<hbm>> -> memref<1x128x64xf32, #tpu.memory_space<hbm>>
          %dma_wait3A_1503 = tpu.memref_squeeze %dma_wait3A_1502 : memref<1x128x64xf32, #tpu.memory_space<hbm>> -> memref<128x64xf32, #tpu.memory_space<hbm>>
          %dma_wait3A_1504 = arith.constant 0 : i32
          %dma_wait3A_1505 = tpu.memref_slice %arg5[%dma_wait3A_1496, %mul3A_2, %dma_wait3A_1504] : memref<100x4096x128xf32, #tpu.memory_space<hbm>> -> memref<1x128x64xf32, #tpu.memory_space<hbm>>
          %dma_wait3A_1506 = tpu.memref_squeeze %dma_wait3A_1505 : memref<1x128x64xf32, #tpu.memory_space<hbm>> -> memref<128x64xf32, #tpu.memory_space<hbm>>
          %dma_wait3A_1507 = arith.constant 0 : i32
          %dma_wait3A_1508 = arith.constant 0 : i32
          %dma_wait3A_1509 = tpu.memref_slice %arg8[%dma_wait3A_1494, %dma_wait3A_1495, %dma_wait3A_1507, %dma_wait3A_1508] : memref<2x4x128x64xf32, #tpu.memory_space<vmem>> -> memref<1x1x128x64xf32, #tpu.memory_space<vmem>>
          %dma_wait3A_1510 = tpu.memref_squeeze %dma_wait3A_1509 : memref<1x1x128x64xf32, #tpu.memory_space<vmem>> -> memref<128x64xf32, #tpu.memory_space<vmem>>
          tpu.wait_dma2 semaphore(%arg13 : memref<!tpu.dma_semaphore, #tpu.memory_space<semaphore_mem>>) src(%dma_wait3A_1510 : memref<128x64xf32, #tpu.memory_space<vmem>>) dst(%dma_wait3A_1506 : memref<128x64xf32, #tpu.memory_space<hbm>>)
          %dma_wait3A_1511 = arith.constant 1 : i32
          %dma_wait3A_1512 = arith.constant 3 : i32
          %dma_wait3A_1513 = arith.constant 1 : i32
          %dma_wait3A_1514 = arith.constant 0 : i32
          %dma_wait3A_1515 = arith.constant 0 : i32
          %dma_wait3A_1516 = tpu.memref_slice %arg8[%dma_wait3A_1511, %dma_wait3A_1512, %dma_wait3A_1514, %dma_wait3A_1515] : memref<2x4x128x64xf32, #tpu.memory_space<vmem>> -> memref<1x1x128x64xf32, #tpu.memory_space<vmem>>
          %dma_wait3A_1517 = tpu.memref_squeeze %dma_wait3A_1516 : memref<1x1x128x64xf32, #tpu.memory_space<vmem>> -> memref<128x64xf32, #tpu.memory_space<vmem>>
          %dma_wait3A_1518 = arith.constant 64 : i32
          %dma_wait3A_1519 = tpu.memref_slice %arg5[%dma_wait3A_1513, %mul3A_2, %dma_wait3A_1518] : memref<100x4096x128xf32, #tpu.memory_space<hbm>> -> memref<1x128x64xf32, #tpu.memory_space<hbm>>
          %dma_wait3A_1520 = tpu.memref_squeeze %dma_wait3A_1519 : memref<1x128x64xf32, #tpu.memory_space<hbm>> -> memref<128x64xf32, #tpu.memory_space<hbm>>
          %dma_wait3A_1521 = arith.constant 64 : i32
          %dma_wait3A_1522 = tpu.memref_slice %arg5[%dma_wait3A_1513, %mul3A_2, %dma_wait3A_1521] : memref<100x4096x128xf32, #tpu.memory_space<hbm>> -> memref<1x128x64xf32, #tpu.memory_space<hbm>>
          %dma_wait3A_1523 = tpu.memref_squeeze %dma_wait3A_1522 : memref<1x128x64xf32, #tpu.memory_space<hbm>> -> memref<128x64xf32, #tpu.memory_space<hbm>>
          %dma_wait3A_1524 = arith.constant 0 : i32
          %dma_wait3A_1525 = arith.constant 0 : i32
          %dma_wait3A_1526 = tpu.memref_slice %arg8[%dma_wait3A_1511, %dma_wait3A_1512, %dma_wait3A_1524, %dma_wait3A_1525] : memref<2x4x128x64xf32, #tpu.memory_space<vmem>> -> memref<1x1x128x64xf32, #tpu.memory_space<vmem>>
          %dma_wait3A_1527 = tpu.memref_squeeze %dma_wait3A_1526 : memref<1x1x128x64xf32, #tpu.memory_space<vmem>> -> memref<128x64xf32, #tpu.memory_space<vmem>>
          tpu.wait_dma2 semaphore(%arg13 : memref<!tpu.dma_semaphore, #tpu.memory_space<semaphore_mem>>) src(%dma_wait3A_1527 : memref<128x64xf32, #tpu.memory_space<vmem>>) dst(%dma_wait3A_1523 : memref<128x64xf32, #tpu.memory_space<hbm>>)
        } else {
        }
        %add3A_1062 = arith.constant 1 : i32
        %add3A_1063 = arith.addi %add3A_529, %add3A_1062 : i32
        %mul3A_1064 = arith.constant 4 : i32
        %mul3A_1065 = arith.muli %mul3A_1064, %add3A_1063 : i32
        %add3A_1066 = arith.constant 0 : i32
        %add3A_1067 = arith.addi %mul3A_1065, %add3A_1066 : i32
        %broadcast_in_dim3A_1068 = vector.broadcast %add3A_1067 : i32 to vector<16xi32>
        %add3A_1069 = arith.constant 0 : i32
        %add3A_1070 = vector.broadcast %add3A_1069 : i32 to vector<16xi32>
        %add3A_1071 = arith.addi %add3A_1070, %iota3A : vector<16xi32>
        %gather3A_1072 = tpu.vector_load_idx %arg6[%add3A_1071, %broadcast_in_dim3A_1068] : memref<128x200xi32, #tpu.memory_space<vmem>>[vector<16xi32>, vector<16xi32>], vector<16xi32>,
        %swap3A_1073 = arith.constant 1 : i32
        %swap3A_1074 = arith.constant 0 : i32
        %swap3A_1075 = arith.index_cast %swap3A_1073 : i32 to index
        %swap3A_1076 = arith.index_cast %swap3A_1074 : i32 to index
        %swap3A_1077 = arith.constant 0 : index
        %swap3A_1078 = tpu.vector_load %arg7[%swap3A_1075, %swap3A_1076, %swap3A_1077] {strides = array<i32>} : memref<2x4x128xi32, #tpu.memory_space<vmem>>, vector<16xi32>,
        tpu.vector_store %arg7[%swap3A_1075, %swap3A_1076, %swap3A_1077], %gather3A_1072 {strides = array<i32>} : memref<2x4x128xi32, #tpu.memory_space<vmem>>, vector<16xi32>,
        %add3A_1079 = arith.constant 16 : i32
        %add3A_1080 = vector.broadcast %add3A_1079 : i32 to vector<16xi32>
        %add3A_1081 = arith.addi %add3A_1080, %iota3A : vector<16xi32>
        %gather3A_1082 = tpu.vector_load_idx %arg6[%add3A_1081, %broadcast_in_dim3A_1068] : memref<128x200xi32, #tpu.memory_space<vmem>>[vector<16xi32>, vector<16xi32>], vector<16xi32>,
        %swap3A_1083 = arith.constant 1 : i32
        %swap3A_1084 = arith.constant 0 : i32
        %swap3A_1085 = arith.index_cast %swap3A_1083 : i32 to index
        %swap3A_1086 = arith.index_cast %swap3A_1084 : i32 to index
        %swap3A_1087 = arith.constant 16 : index
        %swap3A_1088 = tpu.vector_load %arg7[%swap3A_1085, %swap3A_1086, %swap3A_1087] {strides = array<i32>} : memref<2x4x128xi32, #tpu.memory_space<vmem>>, vector<16xi32>,
        tpu.vector_store %arg7[%swap3A_1085, %swap3A_1086, %swap3A_1087], %gather3A_1082 {strides = array<i32>} : memref<2x4x128xi32, #tpu.memory_space<vmem>>, vector<16xi32>,
        %add3A_1089 = arith.constant 32 : i32
        %add3A_1090 = vector.broadcast %add3A_1089 : i32 to vector<16xi32>
        %add3A_1091 = arith.addi %add3A_1090, %iota3A : vector<16xi32>
        %gather3A_1092 = tpu.vector_load_idx %arg6[%add3A_1091, %broadcast_in_dim3A_1068] : memref<128x200xi32, #tpu.memory_space<vmem>>[vector<16xi32>, vector<16xi32>], vector<16xi32>,
        %swap3A_1093 = arith.constant 1 : i32
        %swap3A_1094 = arith.constant 0 : i32
        %swap3A_1095 = arith.index_cast %swap3A_1093 : i32 to index
        %swap3A_1096 = arith.index_cast %swap3A_1094 : i32 to index
        %swap3A_1097 = arith.constant 32 : index
        %swap3A_1098 = tpu.vector_load %arg7[%swap3A_1095, %swap3A_1096, %swap3A_1097] {strides = array<i32>} : memref<2x4x128xi32, #tpu.memory_space<vmem>>, vector<16xi32>,
        tpu.vector_store %arg7[%swap3A_1095, %swap3A_1096, %swap3A_1097], %gather3A_1092 {strides = array<i32>} : memref<2x4x128xi32, #tpu.memory_space<vmem>>, vector<16xi32>,
        %add3A_1099 = arith.constant 48 : i32
        %add3A_1100 = vector.broadcast %add3A_1099 : i32 to vector<16xi32>
        %add3A_1101 = arith.addi %add3A_1100, %iota3A : vector<16xi32>
        %gather3A_1102 = tpu.vector_load_idx %arg6[%add3A_1101, %broadcast_in_dim3A_1068] : memref<128x200xi32, #tpu.memory_space<vmem>>[vector<16xi32>, vector<16xi32>], vector<16xi32>,
        %swap3A_1103 = arith.constant 1 : i32
        %swap3A_1104 = arith.constant 0 : i32
        %swap3A_1105 = arith.index_cast %swap3A_1103 : i32 to index
        %swap3A_1106 = arith.index_cast %swap3A_1104 : i32 to index
        %swap3A_1107 = arith.constant 48 : index
        %swap3A_1108 = tpu.vector_load %arg7[%swap3A_1105, %swap3A_1106, %swap3A_1107] {strides = array<i32>} : memref<2x4x128xi32, #tpu.memory_space<vmem>>, vector<16xi32>,
        tpu.vector_store %arg7[%swap3A_1105, %swap3A_1106, %swap3A_1107], %gather3A_1102 {strides = array<i32>} : memref<2x4x128xi32, #tpu.memory_space<vmem>>, vector<16xi32>,
        %add3A_1109 = arith.constant 64 : i32
        %add3A_1110 = vector.broadcast %add3A_1109 : i32 to vector<16xi32>
        %add3A_1111 = arith.addi %add3A_1110, %iota3A : vector<16xi32>
        %gather3A_1112 = tpu.vector_load_idx %arg6[%add3A_1111, %broadcast_in_dim3A_1068] : memref<128x200xi32, #tpu.memory_space<vmem>>[vector<16xi32>, vector<16xi32>], vector<16xi32>,
        %swap3A_1113 = arith.constant 1 : i32
        %swap3A_1114 = arith.constant 0 : i32
        %swap3A_1115 = arith.index_cast %swap3A_1113 : i32 to index
        %swap3A_1116 = arith.index_cast %swap3A_1114 : i32 to index
        %swap3A_1117 = arith.constant 64 : index
        %swap3A_1118 = tpu.vector_load %arg7[%swap3A_1115, %swap3A_1116, %swap3A_1117] {strides = array<i32>} : memref<2x4x128xi32, #tpu.memory_space<vmem>>, vector<16xi32>,
        tpu.vector_store %arg7[%swap3A_1115, %swap3A_1116, %swap3A_1117], %gather3A_1112 {strides = array<i32>} : memref<2x4x128xi32, #tpu.memory_space<vmem>>, vector<16xi32>,
        %add3A_1119 = arith.constant 80 : i32
        %add3A_1120 = vector.broadcast %add3A_1119 : i32 to vector<16xi32>
        %add3A_1121 = arith.addi %add3A_1120, %iota3A : vector<16xi32>
        %gather3A_1122 = tpu.vector_load_idx %arg6[%add3A_1121, %broadcast_in_dim3A_1068] : memref<128x200xi32, #tpu.memory_space<vmem>>[vector<16xi32>, vector<16xi32>], vector<16xi32>,
        %swap3A_1123 = arith.constant 1 : i32
        %swap3A_1124 = arith.constant 0 : i32
        %swap3A_1125 = arith.index_cast %swap3A_1123 : i32 to index
        %swap3A_1126 = arith.index_cast %swap3A_1124 : i32 to index
        %swap3A_1127 = arith.constant 80 : index
        %swap3A_1128 = tpu.vector_load %arg7[%swap3A_1125, %swap3A_1126, %swap3A_1127] {strides = array<i32>} : memref<2x4x128xi32, #tpu.memory_space<vmem>>, vector<16xi32>,
        tpu.vector_store %arg7[%swap3A_1125, %swap3A_1126, %swap3A_1127], %gather3A_1122 {strides = array<i32>} : memref<2x4x128xi32, #tpu.memory_space<vmem>>, vector<16xi32>,
        %add3A_1129 = arith.constant 96 : i32
        %add3A_1130 = vector.broadcast %add3A_1129 : i32 to vector<16xi32>
        %add3A_1131 = arith.addi %add3A_1130, %iota3A : vector<16xi32>
        %gather3A_1132 = tpu.vector_load_idx %arg6[%add3A_1131, %broadcast_in_dim3A_1068] : memref<128x200xi32, #tpu.memory_space<vmem>>[vector<16xi32>, vector<16xi32>], vector<16xi32>,
        %swap3A_1133 = arith.constant 1 : i32
        %swap3A_1134 = arith.constant 0 : i32
        %swap3A_1135 = arith.index_cast %swap3A_1133 : i32 to index
        %swap3A_1136 = arith.index_cast %swap3A_1134 : i32 to index
        %swap3A_1137 = arith.constant 96 : index
        %swap3A_1138 = tpu.vector_load %arg7[%swap3A_1135, %swap3A_1136, %swap3A_1137] {strides = array<i32>} : memref<2x4x128xi32, #tpu.memory_space<vmem>>, vector<16xi32>,
        tpu.vector_store %arg7[%swap3A_1135, %swap3A_1136, %swap3A_1137], %gather3A_1132 {strides = array<i32>} : memref<2x4x128xi32, #tpu.memory_space<vmem>>, vector<16xi32>,
        %add3A_1139 = arith.constant 112 : i32
        %add3A_1140 = vector.broadcast %add3A_1139 : i32 to vector<16xi32>
        %add3A_1141 = arith.addi %add3A_1140, %iota3A : vector<16xi32>
        %gather3A_1142 = tpu.vector_load_idx %arg6[%add3A_1141, %broadcast_in_dim3A_1068] : memref<128x200xi32, #tpu.memory_space<vmem>>[vector<16xi32>, vector<16xi32>], vector<16xi32>,
        %swap3A_1143 = arith.constant 1 : i32
        %swap3A_1144 = arith.constant 0 : i32
        %swap3A_1145 = arith.index_cast %swap3A_1143 : i32 to index
        %swap3A_1146 = arith.index_cast %swap3A_1144 : i32 to index
        %swap3A_1147 = arith.constant 112 : index
        %swap3A_1148 = tpu.vector_load %arg7[%swap3A_1145, %swap3A_1146, %swap3A_1147] {strides = array<i32>} : memref<2x4x128xi32, #tpu.memory_space<vmem>>, vector<16xi32>,
        tpu.vector_store %arg7[%swap3A_1145, %swap3A_1146, %swap3A_1147], %gather3A_1142 {strides = array<i32>} : memref<2x4x128xi32, #tpu.memory_space<vmem>>, vector<16xi32>,
        %mul3A_1149 = arith.constant 4 : i32
        %mul3A_1150 = arith.muli %mul3A_1149, %add3A_1063 : i32
        %add3A_1151 = arith.constant 1 : i32
        %add3A_1152 = arith.addi %mul3A_1150, %add3A_1151 : i32
        %broadcast_in_dim3A_1153 = vector.broadcast %add3A_1152 : i32 to vector<16xi32>
        %add3A_1154 = arith.constant 0 : i32
        %add3A_1155 = vector.broadcast %add3A_1154 : i32 to vector<16xi32>
        %add3A_1156 = arith.addi %add3A_1155, %iota3A : vector<16xi32>
        %gather3A_1157 = tpu.vector_load_idx %arg6[%add3A_1156, %broadcast_in_dim3A_1153] : memref<128x200xi32, #tpu.memory_space<vmem>>[vector<16xi32>, vector<16xi32>], vector<16xi32>,
        %swap3A_1158 = arith.constant 1 : i32
        %swap3A_1159 = arith.constant 1 : i32
        %swap3A_1160 = arith.index_cast %swap3A_1158 : i32 to index
        %swap3A_1161 = arith.index_cast %swap3A_1159 : i32 to index
        %swap3A_1162 = arith.constant 0 : index
        %swap3A_1163 = tpu.vector_load %arg7[%swap3A_1160, %swap3A_1161, %swap3A_1162] {strides = array<i32>} : memref<2x4x128xi32, #tpu.memory_space<vmem>>, vector<16xi32>,
        tpu.vector_store %arg7[%swap3A_1160, %swap3A_1161, %swap3A_1162], %gather3A_1157 {strides = array<i32>} : memref<2x4x128xi32, #tpu.memory_space<vmem>>, vector<16xi32>,
        %add3A_1164 = arith.constant 16 : i32
        %add3A_1165 = vector.broadcast %add3A_1164 : i32 to vector<16xi32>
        %add3A_1166 = arith.addi %add3A_1165, %iota3A : vector<16xi32>
        %gather3A_1167 = tpu.vector_load_idx %arg6[%add3A_1166, %broadcast_in_dim3A_1153] : memref<128x200xi32, #tpu.memory_space<vmem>>[vector<16xi32>, vector<16xi32>], vector<16xi32>,
        %swap3A_1168 = arith.constant 1 : i32
        %swap3A_1169 = arith.constant 1 : i32
        %swap3A_1170 = arith.index_cast %swap3A_1168 : i32 to index
        %swap3A_1171 = arith.index_cast %swap3A_1169 : i32 to index
        %swap3A_1172 = arith.constant 16 : index
        %swap3A_1173 = tpu.vector_load %arg7[%swap3A_1170, %swap3A_1171, %swap3A_1172] {strides = array<i32>} : memref<2x4x128xi32, #tpu.memory_space<vmem>>, vector<16xi32>,
        tpu.vector_store %arg7[%swap3A_1170, %swap3A_1171, %swap3A_1172], %gather3A_1167 {strides = array<i32>} : memref<2x4x128xi32, #tpu.memory_space<vmem>>, vector<16xi32>,
        %add3A_1174 = arith.constant 32 : i32
        %add3A_1175 = vector.broadcast %add3A_1174 : i32 to vector<16xi32>
        %add3A_1176 = arith.addi %add3A_1175, %iota3A : vector<16xi32>
        %gather3A_1177 = tpu.vector_load_idx %arg6[%add3A_1176, %broadcast_in_dim3A_1153] : memref<128x200xi32, #tpu.memory_space<vmem>>[vector<16xi32>, vector<16xi32>], vector<16xi32>,
        %swap3A_1178 = arith.constant 1 : i32
        %swap3A_1179 = arith.constant 1 : i32
        %swap3A_1180 = arith.index_cast %swap3A_1178 : i32 to index
        %swap3A_1181 = arith.index_cast %swap3A_1179 : i32 to index
        %swap3A_1182 = arith.constant 32 : index
        %swap3A_1183 = tpu.vector_load %arg7[%swap3A_1180, %swap3A_1181, %swap3A_1182] {strides = array<i32>} : memref<2x4x128xi32, #tpu.memory_space<vmem>>, vector<16xi32>,
        tpu.vector_store %arg7[%swap3A_1180, %swap3A_1181, %swap3A_1182], %gather3A_1177 {strides = array<i32>} : memref<2x4x128xi32, #tpu.memory_space<vmem>>, vector<16xi32>,
        %add3A_1184 = arith.constant 48 : i32
        %add3A_1185 = vector.broadcast %add3A_1184 : i32 to vector<16xi32>
        %add3A_1186 = arith.addi %add3A_1185, %iota3A : vector<16xi32>
        %gather3A_1187 = tpu.vector_load_idx %arg6[%add3A_1186, %broadcast_in_dim3A_1153] : memref<128x200xi32, #tpu.memory_space<vmem>>[vector<16xi32>, vector<16xi32>], vector<16xi32>,
        %swap3A_1188 = arith.constant 1 : i32
        %swap3A_1189 = arith.constant 1 : i32
        %swap3A_1190 = arith.index_cast %swap3A_1188 : i32 to index
        %swap3A_1191 = arith.index_cast %swap3A_1189 : i32 to index
        %swap3A_1192 = arith.constant 48 : index
        %swap3A_1193 = tpu.vector_load %arg7[%swap3A_1190, %swap3A_1191, %swap3A_1192] {strides = array<i32>} : memref<2x4x128xi32, #tpu.memory_space<vmem>>, vector<16xi32>,
        tpu.vector_store %arg7[%swap3A_1190, %swap3A_1191, %swap3A_1192], %gather3A_1187 {strides = array<i32>} : memref<2x4x128xi32, #tpu.memory_space<vmem>>, vector<16xi32>,
        %add3A_1194 = arith.constant 64 : i32
        %add3A_1195 = vector.broadcast %add3A_1194 : i32 to vector<16xi32>
        %add3A_1196 = arith.addi %add3A_1195, %iota3A : vector<16xi32>
        %gather3A_1197 = tpu.vector_load_idx %arg6[%add3A_1196, %broadcast_in_dim3A_1153] : memref<128x200xi32, #tpu.memory_space<vmem>>[vector<16xi32>, vector<16xi32>], vector<16xi32>,
        %swap3A_1198 = arith.constant 1 : i32
        %swap3A_1199 = arith.constant 1 : i32
        %swap3A_1200 = arith.index_cast %swap3A_1198 : i32 to index
        %swap3A_1201 = arith.index_cast %swap3A_1199 : i32 to index
        %swap3A_1202 = arith.constant 64 : index
        %swap3A_1203 = tpu.vector_load %arg7[%swap3A_1200, %swap3A_1201, %swap3A_1202] {strides = array<i32>} : memref<2x4x128xi32, #tpu.memory_space<vmem>>, vector<16xi32>,
        tpu.vector_store %arg7[%swap3A_1200, %swap3A_1201, %swap3A_1202], %gather3A_1197 {strides = array<i32>} : memref<2x4x128xi32, #tpu.memory_space<vmem>>, vector<16xi32>,
        %add3A_1204 = arith.constant 80 : i32
        %add3A_1205 = vector.broadcast %add3A_1204 : i32 to vector<16xi32>
        %add3A_1206 = arith.addi %add3A_1205, %iota3A : vector<16xi32>
        %gather3A_1207 = tpu.vector_load_idx %arg6[%add3A_1206, %broadcast_in_dim3A_1153] : memref<128x200xi32, #tpu.memory_space<vmem>>[vector<16xi32>, vector<16xi32>], vector<16xi32>,
        %swap3A_1208 = arith.constant 1 : i32
        %swap3A_1209 = arith.constant 1 : i32
        %swap3A_1210 = arith.index_cast %swap3A_1208 : i32 to index
        %swap3A_1211 = arith.index_cast %swap3A_1209 : i32 to index
        %swap3A_1212 = arith.constant 80 : index
        %swap3A_1213 = tpu.vector_load %arg7[%swap3A_1210, %swap3A_1211, %swap3A_1212] {strides = array<i32>} : memref<2x4x128xi32, #tpu.memory_space<vmem>>, vector<16xi32>,
        tpu.vector_store %arg7[%swap3A_1210, %swap3A_1211, %swap3A_1212], %gather3A_1207 {strides = array<i32>} : memref<2x4x128xi32, #tpu.memory_space<vmem>>, vector<16xi32>,
        %add3A_1214 = arith.constant 96 : i32
        %add3A_1215 = vector.broadcast %add3A_1214 : i32 to vector<16xi32>
        %add3A_1216 = arith.addi %add3A_1215, %iota3A : vector<16xi32>
        %gather3A_1217 = tpu.vector_load_idx %arg6[%add3A_1216, %broadcast_in_dim3A_1153] : memref<128x200xi32, #tpu.memory_space<vmem>>[vector<16xi32>, vector<16xi32>], vector<16xi32>,
        %swap3A_1218 = arith.constant 1 : i32
        %swap3A_1219 = arith.constant 1 : i32
        %swap3A_1220 = arith.index_cast %swap3A_1218 : i32 to index
        %swap3A_1221 = arith.index_cast %swap3A_1219 : i32 to index
        %swap3A_1222 = arith.constant 96 : index
        %swap3A_1223 = tpu.vector_load %arg7[%swap3A_1220, %swap3A_1221, %swap3A_1222] {strides = array<i32>} : memref<2x4x128xi32, #tpu.memory_space<vmem>>, vector<16xi32>,
        tpu.vector_store %arg7[%swap3A_1220, %swap3A_1221, %swap3A_1222], %gather3A_1217 {strides = array<i32>} : memref<2x4x128xi32, #tpu.memory_space<vmem>>, vector<16xi32>,
        %add3A_1224 = arith.constant 112 : i32
        %add3A_1225 = vector.broadcast %add3A_1224 : i32 to vector<16xi32>
        %add3A_1226 = arith.addi %add3A_1225, %iota3A : vector<16xi32>
        %gather3A_1227 = tpu.vector_load_idx %arg6[%add3A_1226, %broadcast_in_dim3A_1153] : memref<128x200xi32, #tpu.memory_space<vmem>>[vector<16xi32>, vector<16xi32>], vector<16xi32>,
        %swap3A_1228 = arith.constant 1 : i32
        %swap3A_1229 = arith.constant 1 : i32
        %swap3A_1230 = arith.index_cast %swap3A_1228 : i32 to index
        %swap3A_1231 = arith.index_cast %swap3A_1229 : i32 to index
        %swap3A_1232 = arith.constant 112 : index
        %swap3A_1233 = tpu.vector_load %arg7[%swap3A_1230, %swap3A_1231, %swap3A_1232] {strides = array<i32>} : memref<2x4x128xi32, #tpu.memory_space<vmem>>, vector<16xi32>,
        tpu.vector_store %arg7[%swap3A_1230, %swap3A_1231, %swap3A_1232], %gather3A_1227 {strides = array<i32>} : memref<2x4x128xi32, #tpu.memory_space<vmem>>, vector<16xi32>,
        %mul3A_1234 = arith.constant 4 : i32
        %mul3A_1235 = arith.muli %mul3A_1234, %add3A_1063 : i32
        %add3A_1236 = arith.constant 2 : i32
        %add3A_1237 = arith.addi %mul3A_1235, %add3A_1236 : i32
        %broadcast_in_dim3A_1238 = vector.broadcast %add3A_1237 : i32 to vector<16xi32>
        %add3A_1239 = arith.constant 0 : i32
        %add3A_1240 = vector.broadcast %add3A_1239 : i32 to vector<16xi32>
        %add3A_1241 = arith.addi %add3A_1240, %iota3A : vector<16xi32>
        %gather3A_1242 = tpu.vector_load_idx %arg6[%add3A_1241, %broadcast_in_dim3A_1238] : memref<128x200xi32, #tpu.memory_space<vmem>>[vector<16xi32>, vector<16xi32>], vector<16xi32>,
        %swap3A_1243 = arith.constant 1 : i32
        %swap3A_1244 = arith.constant 2 : i32
        %swap3A_1245 = arith.index_cast %swap3A_1243 : i32 to index
        %swap3A_1246 = arith.index_cast %swap3A_1244 : i32 to index
        %swap3A_1247 = arith.constant 0 : index
        %swap3A_1248 = tpu.vector_load %arg7[%swap3A_1245, %swap3A_1246, %swap3A_1247] {strides = array<i32>} : memref<2x4x128xi32, #tpu.memory_space<vmem>>, vector<16xi32>,
        tpu.vector_store %arg7[%swap3A_1245, %swap3A_1246, %swap3A_1247], %gather3A_1242 {strides = array<i32>} : memref<2x4x128xi32, #tpu.memory_space<vmem>>, vector<16xi32>,
        %add3A_1249 = arith.constant 16 : i32
        %add3A_1250 = vector.broadcast %add3A_1249 : i32 to vector<16xi32>
        %add3A_1251 = arith.addi %add3A_1250, %iota3A : vector<16xi32>
        %gather3A_1252 = tpu.vector_load_idx %arg6[%add3A_1251, %broadcast_in_dim3A_1238] : memref<128x200xi32, #tpu.memory_space<vmem>>[vector<16xi32>, vector<16xi32>], vector<16xi32>,
        %swap3A_1253 = arith.constant 1 : i32
        %swap3A_1254 = arith.constant 2 : i32
        %swap3A_1255 = arith.index_cast %swap3A_1253 : i32 to index
        %swap3A_1256 = arith.index_cast %swap3A_1254 : i32 to index
        %swap3A_1257 = arith.constant 16 : index
        %swap3A_1258 = tpu.vector_load %arg7[%swap3A_1255, %swap3A_1256, %swap3A_1257] {strides = array<i32>} : memref<2x4x128xi32, #tpu.memory_space<vmem>>, vector<16xi32>,
        tpu.vector_store %arg7[%swap3A_1255, %swap3A_1256, %swap3A_1257], %gather3A_1252 {strides = array<i32>} : memref<2x4x128xi32, #tpu.memory_space<vmem>>, vector<16xi32>,
        %add3A_1259 = arith.constant 32 : i32
        %add3A_1260 = vector.broadcast %add3A_1259 : i32 to vector<16xi32>
        %add3A_1261 = arith.addi %add3A_1260, %iota3A : vector<16xi32>
        %gather3A_1262 = tpu.vector_load_idx %arg6[%add3A_1261, %broadcast_in_dim3A_1238] : memref<128x200xi32, #tpu.memory_space<vmem>>[vector<16xi32>, vector<16xi32>], vector<16xi32>,
        %swap3A_1263 = arith.constant 1 : i32
        %swap3A_1264 = arith.constant 2 : i32
        %swap3A_1265 = arith.index_cast %swap3A_1263 : i32 to index
        %swap3A_1266 = arith.index_cast %swap3A_1264 : i32 to index
        %swap3A_1267 = arith.constant 32 : index
        %swap3A_1268 = tpu.vector_load %arg7[%swap3A_1265, %swap3A_1266, %swap3A_1267] {strides = array<i32>} : memref<2x4x128xi32, #tpu.memory_space<vmem>>, vector<16xi32>,
        tpu.vector_store %arg7[%swap3A_1265, %swap3A_1266, %swap3A_1267], %gather3A_1262 {strides = array<i32>} : memref<2x4x128xi32, #tpu.memory_space<vmem>>, vector<16xi32>,
        %add3A_1269 = arith.constant 48 : i32
        %add3A_1270 = vector.broadcast %add3A_1269 : i32 to vector<16xi32>
        %add3A_1271 = arith.addi %add3A_1270, %iota3A : vector<16xi32>
        %gather3A_1272 = tpu.vector_load_idx %arg6[%add3A_1271, %broadcast_in_dim3A_1238] : memref<128x200xi32, #tpu.memory_space<vmem>>[vector<16xi32>, vector<16xi32>], vector<16xi32>,
        %swap3A_1273 = arith.constant 1 : i32
        %swap3A_1274 = arith.constant 2 : i32
        %swap3A_1275 = arith.index_cast %swap3A_1273 : i32 to index
        %swap3A_1276 = arith.index_cast %swap3A_1274 : i32 to index
        %swap3A_1277 = arith.constant 48 : index
        %swap3A_1278 = tpu.vector_load %arg7[%swap3A_1275, %swap3A_1276, %swap3A_1277] {strides = array<i32>} : memref<2x4x128xi32, #tpu.memory_space<vmem>>, vector<16xi32>,
        tpu.vector_store %arg7[%swap3A_1275, %swap3A_1276, %swap3A_1277], %gather3A_1272 {strides = array<i32>} : memref<2x4x128xi32, #tpu.memory_space<vmem>>, vector<16xi32>,
        %add3A_1279 = arith.constant 64 : i32
        %add3A_1280 = vector.broadcast %add3A_1279 : i32 to vector<16xi32>
        %add3A_1281 = arith.addi %add3A_1280, %iota3A : vector<16xi32>
        %gather3A_1282 = tpu.vector_load_idx %arg6[%add3A_1281, %broadcast_in_dim3A_1238] : memref<128x200xi32, #tpu.memory_space<vmem>>[vector<16xi32>, vector<16xi32>], vector<16xi32>,
        %swap3A_1283 = arith.constant 1 : i32
        %swap3A_1284 = arith.constant 2 : i32
        %swap3A_1285 = arith.index_cast %swap3A_1283 : i32 to index
        %swap3A_1286 = arith.index_cast %swap3A_1284 : i32 to index
        %swap3A_1287 = arith.constant 64 : index
        %swap3A_1288 = tpu.vector_load %arg7[%swap3A_1285, %swap3A_1286, %swap3A_1287] {strides = array<i32>} : memref<2x4x128xi32, #tpu.memory_space<vmem>>, vector<16xi32>,
        tpu.vector_store %arg7[%swap3A_1285, %swap3A_1286, %swap3A_1287], %gather3A_1282 {strides = array<i32>} : memref<2x4x128xi32, #tpu.memory_space<vmem>>, vector<16xi32>,
        %add3A_1289 = arith.constant 80 : i32
        %add3A_1290 = vector.broadcast %add3A_1289 : i32 to vector<16xi32>
        %add3A_1291 = arith.addi %add3A_1290, %iota3A : vector<16xi32>
        %gather3A_1292 = tpu.vector_load_idx %arg6[%add3A_1291, %broadcast_in_dim3A_1238] : memref<128x200xi32, #tpu.memory_space<vmem>>[vector<16xi32>, vector<16xi32>], vector<16xi32>,
        %swap3A_1293 = arith.constant 1 : i32
        %swap3A_1294 = arith.constant 2 : i32
        %swap3A_1295 = arith.index_cast %swap3A_1293 : i32 to index
        %swap3A_1296 = arith.index_cast %swap3A_1294 : i32 to index
        %swap3A_1297 = arith.constant 80 : index
        %swap3A_1298 = tpu.vector_load %arg7[%swap3A_1295, %swap3A_1296, %swap3A_1297] {strides = array<i32>} : memref<2x4x128xi32, #tpu.memory_space<vmem>>, vector<16xi32>,
        tpu.vector_store %arg7[%swap3A_1295, %swap3A_1296, %swap3A_1297], %gather3A_1292 {strides = array<i32>} : memref<2x4x128xi32, #tpu.memory_space<vmem>>, vector<16xi32>,
        %add3A_1299 = arith.constant 96 : i32
        %add3A_1300 = vector.broadcast %add3A_1299 : i32 to vector<16xi32>
        %add3A_1301 = arith.addi %add3A_1300, %iota3A : vector<16xi32>
        %gather3A_1302 = tpu.vector_load_idx %arg6[%add3A_1301, %broadcast_in_dim3A_1238] : memref<128x200xi32, #tpu.memory_space<vmem>>[vector<16xi32>, vector<16xi32>], vector<16xi32>,
        %swap3A_1303 = arith.constant 1 : i32
        %swap3A_1304 = arith.constant 2 : i32
        %swap3A_1305 = arith.index_cast %swap3A_1303 : i32 to index
        %swap3A_1306 = arith.index_cast %swap3A_1304 : i32 to index
        %swap3A_1307 = arith.constant 96 : index
        %swap3A_1308 = tpu.vector_load %arg7[%swap3A_1305, %swap3A_1306, %swap3A_1307] {strides = array<i32>} : memref<2x4x128xi32, #tpu.memory_space<vmem>>, vector<16xi32>,
        tpu.vector_store %arg7[%swap3A_1305, %swap3A_1306, %swap3A_1307], %gather3A_1302 {strides = array<i32>} : memref<2x4x128xi32, #tpu.memory_space<vmem>>, vector<16xi32>,
        %add3A_1309 = arith.constant 112 : i32
        %add3A_1310 = vector.broadcast %add3A_1309 : i32 to vector<16xi32>
        %add3A_1311 = arith.addi %add3A_1310, %iota3A : vector<16xi32>
        %gather3A_1312 = tpu.vector_load_idx %arg6[%add3A_1311, %broadcast_in_dim3A_1238] : memref<128x200xi32, #tpu.memory_space<vmem>>[vector<16xi32>, vector<16xi32>], vector<16xi32>,
        %swap3A_1313 = arith.constant 1 : i32
        %swap3A_1314 = arith.constant 2 : i32
        %swap3A_1315 = arith.index_cast %swap3A_1313 : i32 to index
        %swap3A_1316 = arith.index_cast %swap3A_1314 : i32 to index
        %swap3A_1317 = arith.constant 112 : index
        %swap3A_1318 = tpu.vector_load %arg7[%swap3A_1315, %swap3A_1316, %swap3A_1317] {strides = array<i32>} : memref<2x4x128xi32, #tpu.memory_space<vmem>>, vector<16xi32>,
        tpu.vector_store %arg7[%swap3A_1315, %swap3A_1316, %swap3A_1317], %gather3A_1312 {strides = array<i32>} : memref<2x4x128xi32, #tpu.memory_space<vmem>>, vector<16xi32>,
        %mul3A_1319 = arith.constant 4 : i32
        %mul3A_1320 = arith.muli %mul3A_1319, %add3A_1063 : i32
        %add3A_1321 = arith.constant 3 : i32
        %add3A_1322 = arith.addi %mul3A_1320, %add3A_1321 : i32
        %broadcast_in_dim3A_1323 = vector.broadcast %add3A_1322 : i32 to vector<16xi32>
        %add3A_1324 = arith.constant 0 : i32
        %add3A_1325 = vector.broadcast %add3A_1324 : i32 to vector<16xi32>
        %add3A_1326 = arith.addi %add3A_1325, %iota3A : vector<16xi32>
        %gather3A_1327 = tpu.vector_load_idx %arg6[%add3A_1326, %broadcast_in_dim3A_1323] : memref<128x200xi32, #tpu.memory_space<vmem>>[vector<16xi32>, vector<16xi32>], vector<16xi32>,
        %swap3A_1328 = arith.constant 1 : i32
        %swap3A_1329 = arith.constant 3 : i32
        %swap3A_1330 = arith.index_cast %swap3A_1328 : i32 to index
        %swap3A_1331 = arith.index_cast %swap3A_1329 : i32 to index
        %swap3A_1332 = arith.constant 0 : index
        %swap3A_1333 = tpu.vector_load %arg7[%swap3A_1330, %swap3A_1331, %swap3A_1332] {strides = array<i32>} : memref<2x4x128xi32, #tpu.memory_space<vmem>>, vector<16xi32>,
        tpu.vector_store %arg7[%swap3A_1330, %swap3A_1331, %swap3A_1332], %gather3A_1327 {strides = array<i32>} : memref<2x4x128xi32, #tpu.memory_space<vmem>>, vector<16xi32>,
        %add3A_1334 = arith.constant 16 : i32
        %add3A_1335 = vector.broadcast %add3A_1334 : i32 to vector<16xi32>
        %add3A_1336 = arith.addi %add3A_1335, %iota3A : vector<16xi32>
        %gather3A_1337 = tpu.vector_load_idx %arg6[%add3A_1336, %broadcast_in_dim3A_1323] : memref<128x200xi32, #tpu.memory_space<vmem>>[vector<16xi32>, vector<16xi32>], vector<16xi32>,
        %swap3A_1338 = arith.constant 1 : i32
        %swap3A_1339 = arith.constant 3 : i32
        %swap3A_1340 = arith.index_cast %swap3A_1338 : i32 to index
        %swap3A_1341 = arith.index_cast %swap3A_1339 : i32 to index
        %swap3A_1342 = arith.constant 16 : index
        %swap3A_1343 = tpu.vector_load %arg7[%swap3A_1340, %swap3A_1341, %swap3A_1342] {strides = array<i32>} : memref<2x4x128xi32, #tpu.memory_space<vmem>>, vector<16xi32>,
        tpu.vector_store %arg7[%swap3A_1340, %swap3A_1341, %swap3A_1342], %gather3A_1337 {strides = array<i32>} : memref<2x4x128xi32, #tpu.memory_space<vmem>>, vector<16xi32>,
        %add3A_1344 = arith.constant 32 : i32
        %add3A_1345 = vector.broadcast %add3A_1344 : i32 to vector<16xi32>
        %add3A_1346 = arith.addi %add3A_1345, %iota3A : vector<16xi32>
        %gather3A_1347 = tpu.vector_load_idx %arg6[%add3A_1346, %broadcast_in_dim3A_1323] : memref<128x200xi32, #tpu.memory_space<vmem>>[vector<16xi32>, vector<16xi32>], vector<16xi32>,
        %swap3A_1348 = arith.constant 1 : i32
        %swap3A_1349 = arith.constant 3 : i32
        %swap3A_1350 = arith.index_cast %swap3A_1348 : i32 to index
        %swap3A_1351 = arith.index_cast %swap3A_1349 : i32 to index
        %swap3A_1352 = arith.constant 32 : index
        %swap3A_1353 = tpu.vector_load %arg7[%swap3A_1350, %swap3A_1351, %swap3A_1352] {strides = array<i32>} : memref<2x4x128xi32, #tpu.memory_space<vmem>>, vector<16xi32>,
        tpu.vector_store %arg7[%swap3A_1350, %swap3A_1351, %swap3A_1352], %gather3A_1347 {strides = array<i32>} : memref<2x4x128xi32, #tpu.memory_space<vmem>>, vector<16xi32>,
        %add3A_1354 = arith.constant 48 : i32
        %add3A_1355 = vector.broadcast %add3A_1354 : i32 to vector<16xi32>
        %add3A_1356 = arith.addi %add3A_1355, %iota3A : vector<16xi32>
        %gather3A_1357 = tpu.vector_load_idx %arg6[%add3A_1356, %broadcast_in_dim3A_1323] : memref<128x200xi32, #tpu.memory_space<vmem>>[vector<16xi32>, vector<16xi32>], vector<16xi32>,
        %swap3A_1358 = arith.constant 1 : i32
        %swap3A_1359 = arith.constant 3 : i32
        %swap3A_1360 = arith.index_cast %swap3A_1358 : i32 to index
        %swap3A_1361 = arith.index_cast %swap3A_1359 : i32 to index
        %swap3A_1362 = arith.constant 48 : index
        %swap3A_1363 = tpu.vector_load %arg7[%swap3A_1360, %swap3A_1361, %swap3A_1362] {strides = array<i32>} : memref<2x4x128xi32, #tpu.memory_space<vmem>>, vector<16xi32>,
        tpu.vector_store %arg7[%swap3A_1360, %swap3A_1361, %swap3A_1362], %gather3A_1357 {strides = array<i32>} : memref<2x4x128xi32, #tpu.memory_space<vmem>>, vector<16xi32>,
        %add3A_1364 = arith.constant 64 : i32
        %add3A_1365 = vector.broadcast %add3A_1364 : i32 to vector<16xi32>
        %add3A_1366 = arith.addi %add3A_1365, %iota3A : vector<16xi32>
        %gather3A_1367 = tpu.vector_load_idx %arg6[%add3A_1366, %broadcast_in_dim3A_1323] : memref<128x200xi32, #tpu.memory_space<vmem>>[vector<16xi32>, vector<16xi32>], vector<16xi32>,
        %swap3A_1368 = arith.constant 1 : i32
        %swap3A_1369 = arith.constant 3 : i32
        %swap3A_1370 = arith.index_cast %swap3A_1368 : i32 to index
        %swap3A_1371 = arith.index_cast %swap3A_1369 : i32 to index
        %swap3A_1372 = arith.constant 64 : index
        %swap3A_1373 = tpu.vector_load %arg7[%swap3A_1370, %swap3A_1371, %swap3A_1372] {strides = array<i32>} : memref<2x4x128xi32, #tpu.memory_space<vmem>>, vector<16xi32>,
        tpu.vector_store %arg7[%swap3A_1370, %swap3A_1371, %swap3A_1372], %gather3A_1367 {strides = array<i32>} : memref<2x4x128xi32, #tpu.memory_space<vmem>>, vector<16xi32>,
        %add3A_1374 = arith.constant 80 : i32
        %add3A_1375 = vector.broadcast %add3A_1374 : i32 to vector<16xi32>
        %add3A_1376 = arith.addi %add3A_1375, %iota3A : vector<16xi32>
        %gather3A_1377 = tpu.vector_load_idx %arg6[%add3A_1376, %broadcast_in_dim3A_1323] : memref<128x200xi32, #tpu.memory_space<vmem>>[vector<16xi32>, vector<16xi32>], vector<16xi32>,
        %swap3A_1378 = arith.constant 1 : i32
        %swap3A_1379 = arith.constant 3 : i32
        %swap3A_1380 = arith.index_cast %swap3A_1378 : i32 to index
        %swap3A_1381 = arith.index_cast %swap3A_1379 : i32 to index
        %swap3A_1382 = arith.constant 80 : index
        %swap3A_1383 = tpu.vector_load %arg7[%swap3A_1380, %swap3A_1381, %swap3A_1382] {strides = array<i32>} : memref<2x4x128xi32, #tpu.memory_space<vmem>>, vector<16xi32>,
        tpu.vector_store %arg7[%swap3A_1380, %swap3A_1381, %swap3A_1382], %gather3A_1377 {strides = array<i32>} : memref<2x4x128xi32, #tpu.memory_space<vmem>>, vector<16xi32>,
        %add3A_1384 = arith.constant 96 : i32
        %add3A_1385 = vector.broadcast %add3A_1384 : i32 to vector<16xi32>
        %add3A_1386 = arith.addi %add3A_1385, %iota3A : vector<16xi32>
        %gather3A_1387 = tpu.vector_load_idx %arg6[%add3A_1386, %broadcast_in_dim3A_1323] : memref<128x200xi32, #tpu.memory_space<vmem>>[vector<16xi32>, vector<16xi32>], vector<16xi32>,
        %swap3A_1388 = arith.constant 1 : i32
        %swap3A_1389 = arith.constant 3 : i32
        %swap3A_1390 = arith.index_cast %swap3A_1388 : i32 to index
        %swap3A_1391 = arith.index_cast %swap3A_1389 : i32 to index
        %swap3A_1392 = arith.constant 96 : index
        %swap3A_1393 = tpu.vector_load %arg7[%swap3A_1390, %swap3A_1391, %swap3A_1392] {strides = array<i32>} : memref<2x4x128xi32, #tpu.memory_space<vmem>>, vector<16xi32>,
        tpu.vector_store %arg7[%swap3A_1390, %swap3A_1391, %swap3A_1392], %gather3A_1387 {strides = array<i32>} : memref<2x4x128xi32, #tpu.memory_space<vmem>>, vector<16xi32>,
        %add3A_1394 = arith.constant 112 : i32
        %add3A_1395 = vector.broadcast %add3A_1394 : i32 to vector<16xi32>
        %add3A_1396 = arith.addi %add3A_1395, %iota3A : vector<16xi32>
        %gather3A_1397 = tpu.vector_load_idx %arg6[%add3A_1396, %broadcast_in_dim3A_1323] : memref<128x200xi32, #tpu.memory_space<vmem>>[vector<16xi32>, vector<16xi32>], vector<16xi32>,
        %swap3A_1398 = arith.constant 1 : i32
        %swap3A_1399 = arith.constant 3 : i32
        %swap3A_1400 = arith.index_cast %swap3A_1398 : i32 to index
        %swap3A_1401 = arith.index_cast %swap3A_1399 : i32 to index
        %swap3A_1402 = arith.constant 112 : index
        %swap3A_1403 = tpu.vector_load %arg7[%swap3A_1400, %swap3A_1401, %swap3A_1402] {strides = array<i32>} : memref<2x4x128xi32, #tpu.memory_space<vmem>>, vector<16xi32>,
        tpu.vector_store %arg7[%swap3A_1400, %swap3A_1401, %swap3A_1402], %gather3A_1397 {strides = array<i32>} : memref<2x4x128xi32, #tpu.memory_space<vmem>>, vector<16xi32>,
        %dma_start3A_1404 = arith.constant 1 : i32
        %dma_start3A_1405 = arith.constant 0 : i32
        %dma_start3A_1406 = arith.constant 1 : i32
        %dma_start3A_1407 = arith.constant 0 : i32
        %dma_start3A_1408 = arith.constant 0 : i32
        %dma_start3A_1409 = arith.constant 0 : i32
        %dma_start3A_1410 = tpu.memref_slice %arg8[%dma_start3A_1406, %dma_start3A_1407, %dma_start3A_1408, %dma_start3A_1409] : memref<2x4x128x64xf32, #tpu.memory_space<vmem>> -> memref<1x1x128x64xf32, #tpu.memory_space<vmem>>
        %dma_start3A_1411 = tpu.memref_squeeze %dma_start3A_1410 : memref<1x1x128x64xf32, #tpu.memory_space<vmem>> -> memref<128x64xf32, #tpu.memory_space<vmem>>
        %dma_start3A_1412 = arith.constant 0 : i32
        %dma_start3A_1413 = tpu.memref_slice %arg7[%dma_start3A_1404, %dma_start3A_1405, %dma_start3A_1412] : memref<2x4x128xi32, #tpu.memory_space<vmem>> -> memref<1x1x128xi32, #tpu.memory_space<vmem>>
        %dma_start3A_1414 = tpu.memref_squeeze %dma_start3A_1413 : memref<1x1x128xi32, #tpu.memory_space<vmem>> -> memref<128xi32, #tpu.memory_space<vmem>>
        %dma_start3A_1415 = arith.constant 0 : i32
        %dma_start3A_1416 = arith.constant 0 : i32
        %dma_start3A_1417 = tpu.memref_slice %arg3[%dma_start3A_1415, %dma_start3A_1416] : memref<100001x64xf32, #tpu.memory_space<hbm>> -> memref<100001x64xf32, #tpu.memory_space<hbm>>
        tpu.enqueue_indirect_dma source(%dma_start3A_1417 : memref<100001x64xf32, #tpu.memory_space<hbm>>) target(%dma_start3A_1411 : memref<128x64xf32, #tpu.memory_space<vmem>>) offsets(%dma_start3A_1414 : memref<128xi32, #tpu.memory_space<vmem>>) semaphore(%arg11 : memref<!tpu.dma_semaphore, #tpu.memory_space<semaphore_mem>>)
        %dma_start3A_1418 = arith.constant 1 : i32
        %dma_start3A_1419 = arith.constant 1 : i32
        %dma_start3A_1420 = arith.constant 1 : i32
        %dma_start3A_1421 = arith.constant 1 : i32
        %dma_start3A_1422 = arith.constant 0 : i32
        %dma_start3A_1423 = arith.constant 0 : i32
        %dma_start3A_1424 = tpu.memref_slice %arg8[%dma_start3A_1420, %dma_start3A_1421, %dma_start3A_1422, %dma_start3A_1423] : memref<2x4x128x64xf32, #tpu.memory_space<vmem>> -> memref<1x1x128x64xf32, #tpu.memory_space<vmem>>
        %dma_start3A_1425 = tpu.memref_squeeze %dma_start3A_1424 : memref<1x1x128x64xf32, #tpu.memory_space<vmem>> -> memref<128x64xf32, #tpu.memory_space<vmem>>
        %dma_start3A_1426 = arith.constant 0 : i32
        %dma_start3A_1427 = tpu.memref_slice %arg7[%dma_start3A_1418, %dma_start3A_1419, %dma_start3A_1426] : memref<2x4x128xi32, #tpu.memory_space<vmem>> -> memref<1x1x128xi32, #tpu.memory_space<vmem>>
        %dma_start3A_1428 = tpu.memref_squeeze %dma_start3A_1427 : memref<1x1x128xi32, #tpu.memory_space<vmem>> -> memref<128xi32, #tpu.memory_space<vmem>>
        %dma_start3A_1429 = arith.constant 0 : i32
        %dma_start3A_1430 = arith.constant 0 : i32
        %dma_start3A_1431 = tpu.memref_slice %arg3[%dma_start3A_1429, %dma_start3A_1430] : memref<100001x64xf32, #tpu.memory_space<hbm>> -> memref<100001x64xf32, #tpu.memory_space<hbm>>
        tpu.enqueue_indirect_dma source(%dma_start3A_1431 : memref<100001x64xf32, #tpu.memory_space<hbm>>) target(%dma_start3A_1425 : memref<128x64xf32, #tpu.memory_space<vmem>>) offsets(%dma_start3A_1428 : memref<128xi32, #tpu.memory_space<vmem>>) semaphore(%arg11 : memref<!tpu.dma_semaphore, #tpu.memory_space<semaphore_mem>>)
        %dma_start3A_1432 = arith.constant 1 : i32
        %dma_start3A_1433 = arith.constant 2 : i32
        %dma_start3A_1434 = arith.constant 1 : i32
        %dma_start3A_1435 = arith.constant 2 : i32
        %dma_start3A_1436 = arith.constant 0 : i32
        %dma_start3A_1437 = arith.constant 0 : i32
        %dma_start3A_1438 = tpu.memref_slice %arg8[%dma_start3A_1434, %dma_start3A_1435, %dma_start3A_1436, %dma_start3A_1437] : memref<2x4x128x64xf32, #tpu.memory_space<vmem>> -> memref<1x1x128x64xf32, #tpu.memory_space<vmem>>
        %dma_start3A_1439 = tpu.memref_squeeze %dma_start3A_1438 : memref<1x1x128x64xf32, #tpu.memory_space<vmem>> -> memref<128x64xf32, #tpu.memory_space<vmem>>
        %dma_start3A_1440 = arith.constant 0 : i32
        %dma_start3A_1441 = tpu.memref_slice %arg7[%dma_start3A_1432, %dma_start3A_1433, %dma_start3A_1440] : memref<2x4x128xi32, #tpu.memory_space<vmem>> -> memref<1x1x128xi32, #tpu.memory_space<vmem>>
        %dma_start3A_1442 = tpu.memref_squeeze %dma_start3A_1441 : memref<1x1x128xi32, #tpu.memory_space<vmem>> -> memref<128xi32, #tpu.memory_space<vmem>>
        %dma_start3A_1443 = arith.constant 0 : i32
        %dma_start3A_1444 = arith.constant 0 : i32
        %dma_start3A_1445 = tpu.memref_slice %arg3[%dma_start3A_1443, %dma_start3A_1444] : memref<100001x64xf32, #tpu.memory_space<hbm>> -> memref<100001x64xf32, #tpu.memory_space<hbm>>
        tpu.enqueue_indirect_dma source(%dma_start3A_1445 : memref<100001x64xf32, #tpu.memory_space<hbm>>) target(%dma_start3A_1439 : memref<128x64xf32, #tpu.memory_space<vmem>>) offsets(%dma_start3A_1442 : memref<128xi32, #tpu.memory_space<vmem>>) semaphore(%arg11 : memref<!tpu.dma_semaphore, #tpu.memory_space<semaphore_mem>>)
        %dma_start3A_1446 = arith.constant 1 : i32
        %dma_start3A_1447 = arith.constant 3 : i32
        %dma_start3A_1448 = arith.constant 1 : i32
        %dma_start3A_1449 = arith.constant 3 : i32
        %dma_start3A_1450 = arith.constant 0 : i32
        %dma_start3A_1451 = arith.constant 0 : i32
        %dma_start3A_1452 = tpu.memref_slice %arg8[%dma_start3A_1448, %dma_start3A_1449, %dma_start3A_1450, %dma_start3A_1451] : memref<2x4x128x64xf32, #tpu.memory_space<vmem>> -> memref<1x1x128x64xf32, #tpu.memory_space<vmem>>
        %dma_start3A_1453 = tpu.memref_squeeze %dma_start3A_1452 : memref<1x1x128x64xf32, #tpu.memory_space<vmem>> -> memref<128x64xf32, #tpu.memory_space<vmem>>
        %dma_start3A_1454 = arith.constant 0 : i32
        %dma_start3A_1455 = tpu.memref_slice %arg7[%dma_start3A_1446, %dma_start3A_1447, %dma_start3A_1454] : memref<2x4x128xi32, #tpu.memory_space<vmem>> -> memref<1x1x128xi32, #tpu.memory_space<vmem>>
        %dma_start3A_1456 = tpu.memref_squeeze %dma_start3A_1455 : memref<1x1x128xi32, #tpu.memory_space<vmem>> -> memref<128xi32, #tpu.memory_space<vmem>>
        %dma_start3A_1457 = arith.constant 0 : i32
        %dma_start3A_1458 = arith.constant 0 : i32
        %dma_start3A_1459 = tpu.memref_slice %arg3[%dma_start3A_1457, %dma_start3A_1458] : memref<100001x64xf32, #tpu.memory_space<hbm>> -> memref<100001x64xf32, #tpu.memory_space<hbm>>
        tpu.enqueue_indirect_dma source(%dma_start3A_1459 : memref<100001x64xf32, #tpu.memory_space<hbm>>) target(%dma_start3A_1453 : memref<128x64xf32, #tpu.memory_space<vmem>>) offsets(%dma_start3A_1456 : memref<128xi32, #tpu.memory_space<vmem>>) semaphore(%arg11 : memref<!tpu.dma_semaphore, #tpu.memory_space<semaphore_mem>>)
      } else {
      }
      %dma_wait3A_534 = arith.constant 0 : i32
      %dma_wait3A_535 = arith.constant 0 : i32
      %dma_wait3A_536 = arith.constant 0 : i32
      %dma_wait3A_537 = arith.constant 0 : i32
      %dma_wait3A_538 = arith.constant 0 : i32
      %dma_wait3A_539 = arith.constant 0 : i32
      %dma_wait3A_540 = tpu.memref_slice %arg8[%dma_wait3A_536, %dma_wait3A_537, %dma_wait3A_538, %dma_wait3A_539] : memref<2x4x128x64xf32, #tpu.memory_space<vmem>> -> memref<1x1x128x64xf32, #tpu.memory_space<vmem>>
      %dma_wait3A_541 = tpu.memref_squeeze %dma_wait3A_540 : memref<1x1x128x64xf32, #tpu.memory_space<vmem>> -> memref<128x64xf32, #tpu.memory_space<vmem>>
      %dma_wait3A_542 = arith.constant 0 : i32
      %dma_wait3A_543 = tpu.memref_slice %arg7[%dma_wait3A_534, %dma_wait3A_535, %dma_wait3A_542] : memref<2x4x128xi32, #tpu.memory_space<vmem>> -> memref<1x1x128xi32, #tpu.memory_space<vmem>>
      %dma_wait3A_544 = tpu.memref_squeeze %dma_wait3A_543 : memref<1x1x128xi32, #tpu.memory_space<vmem>> -> memref<128xi32, #tpu.memory_space<vmem>>
      %dma_wait3A_545 = arith.constant 0 : i32
      %dma_wait3A_546 = arith.constant 0 : i32
      %dma_wait3A_547 = tpu.memref_slice %arg3[%dma_wait3A_545, %dma_wait3A_546] : memref<100001x64xf32, #tpu.memory_space<hbm>> -> memref<100001x64xf32, #tpu.memory_space<hbm>>
      tpu.wait_indirect_dma semaphore(%arg10 : memref<!tpu.dma_semaphore, #tpu.memory_space<semaphore_mem>>) src(%dma_wait3A_547 : memref<100001x64xf32, #tpu.memory_space<hbm>>) dst(%dma_wait3A_541 : memref<128x64xf32, #tpu.memory_space<vmem>>)
      %dma_wait3A_548 = arith.constant 0 : i32
      %dma_wait3A_549 = arith.constant 1 : i32
      %dma_wait3A_550 = arith.constant 0 : i32
      %dma_wait3A_551 = arith.constant 1 : i32
      %dma_wait3A_552 = arith.constant 0 : i32
      %dma_wait3A_553 = arith.constant 0 : i32
      %dma_wait3A_554 = tpu.memref_slice %arg8[%dma_wait3A_550, %dma_wait3A_551, %dma_wait3A_552, %dma_wait3A_553] : memref<2x4x128x64xf32, #tpu.memory_space<vmem>> -> memref<1x1x128x64xf32, #tpu.memory_space<vmem>>
      %dma_wait3A_555 = tpu.memref_squeeze %dma_wait3A_554 : memref<1x1x128x64xf32, #tpu.memory_space<vmem>> -> memref<128x64xf32, #tpu.memory_space<vmem>>
      %dma_wait3A_556 = arith.constant 0 : i32
      %dma_wait3A_557 = tpu.memref_slice %arg7[%dma_wait3A_548, %dma_wait3A_549, %dma_wait3A_556] : memref<2x4x128xi32, #tpu.memory_space<vmem>> -> memref<1x1x128xi32, #tpu.memory_space<vmem>>
      %dma_wait3A_558 = tpu.memref_squeeze %dma_wait3A_557 : memref<1x1x128xi32, #tpu.memory_space<vmem>> -> memref<128xi32, #tpu.memory_space<vmem>>
      %dma_wait3A_559 = arith.constant 0 : i32
      %dma_wait3A_560 = arith.constant 0 : i32
      %dma_wait3A_561 = tpu.memref_slice %arg3[%dma_wait3A_559, %dma_wait3A_560] : memref<100001x64xf32, #tpu.memory_space<hbm>> -> memref<100001x64xf32, #tpu.memory_space<hbm>>
      tpu.wait_indirect_dma semaphore(%arg10 : memref<!tpu.dma_semaphore, #tpu.memory_space<semaphore_mem>>) src(%dma_wait3A_561 : memref<100001x64xf32, #tpu.memory_space<hbm>>) dst(%dma_wait3A_555 : memref<128x64xf32, #tpu.memory_space<vmem>>)
      %dma_wait3A_562 = arith.constant 0 : i32
      %dma_wait3A_563 = arith.constant 2 : i32
      %dma_wait3A_564 = arith.constant 0 : i32
      %dma_wait3A_565 = arith.constant 2 : i32
      %dma_wait3A_566 = arith.constant 0 : i32
      %dma_wait3A_567 = arith.constant 0 : i32
      %dma_wait3A_568 = tpu.memref_slice %arg8[%dma_wait3A_564, %dma_wait3A_565, %dma_wait3A_566, %dma_wait3A_567] : memref<2x4x128x64xf32, #tpu.memory_space<vmem>> -> memref<1x1x128x64xf32, #tpu.memory_space<vmem>>
      %dma_wait3A_569 = tpu.memref_squeeze %dma_wait3A_568 : memref<1x1x128x64xf32, #tpu.memory_space<vmem>> -> memref<128x64xf32, #tpu.memory_space<vmem>>
      %dma_wait3A_570 = arith.constant 0 : i32
      %dma_wait3A_571 = tpu.memref_slice %arg7[%dma_wait3A_562, %dma_wait3A_563, %dma_wait3A_570] : memref<2x4x128xi32, #tpu.memory_space<vmem>> -> memref<1x1x128xi32, #tpu.memory_space<vmem>>
      %dma_wait3A_572 = tpu.memref_squeeze %dma_wait3A_571 : memref<1x1x128xi32, #tpu.memory_space<vmem>> -> memref<128xi32, #tpu.memory_space<vmem>>
      %dma_wait3A_573 = arith.constant 0 : i32
      %dma_wait3A_574 = arith.constant 0 : i32
      %dma_wait3A_575 = tpu.memref_slice %arg3[%dma_wait3A_573, %dma_wait3A_574] : memref<100001x64xf32, #tpu.memory_space<hbm>> -> memref<100001x64xf32, #tpu.memory_space<hbm>>
      tpu.wait_indirect_dma semaphore(%arg10 : memref<!tpu.dma_semaphore, #tpu.memory_space<semaphore_mem>>) src(%dma_wait3A_575 : memref<100001x64xf32, #tpu.memory_space<hbm>>) dst(%dma_wait3A_569 : memref<128x64xf32, #tpu.memory_space<vmem>>)
      %dma_wait3A_576 = arith.constant 0 : i32
      %dma_wait3A_577 = arith.constant 3 : i32
      %dma_wait3A_578 = arith.constant 0 : i32
      %dma_wait3A_579 = arith.constant 3 : i32
      %dma_wait3A_580 = arith.constant 0 : i32
      %dma_wait3A_581 = arith.constant 0 : i32
      %dma_wait3A_582 = tpu.memref_slice %arg8[%dma_wait3A_578, %dma_wait3A_579, %dma_wait3A_580, %dma_wait3A_581] : memref<2x4x128x64xf32, #tpu.memory_space<vmem>> -> memref<1x1x128x64xf32, #tpu.memory_space<vmem>>
      %dma_wait3A_583 = tpu.memref_squeeze %dma_wait3A_582 : memref<1x1x128x64xf32, #tpu.memory_space<vmem>> -> memref<128x64xf32, #tpu.memory_space<vmem>>
      %dma_wait3A_584 = arith.constant 0 : i32
      %dma_wait3A_585 = tpu.memref_slice %arg7[%dma_wait3A_576, %dma_wait3A_577, %dma_wait3A_584] : memref<2x4x128xi32, #tpu.memory_space<vmem>> -> memref<1x1x128xi32, #tpu.memory_space<vmem>>
      %dma_wait3A_586 = tpu.memref_squeeze %dma_wait3A_585 : memref<1x1x128xi32, #tpu.memory_space<vmem>> -> memref<128xi32, #tpu.memory_space<vmem>>
      %dma_wait3A_587 = arith.constant 0 : i32
      %dma_wait3A_588 = arith.constant 0 : i32
      %dma_wait3A_589 = tpu.memref_slice %arg3[%dma_wait3A_587, %dma_wait3A_588] : memref<100001x64xf32, #tpu.memory_space<hbm>> -> memref<100001x64xf32, #tpu.memory_space<hbm>>
      tpu.wait_indirect_dma semaphore(%arg10 : memref<!tpu.dma_semaphore, #tpu.memory_space<semaphore_mem>>) src(%dma_wait3A_589 : memref<100001x64xf32, #tpu.memory_space<hbm>>) dst(%dma_wait3A_583 : memref<128x64xf32, #tpu.memory_space<vmem>>)
      %scan3A_590 = arith.constant 0 : i32
      %scan3A_591 = arith.constant 0 : i32
      %scan3A_592 = arith.constant 8 : i32
      %scan3A_593 = arith.addi %scan3A_591, %scan3A_592 : i32
      %scan3A_594 = arith.constant 1 : i32
      %scan3A_595 = scf.for %scan3A_1058 = %scan3A_591 to %scan3A_593 step %scan3A_594 iter_args(%scan3A_1059 = %scan3A_590) -> (i32)  : i32 {
        %mul3A_1060 = arith.constant 16 : i32
        %mul3A_1061 = arith.muli %scan3A_1058, %mul3A_1060 : i32
        %add3A_1062 = vector.broadcast %mul3A_1061 : i32 to vector<16xi32>
        %add3A_1063 = arith.addi %add3A_1062, %iota3A : vector<16xi32>
        %gather3A_1064 = arith.constant 0 : i32
        %gather3A_1065 = arith.constant 0 : i32
        %gather3A_1066 = arith.constant 0 : i32
        %gather3A_1067 = tpu.memref_slice %arg7[%gather3A_1064, %gather3A_1065, %gather3A_1066] : memref<2x4x128xi32, #tpu.memory_space<vmem>> -> memref<1x1x128xi32, #tpu.memory_space<vmem>>
        %gather3A_1068 = tpu.memref_squeeze %gather3A_1067 : memref<1x1x128xi32, #tpu.memory_space<vmem>> -> memref<128xi32, #tpu.memory_space<vmem>>
        %gather3A_1069 = tpu.vector_load_idx %gather3A_1068[%add3A_1063] : memref<128xi32, #tpu.memory_space<vmem>>[vector<16xi32>], vector<16xi32>,
        %reduce_max3A = arith.constant true
        %reduce_max3A_1070 = vector.broadcast %reduce_max3A : i1 to vector<16xi1>
        %reduce_max3A_1071 = arith.constant -2147483648 : i32
        %reduce_max3A_1072 = vector.broadcast %reduce_max3A_1071 : i32 to vector<16xi32>
        %reduce_max3A_1073 = arith.xori %gather3A_1069, %reduce_max3A_1072 : vector<16xi32>
        %reduce_max3A_1074 = tpu.scan <max>, %reduce_max3A_1073 masked %reduce_max3A_1070 : vector<16xi32>, vector<16xi1> -> vector<16xi32>
        %reduce_max3A_1075 = arith.xori %reduce_max3A_1074, %reduce_max3A_1072 : vector<16xi32>
        %reduce_max3A_1076 = vector.extract %reduce_max3A_1075[15] : i32 from vector<16xi32>
        %gt3A = arith.constant 99990 : i32
        %gt3A_1077 = arith.cmpi sgt, %reduce_max3A_1076, %gt3A : i32
        %convert_element_type3A_1078 = arith.extui %gt3A_1077 : i1 to i32
        %cond3A_1079 = arith.constant 0 : i32
        %cond3A_1080 = arith.cmpi ne, %convert_element_type3A_1078, %cond3A_1079 : i32
        scf.if %cond3A_1080 {
          %sub3A_1082 = arith.constant 99990 : i32
          %sub3A_1083 = vector.broadcast %sub3A_1082 : i32 to vector<16xi32>
          %sub3A_1084 = arith.subi %gather3A_1069, %sub3A_1083 : vector<16xi32>
          %max3A = arith.constant 0 : i32
          %max3A_1085 = vector.broadcast %max3A : i32 to vector<16xi32>
          %max3A_1086 = arith.maxsi %sub3A_1084, %max3A_1085 : vector<16xi32>
          %scan3A_1087 = arith.constant 0 : i32
          %scan3A_1088 = arith.constant 0 : i32
          %scan3A_1089 = arith.constant 64 : i32
          %scan3A_1090 = arith.addi %scan3A_1088, %scan3A_1089 : i32
          %scan3A_1091 = arith.constant 1 : i32
          %scan3A_1092 = scf.for %scan3A_1094 = %scan3A_1088 to %scan3A_1090 step %scan3A_1091 iter_args(%scan3A_1095 = %scan3A_1087) -> (i32)  : i32 {
            %broadcast_in_dim3A_1096 = vector.broadcast %scan3A_1094 : i32 to vector<16xi32>
            %gather3A_1097 = tpu.vector_load_idx %arg9[%max3A_1086, %broadcast_in_dim3A_1096] : memref<11x64xf32, #tpu.memory_space<vmem>>[vector<16xi32>, vector<16xi32>], vector<16xf32>,
            %gather3A_1098 = arith.constant 0 : i32
            %gather3A_1099 = arith.constant 0 : i32
            %gather3A_1100 = arith.constant 0 : i32
            %gather3A_1101 = arith.constant 0 : i32
            %gather3A_1102 = tpu.memref_slice %arg8[%gather3A_1098, %gather3A_1099, %gather3A_1100, %gather3A_1101] : memref<2x4x128x64xf32, #tpu.memory_space<vmem>> -> memref<1x1x128x64xf32, #tpu.memory_space<vmem>>
            %gather3A_1103 = tpu.memref_squeeze %gather3A_1102 : memref<1x1x128x64xf32, #tpu.memory_space<vmem>> -> memref<128x64xf32, #tpu.memory_space<vmem>>
            %gather3A_1104 = tpu.vector_load_idx %gather3A_1103[%add3A_1063, %broadcast_in_dim3A_1096] : memref<128x64xf32, #tpu.memory_space<vmem>>[vector<16xi32>, vector<16xi32>], vector<16xf32>,
            %add3A_1105 = arith.addf %gather3A_1104, %gather3A_1097 : vector<16xf32>
            %scatter3A = arith.constant 0 : i32
            %scatter3A_1106 = arith.constant 0 : i32
            %scatter3A_1107 = arith.constant 0 : i32
            %scatter3A_1108 = arith.constant 0 : i32
            %scatter3A_1109 = tpu.memref_slice %arg8[%scatter3A, %scatter3A_1106, %scatter3A_1107, %scatter3A_1108] : memref<2x4x128x64xf32, #tpu.memory_space<vmem>> -> memref<1x1x128x64xf32, #tpu.memory_space<vmem>>
            %scatter3A_1110 = tpu.memref_squeeze %scatter3A_1109 : memref<1x1x128x64xf32, #tpu.memory_space<vmem>> -> memref<128x64xf32, #tpu.memory_space<vmem>>
            tpu.vector_store_idx %scatter3A_1110[%add3A_1063, %broadcast_in_dim3A_1096], %add3A_1105 : memref<128x64xf32, #tpu.memory_space<vmem>>[vector<16xi32>, vector<16xi32>], vector<16xf32>,
            %scan3A_1111 = arith.constant 0 : i32
            scf.yield %scan3A_1111 : i32
          }
          %scan3A_1093 = arith.constant 64 : i32
        } else {
        }
        %scan3A_1081 = arith.constant 0 : i32
        scf.yield %scan3A_1081 : i32
      }
      %scan3A_596 = arith.constant 8 : i32
      %scan3A_597 = arith.constant 0 : i32
      %scan3A_598 = arith.constant 0 : i32
      %scan3A_599 = arith.constant 8 : i32
      %scan3A_600 = arith.addi %scan3A_598, %scan3A_599 : i32
      %scan3A_601 = arith.constant 1 : i32
      %scan3A_602 = scf.for %scan3A_1058 = %scan3A_598 to %scan3A_600 step %scan3A_601 iter_args(%scan3A_1059 = %scan3A_597) -> (i32)  : i32 {
        %mul3A_1060 = arith.constant 16 : i32
        %mul3A_1061 = arith.muli %scan3A_1058, %mul3A_1060 : i32
        %add3A_1062 = vector.broadcast %mul3A_1061 : i32 to vector<16xi32>
        %add3A_1063 = arith.addi %add3A_1062, %iota3A : vector<16xi32>
        %gather3A_1064 = arith.constant 0 : i32
        %gather3A_1065 = arith.constant 1 : i32
        %gather3A_1066 = arith.constant 0 : i32
        %gather3A_1067 = tpu.memref_slice %arg7[%gather3A_1064, %gather3A_1065, %gather3A_1066] : memref<2x4x128xi32, #tpu.memory_space<vmem>> -> memref<1x1x128xi32, #tpu.memory_space<vmem>>
        %gather3A_1068 = tpu.memref_squeeze %gather3A_1067 : memref<1x1x128xi32, #tpu.memory_space<vmem>> -> memref<128xi32, #tpu.memory_space<vmem>>
        %gather3A_1069 = tpu.vector_load_idx %gather3A_1068[%add3A_1063] : memref<128xi32, #tpu.memory_space<vmem>>[vector<16xi32>], vector<16xi32>,
        %reduce_max3A = arith.constant true
        %reduce_max3A_1070 = vector.broadcast %reduce_max3A : i1 to vector<16xi1>
        %reduce_max3A_1071 = arith.constant -2147483648 : i32
        %reduce_max3A_1072 = vector.broadcast %reduce_max3A_1071 : i32 to vector<16xi32>
        %reduce_max3A_1073 = arith.xori %gather3A_1069, %reduce_max3A_1072 : vector<16xi32>
        %reduce_max3A_1074 = tpu.scan <max>, %reduce_max3A_1073 masked %reduce_max3A_1070 : vector<16xi32>, vector<16xi1> -> vector<16xi32>
        %reduce_max3A_1075 = arith.xori %reduce_max3A_1074, %reduce_max3A_1072 : vector<16xi32>
        %reduce_max3A_1076 = vector.extract %reduce_max3A_1075[15] : i32 from vector<16xi32>
        %gt3A = arith.constant 99990 : i32
        %gt3A_1077 = arith.cmpi sgt, %reduce_max3A_1076, %gt3A : i32
        %convert_element_type3A_1078 = arith.extui %gt3A_1077 : i1 to i32
        %cond3A_1079 = arith.constant 0 : i32
        %cond3A_1080 = arith.cmpi ne, %convert_element_type3A_1078, %cond3A_1079 : i32
        scf.if %cond3A_1080 {
          %sub3A_1082 = arith.constant 99990 : i32
          %sub3A_1083 = vector.broadcast %sub3A_1082 : i32 to vector<16xi32>
          %sub3A_1084 = arith.subi %gather3A_1069, %sub3A_1083 : vector<16xi32>
          %max3A = arith.constant 0 : i32
          %max3A_1085 = vector.broadcast %max3A : i32 to vector<16xi32>
          %max3A_1086 = arith.maxsi %sub3A_1084, %max3A_1085 : vector<16xi32>
          %scan3A_1087 = arith.constant 0 : i32
          %scan3A_1088 = arith.constant 0 : i32
          %scan3A_1089 = arith.constant 64 : i32
          %scan3A_1090 = arith.addi %scan3A_1088, %scan3A_1089 : i32
          %scan3A_1091 = arith.constant 1 : i32
          %scan3A_1092 = scf.for %scan3A_1094 = %scan3A_1088 to %scan3A_1090 step %scan3A_1091 iter_args(%scan3A_1095 = %scan3A_1087) -> (i32)  : i32 {
            %broadcast_in_dim3A_1096 = vector.broadcast %scan3A_1094 : i32 to vector<16xi32>
            %gather3A_1097 = tpu.vector_load_idx %arg9[%max3A_1086, %broadcast_in_dim3A_1096] : memref<11x64xf32, #tpu.memory_space<vmem>>[vector<16xi32>, vector<16xi32>], vector<16xf32>,
            %gather3A_1098 = arith.constant 0 : i32
            %gather3A_1099 = arith.constant 1 : i32
            %gather3A_1100 = arith.constant 0 : i32
            %gather3A_1101 = arith.constant 0 : i32
            %gather3A_1102 = tpu.memref_slice %arg8[%gather3A_1098, %gather3A_1099, %gather3A_1100, %gather3A_1101] : memref<2x4x128x64xf32, #tpu.memory_space<vmem>> -> memref<1x1x128x64xf32, #tpu.memory_space<vmem>>
            %gather3A_1103 = tpu.memref_squeeze %gather3A_1102 : memref<1x1x128x64xf32, #tpu.memory_space<vmem>> -> memref<128x64xf32, #tpu.memory_space<vmem>>
            %gather3A_1104 = tpu.vector_load_idx %gather3A_1103[%add3A_1063, %broadcast_in_dim3A_1096] : memref<128x64xf32, #tpu.memory_space<vmem>>[vector<16xi32>, vector<16xi32>], vector<16xf32>,
            %add3A_1105 = arith.addf %gather3A_1104, %gather3A_1097 : vector<16xf32>
            %scatter3A = arith.constant 0 : i32
            %scatter3A_1106 = arith.constant 1 : i32
            %scatter3A_1107 = arith.constant 0 : i32
            %scatter3A_1108 = arith.constant 0 : i32
            %scatter3A_1109 = tpu.memref_slice %arg8[%scatter3A, %scatter3A_1106, %scatter3A_1107, %scatter3A_1108] : memref<2x4x128x64xf32, #tpu.memory_space<vmem>> -> memref<1x1x128x64xf32, #tpu.memory_space<vmem>>
            %scatter3A_1110 = tpu.memref_squeeze %scatter3A_1109 : memref<1x1x128x64xf32, #tpu.memory_space<vmem>> -> memref<128x64xf32, #tpu.memory_space<vmem>>
            tpu.vector_store_idx %scatter3A_1110[%add3A_1063, %broadcast_in_dim3A_1096], %add3A_1105 : memref<128x64xf32, #tpu.memory_space<vmem>>[vector<16xi32>, vector<16xi32>], vector<16xf32>,
            %scan3A_1111 = arith.constant 0 : i32
            scf.yield %scan3A_1111 : i32
          }
          %scan3A_1093 = arith.constant 64 : i32
        } else {
        }
        %scan3A_1081 = arith.constant 0 : i32
        scf.yield %scan3A_1081 : i32
      }
      %scan3A_603 = arith.constant 8 : i32
      %scan3A_604 = arith.constant 0 : i32
      %scan3A_605 = arith.constant 0 : i32
      %scan3A_606 = arith.constant 8 : i32
      %scan3A_607 = arith.addi %scan3A_605, %scan3A_606 : i32
      %scan3A_608 = arith.constant 1 : i32
      %scan3A_609 = scf.for %scan3A_1058 = %scan3A_605 to %scan3A_607 step %scan3A_608 iter_args(%scan3A_1059 = %scan3A_604) -> (i32)  : i32 {
        %mul3A_1060 = arith.constant 16 : i32
        %mul3A_1061 = arith.muli %scan3A_1058, %mul3A_1060 : i32
        %add3A_1062 = vector.broadcast %mul3A_1061 : i32 to vector<16xi32>
        %add3A_1063 = arith.addi %add3A_1062, %iota3A : vector<16xi32>
        %gather3A_1064 = arith.constant 0 : i32
        %gather3A_1065 = arith.constant 2 : i32
        %gather3A_1066 = arith.constant 0 : i32
        %gather3A_1067 = tpu.memref_slice %arg7[%gather3A_1064, %gather3A_1065, %gather3A_1066] : memref<2x4x128xi32, #tpu.memory_space<vmem>> -> memref<1x1x128xi32, #tpu.memory_space<vmem>>
        %gather3A_1068 = tpu.memref_squeeze %gather3A_1067 : memref<1x1x128xi32, #tpu.memory_space<vmem>> -> memref<128xi32, #tpu.memory_space<vmem>>
        %gather3A_1069 = tpu.vector_load_idx %gather3A_1068[%add3A_1063] : memref<128xi32, #tpu.memory_space<vmem>>[vector<16xi32>], vector<16xi32>,
        %reduce_max3A = arith.constant true
        %reduce_max3A_1070 = vector.broadcast %reduce_max3A : i1 to vector<16xi1>
        %reduce_max3A_1071 = arith.constant -2147483648 : i32
        %reduce_max3A_1072 = vector.broadcast %reduce_max3A_1071 : i32 to vector<16xi32>
        %reduce_max3A_1073 = arith.xori %gather3A_1069, %reduce_max3A_1072 : vector<16xi32>
        %reduce_max3A_1074 = tpu.scan <max>, %reduce_max3A_1073 masked %reduce_max3A_1070 : vector<16xi32>, vector<16xi1> -> vector<16xi32>
        %reduce_max3A_1075 = arith.xori %reduce_max3A_1074, %reduce_max3A_1072 : vector<16xi32>
        %reduce_max3A_1076 = vector.extract %reduce_max3A_1075[15] : i32 from vector<16xi32>
        %gt3A = arith.constant 99990 : i32
        %gt3A_1077 = arith.cmpi sgt, %reduce_max3A_1076, %gt3A : i32
        %convert_element_type3A_1078 = arith.extui %gt3A_1077 : i1 to i32
        %cond3A_1079 = arith.constant 0 : i32
        %cond3A_1080 = arith.cmpi ne, %convert_element_type3A_1078, %cond3A_1079 : i32
        scf.if %cond3A_1080 {
          %sub3A_1082 = arith.constant 99990 : i32
          %sub3A_1083 = vector.broadcast %sub3A_1082 : i32 to vector<16xi32>
          %sub3A_1084 = arith.subi %gather3A_1069, %sub3A_1083 : vector<16xi32>
          %max3A = arith.constant 0 : i32
          %max3A_1085 = vector.broadcast %max3A : i32 to vector<16xi32>
          %max3A_1086 = arith.maxsi %sub3A_1084, %max3A_1085 : vector<16xi32>
          %scan3A_1087 = arith.constant 0 : i32
          %scan3A_1088 = arith.constant 0 : i32
          %scan3A_1089 = arith.constant 64 : i32
          %scan3A_1090 = arith.addi %scan3A_1088, %scan3A_1089 : i32
          %scan3A_1091 = arith.constant 1 : i32
          %scan3A_1092 = scf.for %scan3A_1094 = %scan3A_1088 to %scan3A_1090 step %scan3A_1091 iter_args(%scan3A_1095 = %scan3A_1087) -> (i32)  : i32 {
            %broadcast_in_dim3A_1096 = vector.broadcast %scan3A_1094 : i32 to vector<16xi32>
            %gather3A_1097 = tpu.vector_load_idx %arg9[%max3A_1086, %broadcast_in_dim3A_1096] : memref<11x64xf32, #tpu.memory_space<vmem>>[vector<16xi32>, vector<16xi32>], vector<16xf32>,
            %gather3A_1098 = arith.constant 0 : i32
            %gather3A_1099 = arith.constant 2 : i32
            %gather3A_1100 = arith.constant 0 : i32
            %gather3A_1101 = arith.constant 0 : i32
            %gather3A_1102 = tpu.memref_slice %arg8[%gather3A_1098, %gather3A_1099, %gather3A_1100, %gather3A_1101] : memref<2x4x128x64xf32, #tpu.memory_space<vmem>> -> memref<1x1x128x64xf32, #tpu.memory_space<vmem>>
            %gather3A_1103 = tpu.memref_squeeze %gather3A_1102 : memref<1x1x128x64xf32, #tpu.memory_space<vmem>> -> memref<128x64xf32, #tpu.memory_space<vmem>>
            %gather3A_1104 = tpu.vector_load_idx %gather3A_1103[%add3A_1063, %broadcast_in_dim3A_1096] : memref<128x64xf32, #tpu.memory_space<vmem>>[vector<16xi32>, vector<16xi32>], vector<16xf32>,
            %add3A_1105 = arith.addf %gather3A_1104, %gather3A_1097 : vector<16xf32>
            %scatter3A = arith.constant 0 : i32
            %scatter3A_1106 = arith.constant 2 : i32
            %scatter3A_1107 = arith.constant 0 : i32
            %scatter3A_1108 = arith.constant 0 : i32
            %scatter3A_1109 = tpu.memref_slice %arg8[%scatter3A, %scatter3A_1106, %scatter3A_1107, %scatter3A_1108] : memref<2x4x128x64xf32, #tpu.memory_space<vmem>> -> memref<1x1x128x64xf32, #tpu.memory_space<vmem>>
            %scatter3A_1110 = tpu.memref_squeeze %scatter3A_1109 : memref<1x1x128x64xf32, #tpu.memory_space<vmem>> -> memref<128x64xf32, #tpu.memory_space<vmem>>
            tpu.vector_store_idx %scatter3A_1110[%add3A_1063, %broadcast_in_dim3A_1096], %add3A_1105 : memref<128x64xf32, #tpu.memory_space<vmem>>[vector<16xi32>, vector<16xi32>], vector<16xf32>,
            %scan3A_1111 = arith.constant 0 : i32
            scf.yield %scan3A_1111 : i32
          }
          %scan3A_1093 = arith.constant 64 : i32
        } else {
        }
        %scan3A_1081 = arith.constant 0 : i32
        scf.yield %scan3A_1081 : i32
      }
      %scan3A_610 = arith.constant 8 : i32
      %scan3A_611 = arith.constant 0 : i32
      %scan3A_612 = arith.constant 0 : i32
      %scan3A_613 = arith.constant 8 : i32
      %scan3A_614 = arith.addi %scan3A_612, %scan3A_613 : i32
      %scan3A_615 = arith.constant 1 : i32
      %scan3A_616 = scf.for %scan3A_1058 = %scan3A_612 to %scan3A_614 step %scan3A_615 iter_args(%scan3A_1059 = %scan3A_611) -> (i32)  : i32 {
        %mul3A_1060 = arith.constant 16 : i32
        %mul3A_1061 = arith.muli %scan3A_1058, %mul3A_1060 : i32
        %add3A_1062 = vector.broadcast %mul3A_1061 : i32 to vector<16xi32>
        %add3A_1063 = arith.addi %add3A_1062, %iota3A : vector<16xi32>
        %gather3A_1064 = arith.constant 0 : i32
        %gather3A_1065 = arith.constant 3 : i32
        %gather3A_1066 = arith.constant 0 : i32
        %gather3A_1067 = tpu.memref_slice %arg7[%gather3A_1064, %gather3A_1065, %gather3A_1066] : memref<2x4x128xi32, #tpu.memory_space<vmem>> -> memref<1x1x128xi32, #tpu.memory_space<vmem>>
        %gather3A_1068 = tpu.memref_squeeze %gather3A_1067 : memref<1x1x128xi32, #tpu.memory_space<vmem>> -> memref<128xi32, #tpu.memory_space<vmem>>
        %gather3A_1069 = tpu.vector_load_idx %gather3A_1068[%add3A_1063] : memref<128xi32, #tpu.memory_space<vmem>>[vector<16xi32>], vector<16xi32>,
        %reduce_max3A = arith.constant true
        %reduce_max3A_1070 = vector.broadcast %reduce_max3A : i1 to vector<16xi1>
        %reduce_max3A_1071 = arith.constant -2147483648 : i32
        %reduce_max3A_1072 = vector.broadcast %reduce_max3A_1071 : i32 to vector<16xi32>
        %reduce_max3A_1073 = arith.xori %gather3A_1069, %reduce_max3A_1072 : vector<16xi32>
        %reduce_max3A_1074 = tpu.scan <max>, %reduce_max3A_1073 masked %reduce_max3A_1070 : vector<16xi32>, vector<16xi1> -> vector<16xi32>
        %reduce_max3A_1075 = arith.xori %reduce_max3A_1074, %reduce_max3A_1072 : vector<16xi32>
        %reduce_max3A_1076 = vector.extract %reduce_max3A_1075[15] : i32 from vector<16xi32>
        %gt3A = arith.constant 99990 : i32
        %gt3A_1077 = arith.cmpi sgt, %reduce_max3A_1076, %gt3A : i32
        %convert_element_type3A_1078 = arith.extui %gt3A_1077 : i1 to i32
        %cond3A_1079 = arith.constant 0 : i32
        %cond3A_1080 = arith.cmpi ne, %convert_element_type3A_1078, %cond3A_1079 : i32
        scf.if %cond3A_1080 {
          %sub3A_1082 = arith.constant 99990 : i32
          %sub3A_1083 = vector.broadcast %sub3A_1082 : i32 to vector<16xi32>
          %sub3A_1084 = arith.subi %gather3A_1069, %sub3A_1083 : vector<16xi32>
          %max3A = arith.constant 0 : i32
          %max3A_1085 = vector.broadcast %max3A : i32 to vector<16xi32>
          %max3A_1086 = arith.maxsi %sub3A_1084, %max3A_1085 : vector<16xi32>
          %scan3A_1087 = arith.constant 0 : i32
          %scan3A_1088 = arith.constant 0 : i32
          %scan3A_1089 = arith.constant 64 : i32
          %scan3A_1090 = arith.addi %scan3A_1088, %scan3A_1089 : i32
          %scan3A_1091 = arith.constant 1 : i32
          %scan3A_1092 = scf.for %scan3A_1094 = %scan3A_1088 to %scan3A_1090 step %scan3A_1091 iter_args(%scan3A_1095 = %scan3A_1087) -> (i32)  : i32 {
            %broadcast_in_dim3A_1096 = vector.broadcast %scan3A_1094 : i32 to vector<16xi32>
            %gather3A_1097 = tpu.vector_load_idx %arg9[%max3A_1086, %broadcast_in_dim3A_1096] : memref<11x64xf32, #tpu.memory_space<vmem>>[vector<16xi32>, vector<16xi32>], vector<16xf32>,
            %gather3A_1098 = arith.constant 0 : i32
            %gather3A_1099 = arith.constant 3 : i32
            %gather3A_1100 = arith.constant 0 : i32
            %gather3A_1101 = arith.constant 0 : i32
            %gather3A_1102 = tpu.memref_slice %arg8[%gather3A_1098, %gather3A_1099, %gather3A_1100, %gather3A_1101] : memref<2x4x128x64xf32, #tpu.memory_space<vmem>> -> memref<1x1x128x64xf32, #tpu.memory_space<vmem>>
            %gather3A_1103 = tpu.memref_squeeze %gather3A_1102 : memref<1x1x128x64xf32, #tpu.memory_space<vmem>> -> memref<128x64xf32, #tpu.memory_space<vmem>>
            %gather3A_1104 = tpu.vector_load_idx %gather3A_1103[%add3A_1063, %broadcast_in_dim3A_1096] : memref<128x64xf32, #tpu.memory_space<vmem>>[vector<16xi32>, vector<16xi32>], vector<16xf32>,
            %add3A_1105 = arith.addf %gather3A_1104, %gather3A_1097 : vector<16xf32>
            %scatter3A = arith.constant 0 : i32
            %scatter3A_1106 = arith.constant 3 : i32
            %scatter3A_1107 = arith.constant 0 : i32
            %scatter3A_1108 = arith.constant 0 : i32
            %scatter3A_1109 = tpu.memref_slice %arg8[%scatter3A, %scatter3A_1106, %scatter3A_1107, %scatter3A_1108] : memref<2x4x128x64xf32, #tpu.memory_space<vmem>> -> memref<1x1x128x64xf32, #tpu.memory_space<vmem>>
            %scatter3A_1110 = tpu.memref_squeeze %scatter3A_1109 : memref<1x1x128x64xf32, #tpu.memory_space<vmem>> -> memref<128x64xf32, #tpu.memory_space<vmem>>
            tpu.vector_store_idx %scatter3A_1110[%add3A_1063, %broadcast_in_dim3A_1096], %add3A_1105 : memref<128x64xf32, #tpu.memory_space<vmem>>[vector<16xi32>, vector<16xi32>], vector<16xf32>,
            %scan3A_1111 = arith.constant 0 : i32
            scf.yield %scan3A_1111 : i32
          }
          %scan3A_1093 = arith.constant 64 : i32
        } else {
        }
        %scan3A_1081 = arith.constant 0 : i32
        scf.yield %scan3A_1081 : i32
      }
      %scan3A_617 = arith.constant 8 : i32
      %mul3A_618 = arith.constant 4 : i32
      %mul3A_619 = arith.muli %mul3A_618, %add3A_529 : i32
      %add3A_620 = arith.constant 0 : i32
      %add3A_621 = arith.addi %mul3A_619, %add3A_620 : i32
      %jit3A = arith.constant 2 : i32
      %div3A = arith.divsi %add3A_621, %jit3A : i32
      %sign3A = arith.constant 0 : i32
      %sign3A_622 = arith.cmpi sgt, %add3A_621, %sign3A : i32
      %sign3A_623 = arith.extui %sign3A_622 : i1 to i32
      %sign3A_624 = arith.constant 0 : i32
      %sign3A_625 = arith.cmpi slt, %add3A_621, %sign3A_624 : i32
      %sign3A_626 = arith.extui %sign3A_625 : i1 to i32
      %sign3A_627 = arith.subi %sign3A_623, %sign3A_626 : i32
      %sign3A_628 = arith.constant 0 : i32
      %sign3A_629 = arith.cmpi sgt, %jit3A, %sign3A_628 : i32
      %sign3A_630 = arith.extui %sign3A_629 : i1 to i32
      %sign3A_631 = arith.constant 0 : i32
      %sign3A_632 = arith.cmpi slt, %jit3A, %sign3A_631 : i32
      %sign3A_633 = arith.extui %sign3A_632 : i1 to i32
      %sign3A_634 = arith.subi %sign3A_630, %sign3A_633 : i32
      %ne3A = arith.cmpi ne, %sign3A_627, %sign3A_634 : i32
      %rem3A = arith.remsi %add3A_621, %jit3A : i32
      %ne3A_635 = arith.constant 0 : i32
      %ne3A_636 = arith.cmpi ne, %rem3A, %ne3A_635 : i32
      %and3A = arith.andi %ne3A, %ne3A_636 : i1
      %sub3A = arith.constant 1 : i32
      %sub3A_637 = arith.subi %div3A, %sub3A : i32
      %select_n3A = arith.select %and3A, %sub3A_637, %div3A : i32
      %dma_start3A_638 = arith.constant 0 : i32
      %dma_start3A_639 = arith.constant 0 : i32
      %dma_start3A_640 = arith.constant 0 : i32
      %dma_start3A_641 = arith.constant 0 : i32
      %dma_start3A_642 = tpu.memref_slice %arg8[%dma_start3A_638, %dma_start3A_639, %dma_start3A_640, %dma_start3A_641] : memref<2x4x128x64xf32, #tpu.memory_space<vmem>> -> memref<1x1x128x64xf32, #tpu.memory_space<vmem>>
      %dma_start3A_643 = tpu.memref_squeeze %dma_start3A_642 : memref<1x1x128x64xf32, #tpu.memory_space<vmem>> -> memref<128x64xf32, #tpu.memory_space<vmem>>
      %dma_start3A_644 = arith.constant 0 : i32
      %dma_start3A_645 = tpu.memref_slice %arg5[%select_n3A, %mul3A_2, %dma_start3A_644] : memref<100x4096x128xf32, #tpu.memory_space<hbm>> -> memref<1x128x64xf32, #tpu.memory_space<hbm>>
      %dma_start3A_646 = tpu.memref_squeeze %dma_start3A_645 : memref<1x128x64xf32, #tpu.memory_space<hbm>> -> memref<128x64xf32, #tpu.memory_space<hbm>>
      %dma_start3A_647 = arith.constant 0 : i32
      %dma_start3A_648 = tpu.memref_slice %arg5[%select_n3A, %mul3A_2, %dma_start3A_647] : memref<100x4096x128xf32, #tpu.memory_space<hbm>> -> memref<1x128x64xf32, #tpu.memory_space<hbm>>
      %dma_start3A_649 = tpu.memref_squeeze %dma_start3A_648 : memref<1x128x64xf32, #tpu.memory_space<hbm>> -> memref<128x64xf32, #tpu.memory_space<hbm>>
      %dma_start3A_650 = arith.constant 0 : i32
      %dma_start3A_651 = arith.constant 0 : i32
      %dma_start3A_652 = tpu.memref_slice %arg8[%dma_start3A_638, %dma_start3A_639, %dma_start3A_650, %dma_start3A_651] : memref<2x4x128x64xf32, #tpu.memory_space<vmem>> -> memref<1x1x128x64xf32, #tpu.memory_space<vmem>>
      %dma_start3A_653 = tpu.memref_squeeze %dma_start3A_652 : memref<1x1x128x64xf32, #tpu.memory_space<vmem>> -> memref<128x64xf32, #tpu.memory_space<vmem>>
      tpu.enqueue_dma source(%dma_start3A_653 : memref<128x64xf32, #tpu.memory_space<vmem>>) target(%dma_start3A_649 : memref<128x64xf32, #tpu.memory_space<hbm>>) target_semaphore(%arg12 : memref<!tpu.dma_semaphore, #tpu.memory_space<semaphore_mem>>)
      %mul3A_654 = arith.constant 4 : i32
      %mul3A_655 = arith.muli %mul3A_654, %add3A_529 : i32
      %add3A_656 = arith.constant 1 : i32
      %add3A_657 = arith.addi %mul3A_655, %add3A_656 : i32
      %jit3A_658 = arith.constant 2 : i32
      %div3A_659 = arith.divsi %add3A_657, %jit3A_658 : i32
      %sign3A_660 = arith.constant 0 : i32
      %sign3A_661 = arith.cmpi sgt, %add3A_657, %sign3A_660 : i32
      %sign3A_662 = arith.extui %sign3A_661 : i1 to i32
      %sign3A_663 = arith.constant 0 : i32
      %sign3A_664 = arith.cmpi slt, %add3A_657, %sign3A_663 : i32
      %sign3A_665 = arith.extui %sign3A_664 : i1 to i32
      %sign3A_666 = arith.subi %sign3A_662, %sign3A_665 : i32
      %sign3A_667 = arith.constant 0 : i32
      %sign3A_668 = arith.cmpi sgt, %jit3A_658, %sign3A_667 : i32
      %sign3A_669 = arith.extui %sign3A_668 : i1 to i32
      %sign3A_670 = arith.constant 0 : i32
      %sign3A_671 = arith.cmpi slt, %jit3A_658, %sign3A_670 : i32
      %sign3A_672 = arith.extui %sign3A_671 : i1 to i32
      %sign3A_673 = arith.subi %sign3A_669, %sign3A_672 : i32
      %ne3A_674 = arith.cmpi ne, %sign3A_666, %sign3A_673 : i32
      %rem3A_675 = arith.remsi %add3A_657, %jit3A_658 : i32
      %ne3A_676 = arith.constant 0 : i32
      %ne3A_677 = arith.cmpi ne, %rem3A_675, %ne3A_676 : i32
      %and3A_678 = arith.andi %ne3A_674, %ne3A_677 : i1
      %sub3A_679 = arith.constant 1 : i32
      %sub3A_680 = arith.subi %div3A_659, %sub3A_679 : i32
      %select_n3A_681 = arith.select %and3A_678, %sub3A_680, %div3A_659 : i32
      %dma_start3A_682 = arith.constant 0 : i32
      %dma_start3A_683 = arith.constant 1 : i32
      %dma_start3A_684 = arith.constant 0 : i32
      %dma_start3A_685 = arith.constant 0 : i32
      %dma_start3A_686 = tpu.memref_slice %arg8[%dma_start3A_682, %dma_start3A_683, %dma_start3A_684, %dma_start3A_685] : memref<2x4x128x64xf32, #tpu.memory_space<vmem>> -> memref<1x1x128x64xf32, #tpu.memory_space<vmem>>
      %dma_start3A_687 = tpu.memref_squeeze %dma_start3A_686 : memref<1x1x128x64xf32, #tpu.memory_space<vmem>> -> memref<128x64xf32, #tpu.memory_space<vmem>>
      %dma_start3A_688 = arith.constant 64 : i32
      %dma_start3A_689 = tpu.memref_slice %arg5[%select_n3A_681, %mul3A_2, %dma_start3A_688] : memref<100x4096x128xf32, #tpu.memory_space<hbm>> -> memref<1x128x64xf32, #tpu.memory_space<hbm>>
      %dma_start3A_690 = tpu.memref_squeeze %dma_start3A_689 : memref<1x128x64xf32, #tpu.memory_space<hbm>> -> memref<128x64xf32, #tpu.memory_space<hbm>>
      %dma_start3A_691 = arith.constant 64 : i32
      %dma_start3A_692 = tpu.memref_slice %arg5[%select_n3A_681, %mul3A_2, %dma_start3A_691] : memref<100x4096x128xf32, #tpu.memory_space<hbm>> -> memref<1x128x64xf32, #tpu.memory_space<hbm>>
      %dma_start3A_693 = tpu.memref_squeeze %dma_start3A_692 : memref<1x128x64xf32, #tpu.memory_space<hbm>> -> memref<128x64xf32, #tpu.memory_space<hbm>>
      %dma_start3A_694 = arith.constant 0 : i32
      %dma_start3A_695 = arith.constant 0 : i32
      %dma_start3A_696 = tpu.memref_slice %arg8[%dma_start3A_682, %dma_start3A_683, %dma_start3A_694, %dma_start3A_695] : memref<2x4x128x64xf32, #tpu.memory_space<vmem>> -> memref<1x1x128x64xf32, #tpu.memory_space<vmem>>
      %dma_start3A_697 = tpu.memref_squeeze %dma_start3A_696 : memref<1x1x128x64xf32, #tpu.memory_space<vmem>> -> memref<128x64xf32, #tpu.memory_space<vmem>>
      tpu.enqueue_dma source(%dma_start3A_697 : memref<128x64xf32, #tpu.memory_space<vmem>>) target(%dma_start3A_693 : memref<128x64xf32, #tpu.memory_space<hbm>>) target_semaphore(%arg12 : memref<!tpu.dma_semaphore, #tpu.memory_space<semaphore_mem>>)
      %mul3A_698 = arith.constant 4 : i32
      %mul3A_699 = arith.muli %mul3A_698, %add3A_529 : i32
      %add3A_700 = arith.constant 2 : i32
      %add3A_701 = arith.addi %mul3A_699, %add3A_700 : i32
      %jit3A_702 = arith.constant 2 : i32
      %div3A_703 = arith.divsi %add3A_701, %jit3A_702 : i32
      %sign3A_704 = arith.constant 0 : i32
      %sign3A_705 = arith.cmpi sgt, %add3A_701, %sign3A_704 : i32
      %sign3A_706 = arith.extui %sign3A_705 : i1 to i32
      %sign3A_707 = arith.constant 0 : i32
      %sign3A_708 = arith.cmpi slt, %add3A_701, %sign3A_707 : i32
      %sign3A_709 = arith.extui %sign3A_708 : i1 to i32
      %sign3A_710 = arith.subi %sign3A_706, %sign3A_709 : i32
      %sign3A_711 = arith.constant 0 : i32
      %sign3A_712 = arith.cmpi sgt, %jit3A_702, %sign3A_711 : i32
      %sign3A_713 = arith.extui %sign3A_712 : i1 to i32
      %sign3A_714 = arith.constant 0 : i32
      %sign3A_715 = arith.cmpi slt, %jit3A_702, %sign3A_714 : i32
      %sign3A_716 = arith.extui %sign3A_715 : i1 to i32
      %sign3A_717 = arith.subi %sign3A_713, %sign3A_716 : i32
      %ne3A_718 = arith.cmpi ne, %sign3A_710, %sign3A_717 : i32
      %rem3A_719 = arith.remsi %add3A_701, %jit3A_702 : i32
      %ne3A_720 = arith.constant 0 : i32
      %ne3A_721 = arith.cmpi ne, %rem3A_719, %ne3A_720 : i32
      %and3A_722 = arith.andi %ne3A_718, %ne3A_721 : i1
      %sub3A_723 = arith.constant 1 : i32
      %sub3A_724 = arith.subi %div3A_703, %sub3A_723 : i32
      %select_n3A_725 = arith.select %and3A_722, %sub3A_724, %div3A_703 : i32
      %dma_start3A_726 = arith.constant 0 : i32
      %dma_start3A_727 = arith.constant 2 : i32
      %dma_start3A_728 = arith.constant 0 : i32
      %dma_start3A_729 = arith.constant 0 : i32
      %dma_start3A_730 = tpu.memref_slice %arg8[%dma_start3A_726, %dma_start3A_727, %dma_start3A_728, %dma_start3A_729] : memref<2x4x128x64xf32, #tpu.memory_space<vmem>> -> memref<1x1x128x64xf32, #tpu.memory_space<vmem>>
      %dma_start3A_731 = tpu.memref_squeeze %dma_start3A_730 : memref<1x1x128x64xf32, #tpu.memory_space<vmem>> -> memref<128x64xf32, #tpu.memory_space<vmem>>
      %dma_start3A_732 = arith.constant 0 : i32
      %dma_start3A_733 = tpu.memref_slice %arg5[%select_n3A_725, %mul3A_2, %dma_start3A_732] : memref<100x4096x128xf32, #tpu.memory_space<hbm>> -> memref<1x128x64xf32, #tpu.memory_space<hbm>>
      %dma_start3A_734 = tpu.memref_squeeze %dma_start3A_733 : memref<1x128x64xf32, #tpu.memory_space<hbm>> -> memref<128x64xf32, #tpu.memory_space<hbm>>
      %dma_start3A_735 = arith.constant 0 : i32
      %dma_start3A_736 = tpu.memref_slice %arg5[%select_n3A_725, %mul3A_2, %dma_start3A_735] : memref<100x4096x128xf32, #tpu.memory_space<hbm>> -> memref<1x128x64xf32, #tpu.memory_space<hbm>>
      %dma_start3A_737 = tpu.memref_squeeze %dma_start3A_736 : memref<1x128x64xf32, #tpu.memory_space<hbm>> -> memref<128x64xf32, #tpu.memory_space<hbm>>
      %dma_start3A_738 = arith.constant 0 : i32
      %dma_start3A_739 = arith.constant 0 : i32
      %dma_start3A_740 = tpu.memref_slice %arg8[%dma_start3A_726, %dma_start3A_727, %dma_start3A_738, %dma_start3A_739] : memref<2x4x128x64xf32, #tpu.memory_space<vmem>> -> memref<1x1x128x64xf32, #tpu.memory_space<vmem>>
      %dma_start3A_741 = tpu.memref_squeeze %dma_start3A_740 : memref<1x1x128x64xf32, #tpu.memory_space<vmem>> -> memref<128x64xf32, #tpu.memory_space<vmem>>
      tpu.enqueue_dma source(%dma_start3A_741 : memref<128x64xf32, #tpu.memory_space<vmem>>) target(%dma_start3A_737 : memref<128x64xf32, #tpu.memory_space<hbm>>) target_semaphore(%arg12 : memref<!tpu.dma_semaphore, #tpu.memory_space<semaphore_mem>>)
      %mul3A_742 = arith.constant 4 : i32
      %mul3A_743 = arith.muli %mul3A_742, %add3A_529 : i32
      %add3A_744 = arith.constant 3 : i32
      %add3A_745 = arith.addi %mul3A_743, %add3A_744 : i32
      %jit3A_746 = arith.constant 2 : i32
      %div3A_747 = arith.divsi %add3A_745, %jit3A_746 : i32
      %sign3A_748 = arith.constant 0 : i32
      %sign3A_749 = arith.cmpi sgt, %add3A_745, %sign3A_748 : i32
      %sign3A_750 = arith.extui %sign3A_749 : i1 to i32
      %sign3A_751 = arith.constant 0 : i32
      %sign3A_752 = arith.cmpi slt, %add3A_745, %sign3A_751 : i32
      %sign3A_753 = arith.extui %sign3A_752 : i1 to i32
      %sign3A_754 = arith.subi %sign3A_750, %sign3A_753 : i32
      %sign3A_755 = arith.constant 0 : i32
      %sign3A_756 = arith.cmpi sgt, %jit3A_746, %sign3A_755 : i32
      %sign3A_757 = arith.extui %sign3A_756 : i1 to i32
      %sign3A_758 = arith.constant 0 : i32
      %sign3A_759 = arith.cmpi slt, %jit3A_746, %sign3A_758 : i32
      %sign3A_760 = arith.extui %sign3A_759 : i1 to i32
      %sign3A_761 = arith.subi %sign3A_757, %sign3A_760 : i32
      %ne3A_762 = arith.cmpi ne, %sign3A_754, %sign3A_761 : i32
      %rem3A_763 = arith.remsi %add3A_745, %jit3A_746 : i32
      %ne3A_764 = arith.constant 0 : i32
      %ne3A_765 = arith.cmpi ne, %rem3A_763, %ne3A_764 : i32
      %and3A_766 = arith.andi %ne3A_762, %ne3A_765 : i1
      %sub3A_767 = arith.constant 1 : i32
      %sub3A_768 = arith.subi %div3A_747, %sub3A_767 : i32
      %select_n3A_769 = arith.select %and3A_766, %sub3A_768, %div3A_747 : i32
      %dma_start3A_770 = arith.constant 0 : i32
      %dma_start3A_771 = arith.constant 3 : i32
      %dma_start3A_772 = arith.constant 0 : i32
      %dma_start3A_773 = arith.constant 0 : i32
      %dma_start3A_774 = tpu.memref_slice %arg8[%dma_start3A_770, %dma_start3A_771, %dma_start3A_772, %dma_start3A_773] : memref<2x4x128x64xf32, #tpu.memory_space<vmem>> -> memref<1x1x128x64xf32, #tpu.memory_space<vmem>>
      %dma_start3A_775 = tpu.memref_squeeze %dma_start3A_774 : memref<1x1x128x64xf32, #tpu.memory_space<vmem>> -> memref<128x64xf32, #tpu.memory_space<vmem>>
      %dma_start3A_776 = arith.constant 64 : i32
      %dma_start3A_777 = tpu.memref_slice %arg5[%select_n3A_769, %mul3A_2, %dma_start3A_776] : memref<100x4096x128xf32, #tpu.memory_space<hbm>> -> memref<1x128x64xf32, #tpu.memory_space<hbm>>
      %dma_start3A_778 = tpu.memref_squeeze %dma_start3A_777 : memref<1x128x64xf32, #tpu.memory_space<hbm>> -> memref<128x64xf32, #tpu.memory_space<hbm>>
      %dma_start3A_779 = arith.constant 64 : i32
      %dma_start3A_780 = tpu.memref_slice %arg5[%select_n3A_769, %mul3A_2, %dma_start3A_779] : memref<100x4096x128xf32, #tpu.memory_space<hbm>> -> memref<1x128x64xf32, #tpu.memory_space<hbm>>
      %dma_start3A_781 = tpu.memref_squeeze %dma_start3A_780 : memref<1x128x64xf32, #tpu.memory_space<hbm>> -> memref<128x64xf32, #tpu.memory_space<hbm>>
      %dma_start3A_782 = arith.constant 0 : i32
      %dma_start3A_783 = arith.constant 0 : i32
      %dma_start3A_784 = tpu.memref_slice %arg8[%dma_start3A_770, %dma_start3A_771, %dma_start3A_782, %dma_start3A_783] : memref<2x4x128x64xf32, #tpu.memory_space<vmem>> -> memref<1x1x128x64xf32, #tpu.memory_space<vmem>>
      %dma_start3A_785 = tpu.memref_squeeze %dma_start3A_784 : memref<1x1x128x64xf32, #tpu.memory_space<vmem>> -> memref<128x64xf32, #tpu.memory_space<vmem>>
      tpu.enqueue_dma source(%dma_start3A_785 : memref<128x64xf32, #tpu.memory_space<vmem>>) target(%dma_start3A_781 : memref<128x64xf32, #tpu.memory_space<hbm>>) target_semaphore(%arg12 : memref<!tpu.dma_semaphore, #tpu.memory_space<semaphore_mem>>)
      %mul3A_786 = arith.constant 2 : i32
      %mul3A_787 = arith.muli %scan3A_524, %mul3A_786 : i32
      %add3A_788 = arith.constant 1 : i32
      %add3A_789 = arith.addi %mul3A_787, %add3A_788 : i32
      %add3A_790 = arith.constant 1 : i32
      %add3A_791 = arith.addi %add3A_789, %add3A_790 : i32
      %lt3A_792 = arith.constant 50 : i32
      %lt3A_793 = arith.cmpi slt, %add3A_791, %lt3A_792 : i32
      %convert_element_type3A_794 = arith.extui %lt3A_793 : i1 to i32
      %cond3A_795 = arith.constant 0 : i32
      %cond3A_796 = arith.cmpi ne, %convert_element_type3A_794, %cond3A_795 : i32
      scf.if %cond3A_796 {
        %ge3A = arith.constant 1 : i32
        %ge3A_1058 = arith.cmpi sge, %add3A_789, %ge3A : i32
        %convert_element_type3A_1059 = arith.extui %ge3A_1058 : i1 to i32
        %cond3A_1060 = arith.constant 0 : i32
        %cond3A_1061 = arith.cmpi ne, %convert_element_type3A_1059, %cond3A_1060 : i32
        scf.if %cond3A_1061 {
          %dma_wait3A_1460 = arith.constant 0 : i32
          %dma_wait3A_1461 = arith.constant 0 : i32
          %dma_wait3A_1462 = arith.constant 0 : i32
          %dma_wait3A_1463 = arith.constant 0 : i32
          %dma_wait3A_1464 = arith.constant 0 : i32
          %dma_wait3A_1465 = tpu.memref_slice %arg8[%dma_wait3A_1460, %dma_wait3A_1461, %dma_wait3A_1463, %dma_wait3A_1464] : memref<2x4x128x64xf32, #tpu.memory_space<vmem>> -> memref<1x1x128x64xf32, #tpu.memory_space<vmem>>
          %dma_wait3A_1466 = tpu.memref_squeeze %dma_wait3A_1465 : memref<1x1x128x64xf32, #tpu.memory_space<vmem>> -> memref<128x64xf32, #tpu.memory_space<vmem>>
          %dma_wait3A_1467 = arith.constant 0 : i32
          %dma_wait3A_1468 = tpu.memref_slice %arg5[%dma_wait3A_1462, %mul3A_2, %dma_wait3A_1467] : memref<100x4096x128xf32, #tpu.memory_space<hbm>> -> memref<1x128x64xf32, #tpu.memory_space<hbm>>
          %dma_wait3A_1469 = tpu.memref_squeeze %dma_wait3A_1468 : memref<1x128x64xf32, #tpu.memory_space<hbm>> -> memref<128x64xf32, #tpu.memory_space<hbm>>
          %dma_wait3A_1470 = arith.constant 0 : i32
          %dma_wait3A_1471 = tpu.memref_slice %arg5[%dma_wait3A_1462, %mul3A_2, %dma_wait3A_1470] : memref<100x4096x128xf32, #tpu.memory_space<hbm>> -> memref<1x128x64xf32, #tpu.memory_space<hbm>>
          %dma_wait3A_1472 = tpu.memref_squeeze %dma_wait3A_1471 : memref<1x128x64xf32, #tpu.memory_space<hbm>> -> memref<128x64xf32, #tpu.memory_space<hbm>>
          %dma_wait3A_1473 = arith.constant 0 : i32
          %dma_wait3A_1474 = arith.constant 0 : i32
          %dma_wait3A_1475 = tpu.memref_slice %arg8[%dma_wait3A_1460, %dma_wait3A_1461, %dma_wait3A_1473, %dma_wait3A_1474] : memref<2x4x128x64xf32, #tpu.memory_space<vmem>> -> memref<1x1x128x64xf32, #tpu.memory_space<vmem>>
          %dma_wait3A_1476 = tpu.memref_squeeze %dma_wait3A_1475 : memref<1x1x128x64xf32, #tpu.memory_space<vmem>> -> memref<128x64xf32, #tpu.memory_space<vmem>>
          tpu.wait_dma2 semaphore(%arg12 : memref<!tpu.dma_semaphore, #tpu.memory_space<semaphore_mem>>) src(%dma_wait3A_1476 : memref<128x64xf32, #tpu.memory_space<vmem>>) dst(%dma_wait3A_1472 : memref<128x64xf32, #tpu.memory_space<hbm>>)
          %dma_wait3A_1477 = arith.constant 0 : i32
          %dma_wait3A_1478 = arith.constant 1 : i32
          %dma_wait3A_1479 = arith.constant 0 : i32
          %dma_wait3A_1480 = arith.constant 0 : i32
          %dma_wait3A_1481 = arith.constant 0 : i32
          %dma_wait3A_1482 = tpu.memref_slice %arg8[%dma_wait3A_1477, %dma_wait3A_1478, %dma_wait3A_1480, %dma_wait3A_1481] : memref<2x4x128x64xf32, #tpu.memory_space<vmem>> -> memref<1x1x128x64xf32, #tpu.memory_space<vmem>>
          %dma_wait3A_1483 = tpu.memref_squeeze %dma_wait3A_1482 : memref<1x1x128x64xf32, #tpu.memory_space<vmem>> -> memref<128x64xf32, #tpu.memory_space<vmem>>
          %dma_wait3A_1484 = arith.constant 64 : i32
          %dma_wait3A_1485 = tpu.memref_slice %arg5[%dma_wait3A_1479, %mul3A_2, %dma_wait3A_1484] : memref<100x4096x128xf32, #tpu.memory_space<hbm>> -> memref<1x128x64xf32, #tpu.memory_space<hbm>>
          %dma_wait3A_1486 = tpu.memref_squeeze %dma_wait3A_1485 : memref<1x128x64xf32, #tpu.memory_space<hbm>> -> memref<128x64xf32, #tpu.memory_space<hbm>>
          %dma_wait3A_1487 = arith.constant 64 : i32
          %dma_wait3A_1488 = tpu.memref_slice %arg5[%dma_wait3A_1479, %mul3A_2, %dma_wait3A_1487] : memref<100x4096x128xf32, #tpu.memory_space<hbm>> -> memref<1x128x64xf32, #tpu.memory_space<hbm>>
          %dma_wait3A_1489 = tpu.memref_squeeze %dma_wait3A_1488 : memref<1x128x64xf32, #tpu.memory_space<hbm>> -> memref<128x64xf32, #tpu.memory_space<hbm>>
          %dma_wait3A_1490 = arith.constant 0 : i32
          %dma_wait3A_1491 = arith.constant 0 : i32
          %dma_wait3A_1492 = tpu.memref_slice %arg8[%dma_wait3A_1477, %dma_wait3A_1478, %dma_wait3A_1490, %dma_wait3A_1491] : memref<2x4x128x64xf32, #tpu.memory_space<vmem>> -> memref<1x1x128x64xf32, #tpu.memory_space<vmem>>
          %dma_wait3A_1493 = tpu.memref_squeeze %dma_wait3A_1492 : memref<1x1x128x64xf32, #tpu.memory_space<vmem>> -> memref<128x64xf32, #tpu.memory_space<vmem>>
          tpu.wait_dma2 semaphore(%arg12 : memref<!tpu.dma_semaphore, #tpu.memory_space<semaphore_mem>>) src(%dma_wait3A_1493 : memref<128x64xf32, #tpu.memory_space<vmem>>) dst(%dma_wait3A_1489 : memref<128x64xf32, #tpu.memory_space<hbm>>)
          %dma_wait3A_1494 = arith.constant 0 : i32
          %dma_wait3A_1495 = arith.constant 2 : i32
          %dma_wait3A_1496 = arith.constant 1 : i32
          %dma_wait3A_1497 = arith.constant 0 : i32
          %dma_wait3A_1498 = arith.constant 0 : i32
          %dma_wait3A_1499 = tpu.memref_slice %arg8[%dma_wait3A_1494, %dma_wait3A_1495, %dma_wait3A_1497, %dma_wait3A_1498] : memref<2x4x128x64xf32, #tpu.memory_space<vmem>> -> memref<1x1x128x64xf32, #tpu.memory_space<vmem>>
          %dma_wait3A_1500 = tpu.memref_squeeze %dma_wait3A_1499 : memref<1x1x128x64xf32, #tpu.memory_space<vmem>> -> memref<128x64xf32, #tpu.memory_space<vmem>>
          %dma_wait3A_1501 = arith.constant 0 : i32
          %dma_wait3A_1502 = tpu.memref_slice %arg5[%dma_wait3A_1496, %mul3A_2, %dma_wait3A_1501] : memref<100x4096x128xf32, #tpu.memory_space<hbm>> -> memref<1x128x64xf32, #tpu.memory_space<hbm>>
          %dma_wait3A_1503 = tpu.memref_squeeze %dma_wait3A_1502 : memref<1x128x64xf32, #tpu.memory_space<hbm>> -> memref<128x64xf32, #tpu.memory_space<hbm>>
          %dma_wait3A_1504 = arith.constant 0 : i32
          %dma_wait3A_1505 = tpu.memref_slice %arg5[%dma_wait3A_1496, %mul3A_2, %dma_wait3A_1504] : memref<100x4096x128xf32, #tpu.memory_space<hbm>> -> memref<1x128x64xf32, #tpu.memory_space<hbm>>
          %dma_wait3A_1506 = tpu.memref_squeeze %dma_wait3A_1505 : memref<1x128x64xf32, #tpu.memory_space<hbm>> -> memref<128x64xf32, #tpu.memory_space<hbm>>
          %dma_wait3A_1507 = arith.constant 0 : i32
          %dma_wait3A_1508 = arith.constant 0 : i32
          %dma_wait3A_1509 = tpu.memref_slice %arg8[%dma_wait3A_1494, %dma_wait3A_1495, %dma_wait3A_1507, %dma_wait3A_1508] : memref<2x4x128x64xf32, #tpu.memory_space<vmem>> -> memref<1x1x128x64xf32, #tpu.memory_space<vmem>>
          %dma_wait3A_1510 = tpu.memref_squeeze %dma_wait3A_1509 : memref<1x1x128x64xf32, #tpu.memory_space<vmem>> -> memref<128x64xf32, #tpu.memory_space<vmem>>
          tpu.wait_dma2 semaphore(%arg12 : memref<!tpu.dma_semaphore, #tpu.memory_space<semaphore_mem>>) src(%dma_wait3A_1510 : memref<128x64xf32, #tpu.memory_space<vmem>>) dst(%dma_wait3A_1506 : memref<128x64xf32, #tpu.memory_space<hbm>>)
          %dma_wait3A_1511 = arith.constant 0 : i32
          %dma_wait3A_1512 = arith.constant 3 : i32
          %dma_wait3A_1513 = arith.constant 1 : i32
          %dma_wait3A_1514 = arith.constant 0 : i32
          %dma_wait3A_1515 = arith.constant 0 : i32
          %dma_wait3A_1516 = tpu.memref_slice %arg8[%dma_wait3A_1511, %dma_wait3A_1512, %dma_wait3A_1514, %dma_wait3A_1515] : memref<2x4x128x64xf32, #tpu.memory_space<vmem>> -> memref<1x1x128x64xf32, #tpu.memory_space<vmem>>
          %dma_wait3A_1517 = tpu.memref_squeeze %dma_wait3A_1516 : memref<1x1x128x64xf32, #tpu.memory_space<vmem>> -> memref<128x64xf32, #tpu.memory_space<vmem>>
          %dma_wait3A_1518 = arith.constant 64 : i32
          %dma_wait3A_1519 = tpu.memref_slice %arg5[%dma_wait3A_1513, %mul3A_2, %dma_wait3A_1518] : memref<100x4096x128xf32, #tpu.memory_space<hbm>> -> memref<1x128x64xf32, #tpu.memory_space<hbm>>
          %dma_wait3A_1520 = tpu.memref_squeeze %dma_wait3A_1519 : memref<1x128x64xf32, #tpu.memory_space<hbm>> -> memref<128x64xf32, #tpu.memory_space<hbm>>
          %dma_wait3A_1521 = arith.constant 64 : i32
          %dma_wait3A_1522 = tpu.memref_slice %arg5[%dma_wait3A_1513, %mul3A_2, %dma_wait3A_1521] : memref<100x4096x128xf32, #tpu.memory_space<hbm>> -> memref<1x128x64xf32, #tpu.memory_space<hbm>>
          %dma_wait3A_1523 = tpu.memref_squeeze %dma_wait3A_1522 : memref<1x128x64xf32, #tpu.memory_space<hbm>> -> memref<128x64xf32, #tpu.memory_space<hbm>>
          %dma_wait3A_1524 = arith.constant 0 : i32
          %dma_wait3A_1525 = arith.constant 0 : i32
          %dma_wait3A_1526 = tpu.memref_slice %arg8[%dma_wait3A_1511, %dma_wait3A_1512, %dma_wait3A_1524, %dma_wait3A_1525] : memref<2x4x128x64xf32, #tpu.memory_space<vmem>> -> memref<1x1x128x64xf32, #tpu.memory_space<vmem>>
          %dma_wait3A_1527 = tpu.memref_squeeze %dma_wait3A_1526 : memref<1x1x128x64xf32, #tpu.memory_space<vmem>> -> memref<128x64xf32, #tpu.memory_space<vmem>>
          tpu.wait_dma2 semaphore(%arg12 : memref<!tpu.dma_semaphore, #tpu.memory_space<semaphore_mem>>) src(%dma_wait3A_1527 : memref<128x64xf32, #tpu.memory_space<vmem>>) dst(%dma_wait3A_1523 : memref<128x64xf32, #tpu.memory_space<hbm>>)
        } else {
        }
        %add3A_1062 = arith.constant 1 : i32
        %add3A_1063 = arith.addi %add3A_789, %add3A_1062 : i32
        %mul3A_1064 = arith.constant 4 : i32
        %mul3A_1065 = arith.muli %mul3A_1064, %add3A_1063 : i32
        %add3A_1066 = arith.constant 0 : i32
        %add3A_1067 = arith.addi %mul3A_1065, %add3A_1066 : i32
        %broadcast_in_dim3A_1068 = vector.broadcast %add3A_1067 : i32 to vector<16xi32>
        %add3A_1069 = arith.constant 0 : i32
        %add3A_1070 = vector.broadcast %add3A_1069 : i32 to vector<16xi32>
        %add3A_1071 = arith.addi %add3A_1070, %iota3A : vector<16xi32>
        %gather3A_1072 = tpu.vector_load_idx %arg6[%add3A_1071, %broadcast_in_dim3A_1068] : memref<128x200xi32, #tpu.memory_space<vmem>>[vector<16xi32>, vector<16xi32>], vector<16xi32>,
        %swap3A_1073 = arith.constant 0 : i32
        %swap3A_1074 = arith.constant 0 : i32
        %swap3A_1075 = arith.index_cast %swap3A_1073 : i32 to index
        %swap3A_1076 = arith.index_cast %swap3A_1074 : i32 to index
        %swap3A_1077 = arith.constant 0 : index
        %swap3A_1078 = tpu.vector_load %arg7[%swap3A_1075, %swap3A_1076, %swap3A_1077] {strides = array<i32>} : memref<2x4x128xi32, #tpu.memory_space<vmem>>, vector<16xi32>,
        tpu.vector_store %arg7[%swap3A_1075, %swap3A_1076, %swap3A_1077], %gather3A_1072 {strides = array<i32>} : memref<2x4x128xi32, #tpu.memory_space<vmem>>, vector<16xi32>,
        %add3A_1079 = arith.constant 16 : i32
        %add3A_1080 = vector.broadcast %add3A_1079 : i32 to vector<16xi32>
        %add3A_1081 = arith.addi %add3A_1080, %iota3A : vector<16xi32>
        %gather3A_1082 = tpu.vector_load_idx %arg6[%add3A_1081, %broadcast_in_dim3A_1068] : memref<128x200xi32, #tpu.memory_space<vmem>>[vector<16xi32>, vector<16xi32>], vector<16xi32>,
        %swap3A_1083 = arith.constant 0 : i32
        %swap3A_1084 = arith.constant 0 : i32
        %swap3A_1085 = arith.index_cast %swap3A_1083 : i32 to index
        %swap3A_1086 = arith.index_cast %swap3A_1084 : i32 to index
        %swap3A_1087 = arith.constant 16 : index
        %swap3A_1088 = tpu.vector_load %arg7[%swap3A_1085, %swap3A_1086, %swap3A_1087] {strides = array<i32>} : memref<2x4x128xi32, #tpu.memory_space<vmem>>, vector<16xi32>,
        tpu.vector_store %arg7[%swap3A_1085, %swap3A_1086, %swap3A_1087], %gather3A_1082 {strides = array<i32>} : memref<2x4x128xi32, #tpu.memory_space<vmem>>, vector<16xi32>,
        %add3A_1089 = arith.constant 32 : i32
        %add3A_1090 = vector.broadcast %add3A_1089 : i32 to vector<16xi32>
        %add3A_1091 = arith.addi %add3A_1090, %iota3A : vector<16xi32>
        %gather3A_1092 = tpu.vector_load_idx %arg6[%add3A_1091, %broadcast_in_dim3A_1068] : memref<128x200xi32, #tpu.memory_space<vmem>>[vector<16xi32>, vector<16xi32>], vector<16xi32>,
        %swap3A_1093 = arith.constant 0 : i32
        %swap3A_1094 = arith.constant 0 : i32
        %swap3A_1095 = arith.index_cast %swap3A_1093 : i32 to index
        %swap3A_1096 = arith.index_cast %swap3A_1094 : i32 to index
        %swap3A_1097 = arith.constant 32 : index
        %swap3A_1098 = tpu.vector_load %arg7[%swap3A_1095, %swap3A_1096, %swap3A_1097] {strides = array<i32>} : memref<2x4x128xi32, #tpu.memory_space<vmem>>, vector<16xi32>,
        tpu.vector_store %arg7[%swap3A_1095, %swap3A_1096, %swap3A_1097], %gather3A_1092 {strides = array<i32>} : memref<2x4x128xi32, #tpu.memory_space<vmem>>, vector<16xi32>,
        %add3A_1099 = arith.constant 48 : i32
        %add3A_1100 = vector.broadcast %add3A_1099 : i32 to vector<16xi32>
        %add3A_1101 = arith.addi %add3A_1100, %iota3A : vector<16xi32>
        %gather3A_1102 = tpu.vector_load_idx %arg6[%add3A_1101, %broadcast_in_dim3A_1068] : memref<128x200xi32, #tpu.memory_space<vmem>>[vector<16xi32>, vector<16xi32>], vector<16xi32>,
        %swap3A_1103 = arith.constant 0 : i32
        %swap3A_1104 = arith.constant 0 : i32
        %swap3A_1105 = arith.index_cast %swap3A_1103 : i32 to index
        %swap3A_1106 = arith.index_cast %swap3A_1104 : i32 to index
        %swap3A_1107 = arith.constant 48 : index
        %swap3A_1108 = tpu.vector_load %arg7[%swap3A_1105, %swap3A_1106, %swap3A_1107] {strides = array<i32>} : memref<2x4x128xi32, #tpu.memory_space<vmem>>, vector<16xi32>,
        tpu.vector_store %arg7[%swap3A_1105, %swap3A_1106, %swap3A_1107], %gather3A_1102 {strides = array<i32>} : memref<2x4x128xi32, #tpu.memory_space<vmem>>, vector<16xi32>,
        %add3A_1109 = arith.constant 64 : i32
        %add3A_1110 = vector.broadcast %add3A_1109 : i32 to vector<16xi32>
        %add3A_1111 = arith.addi %add3A_1110, %iota3A : vector<16xi32>
        %gather3A_1112 = tpu.vector_load_idx %arg6[%add3A_1111, %broadcast_in_dim3A_1068] : memref<128x200xi32, #tpu.memory_space<vmem>>[vector<16xi32>, vector<16xi32>], vector<16xi32>,
        %swap3A_1113 = arith.constant 0 : i32
        %swap3A_1114 = arith.constant 0 : i32
        %swap3A_1115 = arith.index_cast %swap3A_1113 : i32 to index
        %swap3A_1116 = arith.index_cast %swap3A_1114 : i32 to index
        %swap3A_1117 = arith.constant 64 : index
        %swap3A_1118 = tpu.vector_load %arg7[%swap3A_1115, %swap3A_1116, %swap3A_1117] {strides = array<i32>} : memref<2x4x128xi32, #tpu.memory_space<vmem>>, vector<16xi32>,
        tpu.vector_store %arg7[%swap3A_1115, %swap3A_1116, %swap3A_1117], %gather3A_1112 {strides = array<i32>} : memref<2x4x128xi32, #tpu.memory_space<vmem>>, vector<16xi32>,
        %add3A_1119 = arith.constant 80 : i32
        %add3A_1120 = vector.broadcast %add3A_1119 : i32 to vector<16xi32>
        %add3A_1121 = arith.addi %add3A_1120, %iota3A : vector<16xi32>
        %gather3A_1122 = tpu.vector_load_idx %arg6[%add3A_1121, %broadcast_in_dim3A_1068] : memref<128x200xi32, #tpu.memory_space<vmem>>[vector<16xi32>, vector<16xi32>], vector<16xi32>,
        %swap3A_1123 = arith.constant 0 : i32
        %swap3A_1124 = arith.constant 0 : i32
        %swap3A_1125 = arith.index_cast %swap3A_1123 : i32 to index
        %swap3A_1126 = arith.index_cast %swap3A_1124 : i32 to index
        %swap3A_1127 = arith.constant 80 : index
        %swap3A_1128 = tpu.vector_load %arg7[%swap3A_1125, %swap3A_1126, %swap3A_1127] {strides = array<i32>} : memref<2x4x128xi32, #tpu.memory_space<vmem>>, vector<16xi32>,
        tpu.vector_store %arg7[%swap3A_1125, %swap3A_1126, %swap3A_1127], %gather3A_1122 {strides = array<i32>} : memref<2x4x128xi32, #tpu.memory_space<vmem>>, vector<16xi32>,
        %add3A_1129 = arith.constant 96 : i32
        %add3A_1130 = vector.broadcast %add3A_1129 : i32 to vector<16xi32>
        %add3A_1131 = arith.addi %add3A_1130, %iota3A : vector<16xi32>
        %gather3A_1132 = tpu.vector_load_idx %arg6[%add3A_1131, %broadcast_in_dim3A_1068] : memref<128x200xi32, #tpu.memory_space<vmem>>[vector<16xi32>, vector<16xi32>], vector<16xi32>,
        %swap3A_1133 = arith.constant 0 : i32
        %swap3A_1134 = arith.constant 0 : i32
        %swap3A_1135 = arith.index_cast %swap3A_1133 : i32 to index
        %swap3A_1136 = arith.index_cast %swap3A_1134 : i32 to index
        %swap3A_1137 = arith.constant 96 : index
        %swap3A_1138 = tpu.vector_load %arg7[%swap3A_1135, %swap3A_1136, %swap3A_1137] {strides = array<i32>} : memref<2x4x128xi32, #tpu.memory_space<vmem>>, vector<16xi32>,
        tpu.vector_store %arg7[%swap3A_1135, %swap3A_1136, %swap3A_1137], %gather3A_1132 {strides = array<i32>} : memref<2x4x128xi32, #tpu.memory_space<vmem>>, vector<16xi32>,
        %add3A_1139 = arith.constant 112 : i32
        %add3A_1140 = vector.broadcast %add3A_1139 : i32 to vector<16xi32>
        %add3A_1141 = arith.addi %add3A_1140, %iota3A : vector<16xi32>
        %gather3A_1142 = tpu.vector_load_idx %arg6[%add3A_1141, %broadcast_in_dim3A_1068] : memref<128x200xi32, #tpu.memory_space<vmem>>[vector<16xi32>, vector<16xi32>], vector<16xi32>,
        %swap3A_1143 = arith.constant 0 : i32
        %swap3A_1144 = arith.constant 0 : i32
        %swap3A_1145 = arith.index_cast %swap3A_1143 : i32 to index
        %swap3A_1146 = arith.index_cast %swap3A_1144 : i32 to index
        %swap3A_1147 = arith.constant 112 : index
        %swap3A_1148 = tpu.vector_load %arg7[%swap3A_1145, %swap3A_1146, %swap3A_1147] {strides = array<i32>} : memref<2x4x128xi32, #tpu.memory_space<vmem>>, vector<16xi32>,
        tpu.vector_store %arg7[%swap3A_1145, %swap3A_1146, %swap3A_1147], %gather3A_1142 {strides = array<i32>} : memref<2x4x128xi32, #tpu.memory_space<vmem>>, vector<16xi32>,
        %mul3A_1149 = arith.constant 4 : i32
        %mul3A_1150 = arith.muli %mul3A_1149, %add3A_1063 : i32
        %add3A_1151 = arith.constant 1 : i32
        %add3A_1152 = arith.addi %mul3A_1150, %add3A_1151 : i32
        %broadcast_in_dim3A_1153 = vector.broadcast %add3A_1152 : i32 to vector<16xi32>
        %add3A_1154 = arith.constant 0 : i32
        %add3A_1155 = vector.broadcast %add3A_1154 : i32 to vector<16xi32>
        %add3A_1156 = arith.addi %add3A_1155, %iota3A : vector<16xi32>
        %gather3A_1157 = tpu.vector_load_idx %arg6[%add3A_1156, %broadcast_in_dim3A_1153] : memref<128x200xi32, #tpu.memory_space<vmem>>[vector<16xi32>, vector<16xi32>], vector<16xi32>,
        %swap3A_1158 = arith.constant 0 : i32
        %swap3A_1159 = arith.constant 1 : i32
        %swap3A_1160 = arith.index_cast %swap3A_1158 : i32 to index
        %swap3A_1161 = arith.index_cast %swap3A_1159 : i32 to index
        %swap3A_1162 = arith.constant 0 : index
        %swap3A_1163 = tpu.vector_load %arg7[%swap3A_1160, %swap3A_1161, %swap3A_1162] {strides = array<i32>} : memref<2x4x128xi32, #tpu.memory_space<vmem>>, vector<16xi32>,
        tpu.vector_store %arg7[%swap3A_1160, %swap3A_1161, %swap3A_1162], %gather3A_1157 {strides = array<i32>} : memref<2x4x128xi32, #tpu.memory_space<vmem>>, vector<16xi32>,
        %add3A_1164 = arith.constant 16 : i32
        %add3A_1165 = vector.broadcast %add3A_1164 : i32 to vector<16xi32>
        %add3A_1166 = arith.addi %add3A_1165, %iota3A : vector<16xi32>
        %gather3A_1167 = tpu.vector_load_idx %arg6[%add3A_1166, %broadcast_in_dim3A_1153] : memref<128x200xi32, #tpu.memory_space<vmem>>[vector<16xi32>, vector<16xi32>], vector<16xi32>,
        %swap3A_1168 = arith.constant 0 : i32
        %swap3A_1169 = arith.constant 1 : i32
        %swap3A_1170 = arith.index_cast %swap3A_1168 : i32 to index
        %swap3A_1171 = arith.index_cast %swap3A_1169 : i32 to index
        %swap3A_1172 = arith.constant 16 : index
        %swap3A_1173 = tpu.vector_load %arg7[%swap3A_1170, %swap3A_1171, %swap3A_1172] {strides = array<i32>} : memref<2x4x128xi32, #tpu.memory_space<vmem>>, vector<16xi32>,
        tpu.vector_store %arg7[%swap3A_1170, %swap3A_1171, %swap3A_1172], %gather3A_1167 {strides = array<i32>} : memref<2x4x128xi32, #tpu.memory_space<vmem>>, vector<16xi32>,
        %add3A_1174 = arith.constant 32 : i32
        %add3A_1175 = vector.broadcast %add3A_1174 : i32 to vector<16xi32>
        %add3A_1176 = arith.addi %add3A_1175, %iota3A : vector<16xi32>
        %gather3A_1177 = tpu.vector_load_idx %arg6[%add3A_1176, %broadcast_in_dim3A_1153] : memref<128x200xi32, #tpu.memory_space<vmem>>[vector<16xi32>, vector<16xi32>], vector<16xi32>,
        %swap3A_1178 = arith.constant 0 : i32
        %swap3A_1179 = arith.constant 1 : i32
        %swap3A_1180 = arith.index_cast %swap3A_1178 : i32 to index
        %swap3A_1181 = arith.index_cast %swap3A_1179 : i32 to index
        %swap3A_1182 = arith.constant 32 : index
        %swap3A_1183 = tpu.vector_load %arg7[%swap3A_1180, %swap3A_1181, %swap3A_1182] {strides = array<i32>} : memref<2x4x128xi32, #tpu.memory_space<vmem>>, vector<16xi32>,
        tpu.vector_store %arg7[%swap3A_1180, %swap3A_1181, %swap3A_1182], %gather3A_1177 {strides = array<i32>} : memref<2x4x128xi32, #tpu.memory_space<vmem>>, vector<16xi32>,
        %add3A_1184 = arith.constant 48 : i32
        %add3A_1185 = vector.broadcast %add3A_1184 : i32 to vector<16xi32>
        %add3A_1186 = arith.addi %add3A_1185, %iota3A : vector<16xi32>
        %gather3A_1187 = tpu.vector_load_idx %arg6[%add3A_1186, %broadcast_in_dim3A_1153] : memref<128x200xi32, #tpu.memory_space<vmem>>[vector<16xi32>, vector<16xi32>], vector<16xi32>,
        %swap3A_1188 = arith.constant 0 : i32
        %swap3A_1189 = arith.constant 1 : i32
        %swap3A_1190 = arith.index_cast %swap3A_1188 : i32 to index
        %swap3A_1191 = arith.index_cast %swap3A_1189 : i32 to index
        %swap3A_1192 = arith.constant 48 : index
        %swap3A_1193 = tpu.vector_load %arg7[%swap3A_1190, %swap3A_1191, %swap3A_1192] {strides = array<i32>} : memref<2x4x128xi32, #tpu.memory_space<vmem>>, vector<16xi32>,
        tpu.vector_store %arg7[%swap3A_1190, %swap3A_1191, %swap3A_1192], %gather3A_1187 {strides = array<i32>} : memref<2x4x128xi32, #tpu.memory_space<vmem>>, vector<16xi32>,
        %add3A_1194 = arith.constant 64 : i32
        %add3A_1195 = vector.broadcast %add3A_1194 : i32 to vector<16xi32>
        %add3A_1196 = arith.addi %add3A_1195, %iota3A : vector<16xi32>
        %gather3A_1197 = tpu.vector_load_idx %arg6[%add3A_1196, %broadcast_in_dim3A_1153] : memref<128x200xi32, #tpu.memory_space<vmem>>[vector<16xi32>, vector<16xi32>], vector<16xi32>,
        %swap3A_1198 = arith.constant 0 : i32
        %swap3A_1199 = arith.constant 1 : i32
        %swap3A_1200 = arith.index_cast %swap3A_1198 : i32 to index
        %swap3A_1201 = arith.index_cast %swap3A_1199 : i32 to index
        %swap3A_1202 = arith.constant 64 : index
        %swap3A_1203 = tpu.vector_load %arg7[%swap3A_1200, %swap3A_1201, %swap3A_1202] {strides = array<i32>} : memref<2x4x128xi32, #tpu.memory_space<vmem>>, vector<16xi32>,
        tpu.vector_store %arg7[%swap3A_1200, %swap3A_1201, %swap3A_1202], %gather3A_1197 {strides = array<i32>} : memref<2x4x128xi32, #tpu.memory_space<vmem>>, vector<16xi32>,
        %add3A_1204 = arith.constant 80 : i32
        %add3A_1205 = vector.broadcast %add3A_1204 : i32 to vector<16xi32>
        %add3A_1206 = arith.addi %add3A_1205, %iota3A : vector<16xi32>
        %gather3A_1207 = tpu.vector_load_idx %arg6[%add3A_1206, %broadcast_in_dim3A_1153] : memref<128x200xi32, #tpu.memory_space<vmem>>[vector<16xi32>, vector<16xi32>], vector<16xi32>,
        %swap3A_1208 = arith.constant 0 : i32
        %swap3A_1209 = arith.constant 1 : i32
        %swap3A_1210 = arith.index_cast %swap3A_1208 : i32 to index
        %swap3A_1211 = arith.index_cast %swap3A_1209 : i32 to index
        %swap3A_1212 = arith.constant 80 : index
        %swap3A_1213 = tpu.vector_load %arg7[%swap3A_1210, %swap3A_1211, %swap3A_1212] {strides = array<i32>} : memref<2x4x128xi32, #tpu.memory_space<vmem>>, vector<16xi32>,
        tpu.vector_store %arg7[%swap3A_1210, %swap3A_1211, %swap3A_1212], %gather3A_1207 {strides = array<i32>} : memref<2x4x128xi32, #tpu.memory_space<vmem>>, vector<16xi32>,
        %add3A_1214 = arith.constant 96 : i32
        %add3A_1215 = vector.broadcast %add3A_1214 : i32 to vector<16xi32>
        %add3A_1216 = arith.addi %add3A_1215, %iota3A : vector<16xi32>
        %gather3A_1217 = tpu.vector_load_idx %arg6[%add3A_1216, %broadcast_in_dim3A_1153] : memref<128x200xi32, #tpu.memory_space<vmem>>[vector<16xi32>, vector<16xi32>], vector<16xi32>,
        %swap3A_1218 = arith.constant 0 : i32
        %swap3A_1219 = arith.constant 1 : i32
        %swap3A_1220 = arith.index_cast %swap3A_1218 : i32 to index
        %swap3A_1221 = arith.index_cast %swap3A_1219 : i32 to index
        %swap3A_1222 = arith.constant 96 : index
        %swap3A_1223 = tpu.vector_load %arg7[%swap3A_1220, %swap3A_1221, %swap3A_1222] {strides = array<i32>} : memref<2x4x128xi32, #tpu.memory_space<vmem>>, vector<16xi32>,
        tpu.vector_store %arg7[%swap3A_1220, %swap3A_1221, %swap3A_1222], %gather3A_1217 {strides = array<i32>} : memref<2x4x128xi32, #tpu.memory_space<vmem>>, vector<16xi32>,
        %add3A_1224 = arith.constant 112 : i32
        %add3A_1225 = vector.broadcast %add3A_1224 : i32 to vector<16xi32>
        %add3A_1226 = arith.addi %add3A_1225, %iota3A : vector<16xi32>
        %gather3A_1227 = tpu.vector_load_idx %arg6[%add3A_1226, %broadcast_in_dim3A_1153] : memref<128x200xi32, #tpu.memory_space<vmem>>[vector<16xi32>, vector<16xi32>], vector<16xi32>,
        %swap3A_1228 = arith.constant 0 : i32
        %swap3A_1229 = arith.constant 1 : i32
        %swap3A_1230 = arith.index_cast %swap3A_1228 : i32 to index
        %swap3A_1231 = arith.index_cast %swap3A_1229 : i32 to index
        %swap3A_1232 = arith.constant 112 : index
        %swap3A_1233 = tpu.vector_load %arg7[%swap3A_1230, %swap3A_1231, %swap3A_1232] {strides = array<i32>} : memref<2x4x128xi32, #tpu.memory_space<vmem>>, vector<16xi32>,
        tpu.vector_store %arg7[%swap3A_1230, %swap3A_1231, %swap3A_1232], %gather3A_1227 {strides = array<i32>} : memref<2x4x128xi32, #tpu.memory_space<vmem>>, vector<16xi32>,
        %mul3A_1234 = arith.constant 4 : i32
        %mul3A_1235 = arith.muli %mul3A_1234, %add3A_1063 : i32
        %add3A_1236 = arith.constant 2 : i32
        %add3A_1237 = arith.addi %mul3A_1235, %add3A_1236 : i32
        %broadcast_in_dim3A_1238 = vector.broadcast %add3A_1237 : i32 to vector<16xi32>
        %add3A_1239 = arith.constant 0 : i32
        %add3A_1240 = vector.broadcast %add3A_1239 : i32 to vector<16xi32>
        %add3A_1241 = arith.addi %add3A_1240, %iota3A : vector<16xi32>
        %gather3A_1242 = tpu.vector_load_idx %arg6[%add3A_1241, %broadcast_in_dim3A_1238] : memref<128x200xi32, #tpu.memory_space<vmem>>[vector<16xi32>, vector<16xi32>], vector<16xi32>,
        %swap3A_1243 = arith.constant 0 : i32
        %swap3A_1244 = arith.constant 2 : i32
        %swap3A_1245 = arith.index_cast %swap3A_1243 : i32 to index
        %swap3A_1246 = arith.index_cast %swap3A_1244 : i32 to index
        %swap3A_1247 = arith.constant 0 : index
        %swap3A_1248 = tpu.vector_load %arg7[%swap3A_1245, %swap3A_1246, %swap3A_1247] {strides = array<i32>} : memref<2x4x128xi32, #tpu.memory_space<vmem>>, vector<16xi32>,
        tpu.vector_store %arg7[%swap3A_1245, %swap3A_1246, %swap3A_1247], %gather3A_1242 {strides = array<i32>} : memref<2x4x128xi32, #tpu.memory_space<vmem>>, vector<16xi32>,
        %add3A_1249 = arith.constant 16 : i32
        %add3A_1250 = vector.broadcast %add3A_1249 : i32 to vector<16xi32>
        %add3A_1251 = arith.addi %add3A_1250, %iota3A : vector<16xi32>
        %gather3A_1252 = tpu.vector_load_idx %arg6[%add3A_1251, %broadcast_in_dim3A_1238] : memref<128x200xi32, #tpu.memory_space<vmem>>[vector<16xi32>, vector<16xi32>], vector<16xi32>,
        %swap3A_1253 = arith.constant 0 : i32
        %swap3A_1254 = arith.constant 2 : i32
        %swap3A_1255 = arith.index_cast %swap3A_1253 : i32 to index
        %swap3A_1256 = arith.index_cast %swap3A_1254 : i32 to index
        %swap3A_1257 = arith.constant 16 : index
        %swap3A_1258 = tpu.vector_load %arg7[%swap3A_1255, %swap3A_1256, %swap3A_1257] {strides = array<i32>} : memref<2x4x128xi32, #tpu.memory_space<vmem>>, vector<16xi32>,
        tpu.vector_store %arg7[%swap3A_1255, %swap3A_1256, %swap3A_1257], %gather3A_1252 {strides = array<i32>} : memref<2x4x128xi32, #tpu.memory_space<vmem>>, vector<16xi32>,
        %add3A_1259 = arith.constant 32 : i32
        %add3A_1260 = vector.broadcast %add3A_1259 : i32 to vector<16xi32>
        %add3A_1261 = arith.addi %add3A_1260, %iota3A : vector<16xi32>
        %gather3A_1262 = tpu.vector_load_idx %arg6[%add3A_1261, %broadcast_in_dim3A_1238] : memref<128x200xi32, #tpu.memory_space<vmem>>[vector<16xi32>, vector<16xi32>], vector<16xi32>,
        %swap3A_1263 = arith.constant 0 : i32
        %swap3A_1264 = arith.constant 2 : i32
        %swap3A_1265 = arith.index_cast %swap3A_1263 : i32 to index
        %swap3A_1266 = arith.index_cast %swap3A_1264 : i32 to index
        %swap3A_1267 = arith.constant 32 : index
        %swap3A_1268 = tpu.vector_load %arg7[%swap3A_1265, %swap3A_1266, %swap3A_1267] {strides = array<i32>} : memref<2x4x128xi32, #tpu.memory_space<vmem>>, vector<16xi32>,
        tpu.vector_store %arg7[%swap3A_1265, %swap3A_1266, %swap3A_1267], %gather3A_1262 {strides = array<i32>} : memref<2x4x128xi32, #tpu.memory_space<vmem>>, vector<16xi32>,
        %add3A_1269 = arith.constant 48 : i32
        %add3A_1270 = vector.broadcast %add3A_1269 : i32 to vector<16xi32>
        %add3A_1271 = arith.addi %add3A_1270, %iota3A : vector<16xi32>
        %gather3A_1272 = tpu.vector_load_idx %arg6[%add3A_1271, %broadcast_in_dim3A_1238] : memref<128x200xi32, #tpu.memory_space<vmem>>[vector<16xi32>, vector<16xi32>], vector<16xi32>,
        %swap3A_1273 = arith.constant 0 : i32
        %swap3A_1274 = arith.constant 2 : i32
        %swap3A_1275 = arith.index_cast %swap3A_1273 : i32 to index
        %swap3A_1276 = arith.index_cast %swap3A_1274 : i32 to index
        %swap3A_1277 = arith.constant 48 : index
        %swap3A_1278 = tpu.vector_load %arg7[%swap3A_1275, %swap3A_1276, %swap3A_1277] {strides = array<i32>} : memref<2x4x128xi32, #tpu.memory_space<vmem>>, vector<16xi32>,
        tpu.vector_store %arg7[%swap3A_1275, %swap3A_1276, %swap3A_1277], %gather3A_1272 {strides = array<i32>} : memref<2x4x128xi32, #tpu.memory_space<vmem>>, vector<16xi32>,
        %add3A_1279 = arith.constant 64 : i32
        %add3A_1280 = vector.broadcast %add3A_1279 : i32 to vector<16xi32>
        %add3A_1281 = arith.addi %add3A_1280, %iota3A : vector<16xi32>
        %gather3A_1282 = tpu.vector_load_idx %arg6[%add3A_1281, %broadcast_in_dim3A_1238] : memref<128x200xi32, #tpu.memory_space<vmem>>[vector<16xi32>, vector<16xi32>], vector<16xi32>,
        %swap3A_1283 = arith.constant 0 : i32
        %swap3A_1284 = arith.constant 2 : i32
        %swap3A_1285 = arith.index_cast %swap3A_1283 : i32 to index
        %swap3A_1286 = arith.index_cast %swap3A_1284 : i32 to index
        %swap3A_1287 = arith.constant 64 : index
        %swap3A_1288 = tpu.vector_load %arg7[%swap3A_1285, %swap3A_1286, %swap3A_1287] {strides = array<i32>} : memref<2x4x128xi32, #tpu.memory_space<vmem>>, vector<16xi32>,
        tpu.vector_store %arg7[%swap3A_1285, %swap3A_1286, %swap3A_1287], %gather3A_1282 {strides = array<i32>} : memref<2x4x128xi32, #tpu.memory_space<vmem>>, vector<16xi32>,
        %add3A_1289 = arith.constant 80 : i32
        %add3A_1290 = vector.broadcast %add3A_1289 : i32 to vector<16xi32>
        %add3A_1291 = arith.addi %add3A_1290, %iota3A : vector<16xi32>
        %gather3A_1292 = tpu.vector_load_idx %arg6[%add3A_1291, %broadcast_in_dim3A_1238] : memref<128x200xi32, #tpu.memory_space<vmem>>[vector<16xi32>, vector<16xi32>], vector<16xi32>,
        %swap3A_1293 = arith.constant 0 : i32
        %swap3A_1294 = arith.constant 2 : i32
        %swap3A_1295 = arith.index_cast %swap3A_1293 : i32 to index
        %swap3A_1296 = arith.index_cast %swap3A_1294 : i32 to index
        %swap3A_1297 = arith.constant 80 : index
        %swap3A_1298 = tpu.vector_load %arg7[%swap3A_1295, %swap3A_1296, %swap3A_1297] {strides = array<i32>} : memref<2x4x128xi32, #tpu.memory_space<vmem>>, vector<16xi32>,
        tpu.vector_store %arg7[%swap3A_1295, %swap3A_1296, %swap3A_1297], %gather3A_1292 {strides = array<i32>} : memref<2x4x128xi32, #tpu.memory_space<vmem>>, vector<16xi32>,
        %add3A_1299 = arith.constant 96 : i32
        %add3A_1300 = vector.broadcast %add3A_1299 : i32 to vector<16xi32>
        %add3A_1301 = arith.addi %add3A_1300, %iota3A : vector<16xi32>
        %gather3A_1302 = tpu.vector_load_idx %arg6[%add3A_1301, %broadcast_in_dim3A_1238] : memref<128x200xi32, #tpu.memory_space<vmem>>[vector<16xi32>, vector<16xi32>], vector<16xi32>,
        %swap3A_1303 = arith.constant 0 : i32
        %swap3A_1304 = arith.constant 2 : i32
        %swap3A_1305 = arith.index_cast %swap3A_1303 : i32 to index
        %swap3A_1306 = arith.index_cast %swap3A_1304 : i32 to index
        %swap3A_1307 = arith.constant 96 : index
        %swap3A_1308 = tpu.vector_load %arg7[%swap3A_1305, %swap3A_1306, %swap3A_1307] {strides = array<i32>} : memref<2x4x128xi32, #tpu.memory_space<vmem>>, vector<16xi32>,
        tpu.vector_store %arg7[%swap3A_1305, %swap3A_1306, %swap3A_1307], %gather3A_1302 {strides = array<i32>} : memref<2x4x128xi32, #tpu.memory_space<vmem>>, vector<16xi32>,
        %add3A_1309 = arith.constant 112 : i32
        %add3A_1310 = vector.broadcast %add3A_1309 : i32 to vector<16xi32>
        %add3A_1311 = arith.addi %add3A_1310, %iota3A : vector<16xi32>
        %gather3A_1312 = tpu.vector_load_idx %arg6[%add3A_1311, %broadcast_in_dim3A_1238] : memref<128x200xi32, #tpu.memory_space<vmem>>[vector<16xi32>, vector<16xi32>], vector<16xi32>,
        %swap3A_1313 = arith.constant 0 : i32
        %swap3A_1314 = arith.constant 2 : i32
        %swap3A_1315 = arith.index_cast %swap3A_1313 : i32 to index
        %swap3A_1316 = arith.index_cast %swap3A_1314 : i32 to index
        %swap3A_1317 = arith.constant 112 : index
        %swap3A_1318 = tpu.vector_load %arg7[%swap3A_1315, %swap3A_1316, %swap3A_1317] {strides = array<i32>} : memref<2x4x128xi32, #tpu.memory_space<vmem>>, vector<16xi32>,
        tpu.vector_store %arg7[%swap3A_1315, %swap3A_1316, %swap3A_1317], %gather3A_1312 {strides = array<i32>} : memref<2x4x128xi32, #tpu.memory_space<vmem>>, vector<16xi32>,
        %mul3A_1319 = arith.constant 4 : i32
        %mul3A_1320 = arith.muli %mul3A_1319, %add3A_1063 : i32
        %add3A_1321 = arith.constant 3 : i32
        %add3A_1322 = arith.addi %mul3A_1320, %add3A_1321 : i32
        %broadcast_in_dim3A_1323 = vector.broadcast %add3A_1322 : i32 to vector<16xi32>
        %add3A_1324 = arith.constant 0 : i32
        %add3A_1325 = vector.broadcast %add3A_1324 : i32 to vector<16xi32>
        %add3A_1326 = arith.addi %add3A_1325, %iota3A : vector<16xi32>
        %gather3A_1327 = tpu.vector_load_idx %arg6[%add3A_1326, %broadcast_in_dim3A_1323] : memref<128x200xi32, #tpu.memory_space<vmem>>[vector<16xi32>, vector<16xi32>], vector<16xi32>,
        %swap3A_1328 = arith.constant 0 : i32
        %swap3A_1329 = arith.constant 3 : i32
        %swap3A_1330 = arith.index_cast %swap3A_1328 : i32 to index
        %swap3A_1331 = arith.index_cast %swap3A_1329 : i32 to index
        %swap3A_1332 = arith.constant 0 : index
        %swap3A_1333 = tpu.vector_load %arg7[%swap3A_1330, %swap3A_1331, %swap3A_1332] {strides = array<i32>} : memref<2x4x128xi32, #tpu.memory_space<vmem>>, vector<16xi32>,
        tpu.vector_store %arg7[%swap3A_1330, %swap3A_1331, %swap3A_1332], %gather3A_1327 {strides = array<i32>} : memref<2x4x128xi32, #tpu.memory_space<vmem>>, vector<16xi32>,
        %add3A_1334 = arith.constant 16 : i32
        %add3A_1335 = vector.broadcast %add3A_1334 : i32 to vector<16xi32>
        %add3A_1336 = arith.addi %add3A_1335, %iota3A : vector<16xi32>
        %gather3A_1337 = tpu.vector_load_idx %arg6[%add3A_1336, %broadcast_in_dim3A_1323] : memref<128x200xi32, #tpu.memory_space<vmem>>[vector<16xi32>, vector<16xi32>], vector<16xi32>,
        %swap3A_1338 = arith.constant 0 : i32
        %swap3A_1339 = arith.constant 3 : i32
        %swap3A_1340 = arith.index_cast %swap3A_1338 : i32 to index
        %swap3A_1341 = arith.index_cast %swap3A_1339 : i32 to index
        %swap3A_1342 = arith.constant 16 : index
        %swap3A_1343 = tpu.vector_load %arg7[%swap3A_1340, %swap3A_1341, %swap3A_1342] {strides = array<i32>} : memref<2x4x128xi32, #tpu.memory_space<vmem>>, vector<16xi32>,
        tpu.vector_store %arg7[%swap3A_1340, %swap3A_1341, %swap3A_1342], %gather3A_1337 {strides = array<i32>} : memref<2x4x128xi32, #tpu.memory_space<vmem>>, vector<16xi32>,
        %add3A_1344 = arith.constant 32 : i32
        %add3A_1345 = vector.broadcast %add3A_1344 : i32 to vector<16xi32>
        %add3A_1346 = arith.addi %add3A_1345, %iota3A : vector<16xi32>
        %gather3A_1347 = tpu.vector_load_idx %arg6[%add3A_1346, %broadcast_in_dim3A_1323] : memref<128x200xi32, #tpu.memory_space<vmem>>[vector<16xi32>, vector<16xi32>], vector<16xi32>,
        %swap3A_1348 = arith.constant 0 : i32
        %swap3A_1349 = arith.constant 3 : i32
        %swap3A_1350 = arith.index_cast %swap3A_1348 : i32 to index
        %swap3A_1351 = arith.index_cast %swap3A_1349 : i32 to index
        %swap3A_1352 = arith.constant 32 : index
        %swap3A_1353 = tpu.vector_load %arg7[%swap3A_1350, %swap3A_1351, %swap3A_1352] {strides = array<i32>} : memref<2x4x128xi32, #tpu.memory_space<vmem>>, vector<16xi32>,
        tpu.vector_store %arg7[%swap3A_1350, %swap3A_1351, %swap3A_1352], %gather3A_1347 {strides = array<i32>} : memref<2x4x128xi32, #tpu.memory_space<vmem>>, vector<16xi32>,
        %add3A_1354 = arith.constant 48 : i32
        %add3A_1355 = vector.broadcast %add3A_1354 : i32 to vector<16xi32>
        %add3A_1356 = arith.addi %add3A_1355, %iota3A : vector<16xi32>
        %gather3A_1357 = tpu.vector_load_idx %arg6[%add3A_1356, %broadcast_in_dim3A_1323] : memref<128x200xi32, #tpu.memory_space<vmem>>[vector<16xi32>, vector<16xi32>], vector<16xi32>,
        %swap3A_1358 = arith.constant 0 : i32
        %swap3A_1359 = arith.constant 3 : i32
        %swap3A_1360 = arith.index_cast %swap3A_1358 : i32 to index
        %swap3A_1361 = arith.index_cast %swap3A_1359 : i32 to index
        %swap3A_1362 = arith.constant 48 : index
        %swap3A_1363 = tpu.vector_load %arg7[%swap3A_1360, %swap3A_1361, %swap3A_1362] {strides = array<i32>} : memref<2x4x128xi32, #tpu.memory_space<vmem>>, vector<16xi32>,
        tpu.vector_store %arg7[%swap3A_1360, %swap3A_1361, %swap3A_1362], %gather3A_1357 {strides = array<i32>} : memref<2x4x128xi32, #tpu.memory_space<vmem>>, vector<16xi32>,
        %add3A_1364 = arith.constant 64 : i32
        %add3A_1365 = vector.broadcast %add3A_1364 : i32 to vector<16xi32>
        %add3A_1366 = arith.addi %add3A_1365, %iota3A : vector<16xi32>
        %gather3A_1367 = tpu.vector_load_idx %arg6[%add3A_1366, %broadcast_in_dim3A_1323] : memref<128x200xi32, #tpu.memory_space<vmem>>[vector<16xi32>, vector<16xi32>], vector<16xi32>,
        %swap3A_1368 = arith.constant 0 : i32
        %swap3A_1369 = arith.constant 3 : i32
        %swap3A_1370 = arith.index_cast %swap3A_1368 : i32 to index
        %swap3A_1371 = arith.index_cast %swap3A_1369 : i32 to index
        %swap3A_1372 = arith.constant 64 : index
        %swap3A_1373 = tpu.vector_load %arg7[%swap3A_1370, %swap3A_1371, %swap3A_1372] {strides = array<i32>} : memref<2x4x128xi32, #tpu.memory_space<vmem>>, vector<16xi32>,
        tpu.vector_store %arg7[%swap3A_1370, %swap3A_1371, %swap3A_1372], %gather3A_1367 {strides = array<i32>} : memref<2x4x128xi32, #tpu.memory_space<vmem>>, vector<16xi32>,
        %add3A_1374 = arith.constant 80 : i32
        %add3A_1375 = vector.broadcast %add3A_1374 : i32 to vector<16xi32>
        %add3A_1376 = arith.addi %add3A_1375, %iota3A : vector<16xi32>
        %gather3A_1377 = tpu.vector_load_idx %arg6[%add3A_1376, %broadcast_in_dim3A_1323] : memref<128x200xi32, #tpu.memory_space<vmem>>[vector<16xi32>, vector<16xi32>], vector<16xi32>,
        %swap3A_1378 = arith.constant 0 : i32
        %swap3A_1379 = arith.constant 3 : i32
        %swap3A_1380 = arith.index_cast %swap3A_1378 : i32 to index
        %swap3A_1381 = arith.index_cast %swap3A_1379 : i32 to index
        %swap3A_1382 = arith.constant 80 : index
        %swap3A_1383 = tpu.vector_load %arg7[%swap3A_1380, %swap3A_1381, %swap3A_1382] {strides = array<i32>} : memref<2x4x128xi32, #tpu.memory_space<vmem>>, vector<16xi32>,
        tpu.vector_store %arg7[%swap3A_1380, %swap3A_1381, %swap3A_1382], %gather3A_1377 {strides = array<i32>} : memref<2x4x128xi32, #tpu.memory_space<vmem>>, vector<16xi32>,
        %add3A_1384 = arith.constant 96 : i32
        %add3A_1385 = vector.broadcast %add3A_1384 : i32 to vector<16xi32>
        %add3A_1386 = arith.addi %add3A_1385, %iota3A : vector<16xi32>
        %gather3A_1387 = tpu.vector_load_idx %arg6[%add3A_1386, %broadcast_in_dim3A_1323] : memref<128x200xi32, #tpu.memory_space<vmem>>[vector<16xi32>, vector<16xi32>], vector<16xi32>,
        %swap3A_1388 = arith.constant 0 : i32
        %swap3A_1389 = arith.constant 3 : i32
        %swap3A_1390 = arith.index_cast %swap3A_1388 : i32 to index
        %swap3A_1391 = arith.index_cast %swap3A_1389 : i32 to index
        %swap3A_1392 = arith.constant 96 : index
        %swap3A_1393 = tpu.vector_load %arg7[%swap3A_1390, %swap3A_1391, %swap3A_1392] {strides = array<i32>} : memref<2x4x128xi32, #tpu.memory_space<vmem>>, vector<16xi32>,
        tpu.vector_store %arg7[%swap3A_1390, %swap3A_1391, %swap3A_1392], %gather3A_1387 {strides = array<i32>} : memref<2x4x128xi32, #tpu.memory_space<vmem>>, vector<16xi32>,
        %add3A_1394 = arith.constant 112 : i32
        %add3A_1395 = vector.broadcast %add3A_1394 : i32 to vector<16xi32>
        %add3A_1396 = arith.addi %add3A_1395, %iota3A : vector<16xi32>
        %gather3A_1397 = tpu.vector_load_idx %arg6[%add3A_1396, %broadcast_in_dim3A_1323] : memref<128x200xi32, #tpu.memory_space<vmem>>[vector<16xi32>, vector<16xi32>], vector<16xi32>,
        %swap3A_1398 = arith.constant 0 : i32
        %swap3A_1399 = arith.constant 3 : i32
        %swap3A_1400 = arith.index_cast %swap3A_1398 : i32 to index
        %swap3A_1401 = arith.index_cast %swap3A_1399 : i32 to index
        %swap3A_1402 = arith.constant 112 : index
        %swap3A_1403 = tpu.vector_load %arg7[%swap3A_1400, %swap3A_1401, %swap3A_1402] {strides = array<i32>} : memref<2x4x128xi32, #tpu.memory_space<vmem>>, vector<16xi32>,
        tpu.vector_store %arg7[%swap3A_1400, %swap3A_1401, %swap3A_1402], %gather3A_1397 {strides = array<i32>} : memref<2x4x128xi32, #tpu.memory_space<vmem>>, vector<16xi32>,
        %dma_start3A_1404 = arith.constant 0 : i32
        %dma_start3A_1405 = arith.constant 0 : i32
        %dma_start3A_1406 = arith.constant 0 : i32
        %dma_start3A_1407 = arith.constant 0 : i32
        %dma_start3A_1408 = arith.constant 0 : i32
        %dma_start3A_1409 = arith.constant 0 : i32
        %dma_start3A_1410 = tpu.memref_slice %arg8[%dma_start3A_1406, %dma_start3A_1407, %dma_start3A_1408, %dma_start3A_1409] : memref<2x4x128x64xf32, #tpu.memory_space<vmem>> -> memref<1x1x128x64xf32, #tpu.memory_space<vmem>>
        %dma_start3A_1411 = tpu.memref_squeeze %dma_start3A_1410 : memref<1x1x128x64xf32, #tpu.memory_space<vmem>> -> memref<128x64xf32, #tpu.memory_space<vmem>>
        %dma_start3A_1412 = arith.constant 0 : i32
        %dma_start3A_1413 = tpu.memref_slice %arg7[%dma_start3A_1404, %dma_start3A_1405, %dma_start3A_1412] : memref<2x4x128xi32, #tpu.memory_space<vmem>> -> memref<1x1x128xi32, #tpu.memory_space<vmem>>
        %dma_start3A_1414 = tpu.memref_squeeze %dma_start3A_1413 : memref<1x1x128xi32, #tpu.memory_space<vmem>> -> memref<128xi32, #tpu.memory_space<vmem>>
        %dma_start3A_1415 = arith.constant 0 : i32
        %dma_start3A_1416 = arith.constant 0 : i32
        %dma_start3A_1417 = tpu.memref_slice %arg3[%dma_start3A_1415, %dma_start3A_1416] : memref<100001x64xf32, #tpu.memory_space<hbm>> -> memref<100001x64xf32, #tpu.memory_space<hbm>>
        tpu.enqueue_indirect_dma source(%dma_start3A_1417 : memref<100001x64xf32, #tpu.memory_space<hbm>>) target(%dma_start3A_1411 : memref<128x64xf32, #tpu.memory_space<vmem>>) offsets(%dma_start3A_1414 : memref<128xi32, #tpu.memory_space<vmem>>) semaphore(%arg10 : memref<!tpu.dma_semaphore, #tpu.memory_space<semaphore_mem>>)
        %dma_start3A_1418 = arith.constant 0 : i32
        %dma_start3A_1419 = arith.constant 1 : i32
        %dma_start3A_1420 = arith.constant 0 : i32
        %dma_start3A_1421 = arith.constant 1 : i32
        %dma_start3A_1422 = arith.constant 0 : i32
        %dma_start3A_1423 = arith.constant 0 : i32
        %dma_start3A_1424 = tpu.memref_slice %arg8[%dma_start3A_1420, %dma_start3A_1421, %dma_start3A_1422, %dma_start3A_1423] : memref<2x4x128x64xf32, #tpu.memory_space<vmem>> -> memref<1x1x128x64xf32, #tpu.memory_space<vmem>>
        %dma_start3A_1425 = tpu.memref_squeeze %dma_start3A_1424 : memref<1x1x128x64xf32, #tpu.memory_space<vmem>> -> memref<128x64xf32, #tpu.memory_space<vmem>>
        %dma_start3A_1426 = arith.constant 0 : i32
        %dma_start3A_1427 = tpu.memref_slice %arg7[%dma_start3A_1418, %dma_start3A_1419, %dma_start3A_1426] : memref<2x4x128xi32, #tpu.memory_space<vmem>> -> memref<1x1x128xi32, #tpu.memory_space<vmem>>
        %dma_start3A_1428 = tpu.memref_squeeze %dma_start3A_1427 : memref<1x1x128xi32, #tpu.memory_space<vmem>> -> memref<128xi32, #tpu.memory_space<vmem>>
        %dma_start3A_1429 = arith.constant 0 : i32
        %dma_start3A_1430 = arith.constant 0 : i32
        %dma_start3A_1431 = tpu.memref_slice %arg3[%dma_start3A_1429, %dma_start3A_1430] : memref<100001x64xf32, #tpu.memory_space<hbm>> -> memref<100001x64xf32, #tpu.memory_space<hbm>>
        tpu.enqueue_indirect_dma source(%dma_start3A_1431 : memref<100001x64xf32, #tpu.memory_space<hbm>>) target(%dma_start3A_1425 : memref<128x64xf32, #tpu.memory_space<vmem>>) offsets(%dma_start3A_1428 : memref<128xi32, #tpu.memory_space<vmem>>) semaphore(%arg10 : memref<!tpu.dma_semaphore, #tpu.memory_space<semaphore_mem>>)
        %dma_start3A_1432 = arith.constant 0 : i32
        %dma_start3A_1433 = arith.constant 2 : i32
        %dma_start3A_1434 = arith.constant 0 : i32
        %dma_start3A_1435 = arith.constant 2 : i32
        %dma_start3A_1436 = arith.constant 0 : i32
        %dma_start3A_1437 = arith.constant 0 : i32
        %dma_start3A_1438 = tpu.memref_slice %arg8[%dma_start3A_1434, %dma_start3A_1435, %dma_start3A_1436, %dma_start3A_1437] : memref<2x4x128x64xf32, #tpu.memory_space<vmem>> -> memref<1x1x128x64xf32, #tpu.memory_space<vmem>>
        %dma_start3A_1439 = tpu.memref_squeeze %dma_start3A_1438 : memref<1x1x128x64xf32, #tpu.memory_space<vmem>> -> memref<128x64xf32, #tpu.memory_space<vmem>>
        %dma_start3A_1440 = arith.constant 0 : i32
        %dma_start3A_1441 = tpu.memref_slice %arg7[%dma_start3A_1432, %dma_start3A_1433, %dma_start3A_1440] : memref<2x4x128xi32, #tpu.memory_space<vmem>> -> memref<1x1x128xi32, #tpu.memory_space<vmem>>
        %dma_start3A_1442 = tpu.memref_squeeze %dma_start3A_1441 : memref<1x1x128xi32, #tpu.memory_space<vmem>> -> memref<128xi32, #tpu.memory_space<vmem>>
        %dma_start3A_1443 = arith.constant 0 : i32
        %dma_start3A_1444 = arith.constant 0 : i32
        %dma_start3A_1445 = tpu.memref_slice %arg3[%dma_start3A_1443, %dma_start3A_1444] : memref<100001x64xf32, #tpu.memory_space<hbm>> -> memref<100001x64xf32, #tpu.memory_space<hbm>>
        tpu.enqueue_indirect_dma source(%dma_start3A_1445 : memref<100001x64xf32, #tpu.memory_space<hbm>>) target(%dma_start3A_1439 : memref<128x64xf32, #tpu.memory_space<vmem>>) offsets(%dma_start3A_1442 : memref<128xi32, #tpu.memory_space<vmem>>) semaphore(%arg10 : memref<!tpu.dma_semaphore, #tpu.memory_space<semaphore_mem>>)
        %dma_start3A_1446 = arith.constant 0 : i32
        %dma_start3A_1447 = arith.constant 3 : i32
        %dma_start3A_1448 = arith.constant 0 : i32
        %dma_start3A_1449 = arith.constant 3 : i32
        %dma_start3A_1450 = arith.constant 0 : i32
        %dma_start3A_1451 = arith.constant 0 : i32
        %dma_start3A_1452 = tpu.memref_slice %arg8[%dma_start3A_1448, %dma_start3A_1449, %dma_start3A_1450, %dma_start3A_1451] : memref<2x4x128x64xf32, #tpu.memory_space<vmem>> -> memref<1x1x128x64xf32, #tpu.memory_space<vmem>>
        %dma_start3A_1453 = tpu.memref_squeeze %dma_start3A_1452 : memref<1x1x128x64xf32, #tpu.memory_space<vmem>> -> memref<128x64xf32, #tpu.memory_space<vmem>>
        %dma_start3A_1454 = arith.constant 0 : i32
        %dma_start3A_1455 = tpu.memref_slice %arg7[%dma_start3A_1446, %dma_start3A_1447, %dma_start3A_1454] : memref<2x4x128xi32, #tpu.memory_space<vmem>> -> memref<1x1x128xi32, #tpu.memory_space<vmem>>
        %dma_start3A_1456 = tpu.memref_squeeze %dma_start3A_1455 : memref<1x1x128xi32, #tpu.memory_space<vmem>> -> memref<128xi32, #tpu.memory_space<vmem>>
        %dma_start3A_1457 = arith.constant 0 : i32
        %dma_start3A_1458 = arith.constant 0 : i32
        %dma_start3A_1459 = tpu.memref_slice %arg3[%dma_start3A_1457, %dma_start3A_1458] : memref<100001x64xf32, #tpu.memory_space<hbm>> -> memref<100001x64xf32, #tpu.memory_space<hbm>>
        tpu.enqueue_indirect_dma source(%dma_start3A_1459 : memref<100001x64xf32, #tpu.memory_space<hbm>>) target(%dma_start3A_1453 : memref<128x64xf32, #tpu.memory_space<vmem>>) offsets(%dma_start3A_1456 : memref<128xi32, #tpu.memory_space<vmem>>) semaphore(%arg10 : memref<!tpu.dma_semaphore, #tpu.memory_space<semaphore_mem>>)
      } else {
      }
      %dma_wait3A_797 = arith.constant 1 : i32
      %dma_wait3A_798 = arith.constant 0 : i32
      %dma_wait3A_799 = arith.constant 1 : i32
      %dma_wait3A_800 = arith.constant 0 : i32
      %dma_wait3A_801 = arith.constant 0 : i32
      %dma_wait3A_802 = arith.constant 0 : i32
      %dma_wait3A_803 = tpu.memref_slice %arg8[%dma_wait3A_799, %dma_wait3A_800, %dma_wait3A_801, %dma_wait3A_802] : memref<2x4x128x64xf32, #tpu.memory_space<vmem>> -> memref<1x1x128x64xf32, #tpu.memory_space<vmem>>
      %dma_wait3A_804 = tpu.memref_squeeze %dma_wait3A_803 : memref<1x1x128x64xf32, #tpu.memory_space<vmem>> -> memref<128x64xf32, #tpu.memory_space<vmem>>
      %dma_wait3A_805 = arith.constant 0 : i32
      %dma_wait3A_806 = tpu.memref_slice %arg7[%dma_wait3A_797, %dma_wait3A_798, %dma_wait3A_805] : memref<2x4x128xi32, #tpu.memory_space<vmem>> -> memref<1x1x128xi32, #tpu.memory_space<vmem>>
      %dma_wait3A_807 = tpu.memref_squeeze %dma_wait3A_806 : memref<1x1x128xi32, #tpu.memory_space<vmem>> -> memref<128xi32, #tpu.memory_space<vmem>>
      %dma_wait3A_808 = arith.constant 0 : i32
      %dma_wait3A_809 = arith.constant 0 : i32
      %dma_wait3A_810 = tpu.memref_slice %arg3[%dma_wait3A_808, %dma_wait3A_809] : memref<100001x64xf32, #tpu.memory_space<hbm>> -> memref<100001x64xf32, #tpu.memory_space<hbm>>
      tpu.wait_indirect_dma semaphore(%arg11 : memref<!tpu.dma_semaphore, #tpu.memory_space<semaphore_mem>>) src(%dma_wait3A_810 : memref<100001x64xf32, #tpu.memory_space<hbm>>) dst(%dma_wait3A_804 : memref<128x64xf32, #tpu.memory_space<vmem>>)
      %dma_wait3A_811 = arith.constant 1 : i32
      %dma_wait3A_812 = arith.constant 1 : i32
      %dma_wait3A_813 = arith.constant 1 : i32
      %dma_wait3A_814 = arith.constant 1 : i32
      %dma_wait3A_815 = arith.constant 0 : i32
      %dma_wait3A_816 = arith.constant 0 : i32
      %dma_wait3A_817 = tpu.memref_slice %arg8[%dma_wait3A_813, %dma_wait3A_814, %dma_wait3A_815, %dma_wait3A_816] : memref<2x4x128x64xf32, #tpu.memory_space<vmem>> -> memref<1x1x128x64xf32, #tpu.memory_space<vmem>>
      %dma_wait3A_818 = tpu.memref_squeeze %dma_wait3A_817 : memref<1x1x128x64xf32, #tpu.memory_space<vmem>> -> memref<128x64xf32, #tpu.memory_space<vmem>>
      %dma_wait3A_819 = arith.constant 0 : i32
      %dma_wait3A_820 = tpu.memref_slice %arg7[%dma_wait3A_811, %dma_wait3A_812, %dma_wait3A_819] : memref<2x4x128xi32, #tpu.memory_space<vmem>> -> memref<1x1x128xi32, #tpu.memory_space<vmem>>
      %dma_wait3A_821 = tpu.memref_squeeze %dma_wait3A_820 : memref<1x1x128xi32, #tpu.memory_space<vmem>> -> memref<128xi32, #tpu.memory_space<vmem>>
      %dma_wait3A_822 = arith.constant 0 : i32
      %dma_wait3A_823 = arith.constant 0 : i32
      %dma_wait3A_824 = tpu.memref_slice %arg3[%dma_wait3A_822, %dma_wait3A_823] : memref<100001x64xf32, #tpu.memory_space<hbm>> -> memref<100001x64xf32, #tpu.memory_space<hbm>>
      tpu.wait_indirect_dma semaphore(%arg11 : memref<!tpu.dma_semaphore, #tpu.memory_space<semaphore_mem>>) src(%dma_wait3A_824 : memref<100001x64xf32, #tpu.memory_space<hbm>>) dst(%dma_wait3A_818 : memref<128x64xf32, #tpu.memory_space<vmem>>)
      %dma_wait3A_825 = arith.constant 1 : i32
      %dma_wait3A_826 = arith.constant 2 : i32
      %dma_wait3A_827 = arith.constant 1 : i32
      %dma_wait3A_828 = arith.constant 2 : i32
      %dma_wait3A_829 = arith.constant 0 : i32
      %dma_wait3A_830 = arith.constant 0 : i32
      %dma_wait3A_831 = tpu.memref_slice %arg8[%dma_wait3A_827, %dma_wait3A_828, %dma_wait3A_829, %dma_wait3A_830] : memref<2x4x128x64xf32, #tpu.memory_space<vmem>> -> memref<1x1x128x64xf32, #tpu.memory_space<vmem>>
      %dma_wait3A_832 = tpu.memref_squeeze %dma_wait3A_831 : memref<1x1x128x64xf32, #tpu.memory_space<vmem>> -> memref<128x64xf32, #tpu.memory_space<vmem>>
      %dma_wait3A_833 = arith.constant 0 : i32
      %dma_wait3A_834 = tpu.memref_slice %arg7[%dma_wait3A_825, %dma_wait3A_826, %dma_wait3A_833] : memref<2x4x128xi32, #tpu.memory_space<vmem>> -> memref<1x1x128xi32, #tpu.memory_space<vmem>>
      %dma_wait3A_835 = tpu.memref_squeeze %dma_wait3A_834 : memref<1x1x128xi32, #tpu.memory_space<vmem>> -> memref<128xi32, #tpu.memory_space<vmem>>
      %dma_wait3A_836 = arith.constant 0 : i32
      %dma_wait3A_837 = arith.constant 0 : i32
      %dma_wait3A_838 = tpu.memref_slice %arg3[%dma_wait3A_836, %dma_wait3A_837] : memref<100001x64xf32, #tpu.memory_space<hbm>> -> memref<100001x64xf32, #tpu.memory_space<hbm>>
      tpu.wait_indirect_dma semaphore(%arg11 : memref<!tpu.dma_semaphore, #tpu.memory_space<semaphore_mem>>) src(%dma_wait3A_838 : memref<100001x64xf32, #tpu.memory_space<hbm>>) dst(%dma_wait3A_832 : memref<128x64xf32, #tpu.memory_space<vmem>>)
      %dma_wait3A_839 = arith.constant 1 : i32
      %dma_wait3A_840 = arith.constant 3 : i32
      %dma_wait3A_841 = arith.constant 1 : i32
      %dma_wait3A_842 = arith.constant 3 : i32
      %dma_wait3A_843 = arith.constant 0 : i32
      %dma_wait3A_844 = arith.constant 0 : i32
      %dma_wait3A_845 = tpu.memref_slice %arg8[%dma_wait3A_841, %dma_wait3A_842, %dma_wait3A_843, %dma_wait3A_844] : memref<2x4x128x64xf32, #tpu.memory_space<vmem>> -> memref<1x1x128x64xf32, #tpu.memory_space<vmem>>
      %dma_wait3A_846 = tpu.memref_squeeze %dma_wait3A_845 : memref<1x1x128x64xf32, #tpu.memory_space<vmem>> -> memref<128x64xf32, #tpu.memory_space<vmem>>
      %dma_wait3A_847 = arith.constant 0 : i32
      %dma_wait3A_848 = tpu.memref_slice %arg7[%dma_wait3A_839, %dma_wait3A_840, %dma_wait3A_847] : memref<2x4x128xi32, #tpu.memory_space<vmem>> -> memref<1x1x128xi32, #tpu.memory_space<vmem>>
      %dma_wait3A_849 = tpu.memref_squeeze %dma_wait3A_848 : memref<1x1x128xi32, #tpu.memory_space<vmem>> -> memref<128xi32, #tpu.memory_space<vmem>>
      %dma_wait3A_850 = arith.constant 0 : i32
      %dma_wait3A_851 = arith.constant 0 : i32
      %dma_wait3A_852 = tpu.memref_slice %arg3[%dma_wait3A_850, %dma_wait3A_851] : memref<100001x64xf32, #tpu.memory_space<hbm>> -> memref<100001x64xf32, #tpu.memory_space<hbm>>
      tpu.wait_indirect_dma semaphore(%arg11 : memref<!tpu.dma_semaphore, #tpu.memory_space<semaphore_mem>>) src(%dma_wait3A_852 : memref<100001x64xf32, #tpu.memory_space<hbm>>) dst(%dma_wait3A_846 : memref<128x64xf32, #tpu.memory_space<vmem>>)
      %scan3A_853 = arith.constant 0 : i32
      %scan3A_854 = arith.constant 0 : i32
      %scan3A_855 = arith.constant 8 : i32
      %scan3A_856 = arith.addi %scan3A_854, %scan3A_855 : i32
      %scan3A_857 = arith.constant 1 : i32
      %scan3A_858 = scf.for %scan3A_1058 = %scan3A_854 to %scan3A_856 step %scan3A_857 iter_args(%scan3A_1059 = %scan3A_853) -> (i32)  : i32 {
        %mul3A_1060 = arith.constant 16 : i32
        %mul3A_1061 = arith.muli %scan3A_1058, %mul3A_1060 : i32
        %add3A_1062 = vector.broadcast %mul3A_1061 : i32 to vector<16xi32>
        %add3A_1063 = arith.addi %add3A_1062, %iota3A : vector<16xi32>
        %gather3A_1064 = arith.constant 1 : i32
        %gather3A_1065 = arith.constant 0 : i32
        %gather3A_1066 = arith.constant 0 : i32
        %gather3A_1067 = tpu.memref_slice %arg7[%gather3A_1064, %gather3A_1065, %gather3A_1066] : memref<2x4x128xi32, #tpu.memory_space<vmem>> -> memref<1x1x128xi32, #tpu.memory_space<vmem>>
        %gather3A_1068 = tpu.memref_squeeze %gather3A_1067 : memref<1x1x128xi32, #tpu.memory_space<vmem>> -> memref<128xi32, #tpu.memory_space<vmem>>
        %gather3A_1069 = tpu.vector_load_idx %gather3A_1068[%add3A_1063] : memref<128xi32, #tpu.memory_space<vmem>>[vector<16xi32>], vector<16xi32>,
        %reduce_max3A = arith.constant true
        %reduce_max3A_1070 = vector.broadcast %reduce_max3A : i1 to vector<16xi1>
        %reduce_max3A_1071 = arith.constant -2147483648 : i32
        %reduce_max3A_1072 = vector.broadcast %reduce_max3A_1071 : i32 to vector<16xi32>
        %reduce_max3A_1073 = arith.xori %gather3A_1069, %reduce_max3A_1072 : vector<16xi32>
        %reduce_max3A_1074 = tpu.scan <max>, %reduce_max3A_1073 masked %reduce_max3A_1070 : vector<16xi32>, vector<16xi1> -> vector<16xi32>
        %reduce_max3A_1075 = arith.xori %reduce_max3A_1074, %reduce_max3A_1072 : vector<16xi32>
        %reduce_max3A_1076 = vector.extract %reduce_max3A_1075[15] : i32 from vector<16xi32>
        %gt3A = arith.constant 99990 : i32
        %gt3A_1077 = arith.cmpi sgt, %reduce_max3A_1076, %gt3A : i32
        %convert_element_type3A_1078 = arith.extui %gt3A_1077 : i1 to i32
        %cond3A_1079 = arith.constant 0 : i32
        %cond3A_1080 = arith.cmpi ne, %convert_element_type3A_1078, %cond3A_1079 : i32
        scf.if %cond3A_1080 {
          %sub3A_1082 = arith.constant 99990 : i32
          %sub3A_1083 = vector.broadcast %sub3A_1082 : i32 to vector<16xi32>
          %sub3A_1084 = arith.subi %gather3A_1069, %sub3A_1083 : vector<16xi32>
          %max3A = arith.constant 0 : i32
          %max3A_1085 = vector.broadcast %max3A : i32 to vector<16xi32>
          %max3A_1086 = arith.maxsi %sub3A_1084, %max3A_1085 : vector<16xi32>
          %scan3A_1087 = arith.constant 0 : i32
          %scan3A_1088 = arith.constant 0 : i32
          %scan3A_1089 = arith.constant 64 : i32
          %scan3A_1090 = arith.addi %scan3A_1088, %scan3A_1089 : i32
          %scan3A_1091 = arith.constant 1 : i32
          %scan3A_1092 = scf.for %scan3A_1094 = %scan3A_1088 to %scan3A_1090 step %scan3A_1091 iter_args(%scan3A_1095 = %scan3A_1087) -> (i32)  : i32 {
            %broadcast_in_dim3A_1096 = vector.broadcast %scan3A_1094 : i32 to vector<16xi32>
            %gather3A_1097 = tpu.vector_load_idx %arg9[%max3A_1086, %broadcast_in_dim3A_1096] : memref<11x64xf32, #tpu.memory_space<vmem>>[vector<16xi32>, vector<16xi32>], vector<16xf32>,
            %gather3A_1098 = arith.constant 1 : i32
            %gather3A_1099 = arith.constant 0 : i32
            %gather3A_1100 = arith.constant 0 : i32
            %gather3A_1101 = arith.constant 0 : i32
            %gather3A_1102 = tpu.memref_slice %arg8[%gather3A_1098, %gather3A_1099, %gather3A_1100, %gather3A_1101] : memref<2x4x128x64xf32, #tpu.memory_space<vmem>> -> memref<1x1x128x64xf32, #tpu.memory_space<vmem>>
            %gather3A_1103 = tpu.memref_squeeze %gather3A_1102 : memref<1x1x128x64xf32, #tpu.memory_space<vmem>> -> memref<128x64xf32, #tpu.memory_space<vmem>>
            %gather3A_1104 = tpu.vector_load_idx %gather3A_1103[%add3A_1063, %broadcast_in_dim3A_1096] : memref<128x64xf32, #tpu.memory_space<vmem>>[vector<16xi32>, vector<16xi32>], vector<16xf32>,
            %add3A_1105 = arith.addf %gather3A_1104, %gather3A_1097 : vector<16xf32>
            %scatter3A = arith.constant 1 : i32
            %scatter3A_1106 = arith.constant 0 : i32
            %scatter3A_1107 = arith.constant 0 : i32
            %scatter3A_1108 = arith.constant 0 : i32
            %scatter3A_1109 = tpu.memref_slice %arg8[%scatter3A, %scatter3A_1106, %scatter3A_1107, %scatter3A_1108] : memref<2x4x128x64xf32, #tpu.memory_space<vmem>> -> memref<1x1x128x64xf32, #tpu.memory_space<vmem>>
            %scatter3A_1110 = tpu.memref_squeeze %scatter3A_1109 : memref<1x1x128x64xf32, #tpu.memory_space<vmem>> -> memref<128x64xf32, #tpu.memory_space<vmem>>
            tpu.vector_store_idx %scatter3A_1110[%add3A_1063, %broadcast_in_dim3A_1096], %add3A_1105 : memref<128x64xf32, #tpu.memory_space<vmem>>[vector<16xi32>, vector<16xi32>], vector<16xf32>,
            %scan3A_1111 = arith.constant 0 : i32
            scf.yield %scan3A_1111 : i32
          }
          %scan3A_1093 = arith.constant 64 : i32
        } else {
        }
        %scan3A_1081 = arith.constant 0 : i32
        scf.yield %scan3A_1081 : i32
      }
      %scan3A_859 = arith.constant 8 : i32
      %scan3A_860 = arith.constant 0 : i32
      %scan3A_861 = arith.constant 0 : i32
      %scan3A_862 = arith.constant 8 : i32
      %scan3A_863 = arith.addi %scan3A_861, %scan3A_862 : i32
      %scan3A_864 = arith.constant 1 : i32
      %scan3A_865 = scf.for %scan3A_1058 = %scan3A_861 to %scan3A_863 step %scan3A_864 iter_args(%scan3A_1059 = %scan3A_860) -> (i32)  : i32 {
        %mul3A_1060 = arith.constant 16 : i32
        %mul3A_1061 = arith.muli %scan3A_1058, %mul3A_1060 : i32
        %add3A_1062 = vector.broadcast %mul3A_1061 : i32 to vector<16xi32>
        %add3A_1063 = arith.addi %add3A_1062, %iota3A : vector<16xi32>
        %gather3A_1064 = arith.constant 1 : i32
        %gather3A_1065 = arith.constant 1 : i32
        %gather3A_1066 = arith.constant 0 : i32
        %gather3A_1067 = tpu.memref_slice %arg7[%gather3A_1064, %gather3A_1065, %gather3A_1066] : memref<2x4x128xi32, #tpu.memory_space<vmem>> -> memref<1x1x128xi32, #tpu.memory_space<vmem>>
        %gather3A_1068 = tpu.memref_squeeze %gather3A_1067 : memref<1x1x128xi32, #tpu.memory_space<vmem>> -> memref<128xi32, #tpu.memory_space<vmem>>
        %gather3A_1069 = tpu.vector_load_idx %gather3A_1068[%add3A_1063] : memref<128xi32, #tpu.memory_space<vmem>>[vector<16xi32>], vector<16xi32>,
        %reduce_max3A = arith.constant true
        %reduce_max3A_1070 = vector.broadcast %reduce_max3A : i1 to vector<16xi1>
        %reduce_max3A_1071 = arith.constant -2147483648 : i32
        %reduce_max3A_1072 = vector.broadcast %reduce_max3A_1071 : i32 to vector<16xi32>
        %reduce_max3A_1073 = arith.xori %gather3A_1069, %reduce_max3A_1072 : vector<16xi32>
        %reduce_max3A_1074 = tpu.scan <max>, %reduce_max3A_1073 masked %reduce_max3A_1070 : vector<16xi32>, vector<16xi1> -> vector<16xi32>
        %reduce_max3A_1075 = arith.xori %reduce_max3A_1074, %reduce_max3A_1072 : vector<16xi32>
        %reduce_max3A_1076 = vector.extract %reduce_max3A_1075[15] : i32 from vector<16xi32>
        %gt3A = arith.constant 99990 : i32
        %gt3A_1077 = arith.cmpi sgt, %reduce_max3A_1076, %gt3A : i32
        %convert_element_type3A_1078 = arith.extui %gt3A_1077 : i1 to i32
        %cond3A_1079 = arith.constant 0 : i32
        %cond3A_1080 = arith.cmpi ne, %convert_element_type3A_1078, %cond3A_1079 : i32
        scf.if %cond3A_1080 {
          %sub3A_1082 = arith.constant 99990 : i32
          %sub3A_1083 = vector.broadcast %sub3A_1082 : i32 to vector<16xi32>
          %sub3A_1084 = arith.subi %gather3A_1069, %sub3A_1083 : vector<16xi32>
          %max3A = arith.constant 0 : i32
          %max3A_1085 = vector.broadcast %max3A : i32 to vector<16xi32>
          %max3A_1086 = arith.maxsi %sub3A_1084, %max3A_1085 : vector<16xi32>
          %scan3A_1087 = arith.constant 0 : i32
          %scan3A_1088 = arith.constant 0 : i32
          %scan3A_1089 = arith.constant 64 : i32
          %scan3A_1090 = arith.addi %scan3A_1088, %scan3A_1089 : i32
          %scan3A_1091 = arith.constant 1 : i32
          %scan3A_1092 = scf.for %scan3A_1094 = %scan3A_1088 to %scan3A_1090 step %scan3A_1091 iter_args(%scan3A_1095 = %scan3A_1087) -> (i32)  : i32 {
            %broadcast_in_dim3A_1096 = vector.broadcast %scan3A_1094 : i32 to vector<16xi32>
            %gather3A_1097 = tpu.vector_load_idx %arg9[%max3A_1086, %broadcast_in_dim3A_1096] : memref<11x64xf32, #tpu.memory_space<vmem>>[vector<16xi32>, vector<16xi32>], vector<16xf32>,
            %gather3A_1098 = arith.constant 1 : i32
            %gather3A_1099 = arith.constant 1 : i32
            %gather3A_1100 = arith.constant 0 : i32
            %gather3A_1101 = arith.constant 0 : i32
            %gather3A_1102 = tpu.memref_slice %arg8[%gather3A_1098, %gather3A_1099, %gather3A_1100, %gather3A_1101] : memref<2x4x128x64xf32, #tpu.memory_space<vmem>> -> memref<1x1x128x64xf32, #tpu.memory_space<vmem>>
            %gather3A_1103 = tpu.memref_squeeze %gather3A_1102 : memref<1x1x128x64xf32, #tpu.memory_space<vmem>> -> memref<128x64xf32, #tpu.memory_space<vmem>>
            %gather3A_1104 = tpu.vector_load_idx %gather3A_1103[%add3A_1063, %broadcast_in_dim3A_1096] : memref<128x64xf32, #tpu.memory_space<vmem>>[vector<16xi32>, vector<16xi32>], vector<16xf32>,
            %add3A_1105 = arith.addf %gather3A_1104, %gather3A_1097 : vector<16xf32>
            %scatter3A = arith.constant 1 : i32
            %scatter3A_1106 = arith.constant 1 : i32
            %scatter3A_1107 = arith.constant 0 : i32
            %scatter3A_1108 = arith.constant 0 : i32
            %scatter3A_1109 = tpu.memref_slice %arg8[%scatter3A, %scatter3A_1106, %scatter3A_1107, %scatter3A_1108] : memref<2x4x128x64xf32, #tpu.memory_space<vmem>> -> memref<1x1x128x64xf32, #tpu.memory_space<vmem>>
            %scatter3A_1110 = tpu.memref_squeeze %scatter3A_1109 : memref<1x1x128x64xf32, #tpu.memory_space<vmem>> -> memref<128x64xf32, #tpu.memory_space<vmem>>
            tpu.vector_store_idx %scatter3A_1110[%add3A_1063, %broadcast_in_dim3A_1096], %add3A_1105 : memref<128x64xf32, #tpu.memory_space<vmem>>[vector<16xi32>, vector<16xi32>], vector<16xf32>,
            %scan3A_1111 = arith.constant 0 : i32
            scf.yield %scan3A_1111 : i32
          }
          %scan3A_1093 = arith.constant 64 : i32
        } else {
        }
        %scan3A_1081 = arith.constant 0 : i32
        scf.yield %scan3A_1081 : i32
      }
      %scan3A_866 = arith.constant 8 : i32
      %scan3A_867 = arith.constant 0 : i32
      %scan3A_868 = arith.constant 0 : i32
      %scan3A_869 = arith.constant 8 : i32
      %scan3A_870 = arith.addi %scan3A_868, %scan3A_869 : i32
      %scan3A_871 = arith.constant 1 : i32
      %scan3A_872 = scf.for %scan3A_1058 = %scan3A_868 to %scan3A_870 step %scan3A_871 iter_args(%scan3A_1059 = %scan3A_867) -> (i32)  : i32 {
        %mul3A_1060 = arith.constant 16 : i32
        %mul3A_1061 = arith.muli %scan3A_1058, %mul3A_1060 : i32
        %add3A_1062 = vector.broadcast %mul3A_1061 : i32 to vector<16xi32>
        %add3A_1063 = arith.addi %add3A_1062, %iota3A : vector<16xi32>
        %gather3A_1064 = arith.constant 1 : i32
        %gather3A_1065 = arith.constant 2 : i32
        %gather3A_1066 = arith.constant 0 : i32
        %gather3A_1067 = tpu.memref_slice %arg7[%gather3A_1064, %gather3A_1065, %gather3A_1066] : memref<2x4x128xi32, #tpu.memory_space<vmem>> -> memref<1x1x128xi32, #tpu.memory_space<vmem>>
        %gather3A_1068 = tpu.memref_squeeze %gather3A_1067 : memref<1x1x128xi32, #tpu.memory_space<vmem>> -> memref<128xi32, #tpu.memory_space<vmem>>
        %gather3A_1069 = tpu.vector_load_idx %gather3A_1068[%add3A_1063] : memref<128xi32, #tpu.memory_space<vmem>>[vector<16xi32>], vector<16xi32>,
        %reduce_max3A = arith.constant true
        %reduce_max3A_1070 = vector.broadcast %reduce_max3A : i1 to vector<16xi1>
        %reduce_max3A_1071 = arith.constant -2147483648 : i32
        %reduce_max3A_1072 = vector.broadcast %reduce_max3A_1071 : i32 to vector<16xi32>
        %reduce_max3A_1073 = arith.xori %gather3A_1069, %reduce_max3A_1072 : vector<16xi32>
        %reduce_max3A_1074 = tpu.scan <max>, %reduce_max3A_1073 masked %reduce_max3A_1070 : vector<16xi32>, vector<16xi1> -> vector<16xi32>
        %reduce_max3A_1075 = arith.xori %reduce_max3A_1074, %reduce_max3A_1072 : vector<16xi32>
        %reduce_max3A_1076 = vector.extract %reduce_max3A_1075[15] : i32 from vector<16xi32>
        %gt3A = arith.constant 99990 : i32
        %gt3A_1077 = arith.cmpi sgt, %reduce_max3A_1076, %gt3A : i32
        %convert_element_type3A_1078 = arith.extui %gt3A_1077 : i1 to i32
        %cond3A_1079 = arith.constant 0 : i32
        %cond3A_1080 = arith.cmpi ne, %convert_element_type3A_1078, %cond3A_1079 : i32
        scf.if %cond3A_1080 {
          %sub3A_1082 = arith.constant 99990 : i32
          %sub3A_1083 = vector.broadcast %sub3A_1082 : i32 to vector<16xi32>
          %sub3A_1084 = arith.subi %gather3A_1069, %sub3A_1083 : vector<16xi32>
          %max3A = arith.constant 0 : i32
          %max3A_1085 = vector.broadcast %max3A : i32 to vector<16xi32>
          %max3A_1086 = arith.maxsi %sub3A_1084, %max3A_1085 : vector<16xi32>
          %scan3A_1087 = arith.constant 0 : i32
          %scan3A_1088 = arith.constant 0 : i32
          %scan3A_1089 = arith.constant 64 : i32
          %scan3A_1090 = arith.addi %scan3A_1088, %scan3A_1089 : i32
          %scan3A_1091 = arith.constant 1 : i32
          %scan3A_1092 = scf.for %scan3A_1094 = %scan3A_1088 to %scan3A_1090 step %scan3A_1091 iter_args(%scan3A_1095 = %scan3A_1087) -> (i32)  : i32 {
            %broadcast_in_dim3A_1096 = vector.broadcast %scan3A_1094 : i32 to vector<16xi32>
            %gather3A_1097 = tpu.vector_load_idx %arg9[%max3A_1086, %broadcast_in_dim3A_1096] : memref<11x64xf32, #tpu.memory_space<vmem>>[vector<16xi32>, vector<16xi32>], vector<16xf32>,
            %gather3A_1098 = arith.constant 1 : i32
            %gather3A_1099 = arith.constant 2 : i32
            %gather3A_1100 = arith.constant 0 : i32
            %gather3A_1101 = arith.constant 0 : i32
            %gather3A_1102 = tpu.memref_slice %arg8[%gather3A_1098, %gather3A_1099, %gather3A_1100, %gather3A_1101] : memref<2x4x128x64xf32, #tpu.memory_space<vmem>> -> memref<1x1x128x64xf32, #tpu.memory_space<vmem>>
            %gather3A_1103 = tpu.memref_squeeze %gather3A_1102 : memref<1x1x128x64xf32, #tpu.memory_space<vmem>> -> memref<128x64xf32, #tpu.memory_space<vmem>>
            %gather3A_1104 = tpu.vector_load_idx %gather3A_1103[%add3A_1063, %broadcast_in_dim3A_1096] : memref<128x64xf32, #tpu.memory_space<vmem>>[vector<16xi32>, vector<16xi32>], vector<16xf32>,
            %add3A_1105 = arith.addf %gather3A_1104, %gather3A_1097 : vector<16xf32>
            %scatter3A = arith.constant 1 : i32
            %scatter3A_1106 = arith.constant 2 : i32
            %scatter3A_1107 = arith.constant 0 : i32
            %scatter3A_1108 = arith.constant 0 : i32
            %scatter3A_1109 = tpu.memref_slice %arg8[%scatter3A, %scatter3A_1106, %scatter3A_1107, %scatter3A_1108] : memref<2x4x128x64xf32, #tpu.memory_space<vmem>> -> memref<1x1x128x64xf32, #tpu.memory_space<vmem>>
            %scatter3A_1110 = tpu.memref_squeeze %scatter3A_1109 : memref<1x1x128x64xf32, #tpu.memory_space<vmem>> -> memref<128x64xf32, #tpu.memory_space<vmem>>
            tpu.vector_store_idx %scatter3A_1110[%add3A_1063, %broadcast_in_dim3A_1096], %add3A_1105 : memref<128x64xf32, #tpu.memory_space<vmem>>[vector<16xi32>, vector<16xi32>], vector<16xf32>,
            %scan3A_1111 = arith.constant 0 : i32
            scf.yield %scan3A_1111 : i32
          }
          %scan3A_1093 = arith.constant 64 : i32
        } else {
        }
        %scan3A_1081 = arith.constant 0 : i32
        scf.yield %scan3A_1081 : i32
      }
      %scan3A_873 = arith.constant 8 : i32
      %scan3A_874 = arith.constant 0 : i32
      %scan3A_875 = arith.constant 0 : i32
      %scan3A_876 = arith.constant 8 : i32
      %scan3A_877 = arith.addi %scan3A_875, %scan3A_876 : i32
      %scan3A_878 = arith.constant 1 : i32
      %scan3A_879 = scf.for %scan3A_1058 = %scan3A_875 to %scan3A_877 step %scan3A_878 iter_args(%scan3A_1059 = %scan3A_874) -> (i32)  : i32 {
        %mul3A_1060 = arith.constant 16 : i32
        %mul3A_1061 = arith.muli %scan3A_1058, %mul3A_1060 : i32
        %add3A_1062 = vector.broadcast %mul3A_1061 : i32 to vector<16xi32>
        %add3A_1063 = arith.addi %add3A_1062, %iota3A : vector<16xi32>
        %gather3A_1064 = arith.constant 1 : i32
        %gather3A_1065 = arith.constant 3 : i32
        %gather3A_1066 = arith.constant 0 : i32
        %gather3A_1067 = tpu.memref_slice %arg7[%gather3A_1064, %gather3A_1065, %gather3A_1066] : memref<2x4x128xi32, #tpu.memory_space<vmem>> -> memref<1x1x128xi32, #tpu.memory_space<vmem>>
        %gather3A_1068 = tpu.memref_squeeze %gather3A_1067 : memref<1x1x128xi32, #tpu.memory_space<vmem>> -> memref<128xi32, #tpu.memory_space<vmem>>
        %gather3A_1069 = tpu.vector_load_idx %gather3A_1068[%add3A_1063] : memref<128xi32, #tpu.memory_space<vmem>>[vector<16xi32>], vector<16xi32>,
        %reduce_max3A = arith.constant true
        %reduce_max3A_1070 = vector.broadcast %reduce_max3A : i1 to vector<16xi1>
        %reduce_max3A_1071 = arith.constant -2147483648 : i32
        %reduce_max3A_1072 = vector.broadcast %reduce_max3A_1071 : i32 to vector<16xi32>
        %reduce_max3A_1073 = arith.xori %gather3A_1069, %reduce_max3A_1072 : vector<16xi32>
        %reduce_max3A_1074 = tpu.scan <max>, %reduce_max3A_1073 masked %reduce_max3A_1070 : vector<16xi32>, vector<16xi1> -> vector<16xi32>
        %reduce_max3A_1075 = arith.xori %reduce_max3A_1074, %reduce_max3A_1072 : vector<16xi32>
        %reduce_max3A_1076 = vector.extract %reduce_max3A_1075[15] : i32 from vector<16xi32>
        %gt3A = arith.constant 99990 : i32
        %gt3A_1077 = arith.cmpi sgt, %reduce_max3A_1076, %gt3A : i32
        %convert_element_type3A_1078 = arith.extui %gt3A_1077 : i1 to i32
        %cond3A_1079 = arith.constant 0 : i32
        %cond3A_1080 = arith.cmpi ne, %convert_element_type3A_1078, %cond3A_1079 : i32
        scf.if %cond3A_1080 {
          %sub3A_1082 = arith.constant 99990 : i32
          %sub3A_1083 = vector.broadcast %sub3A_1082 : i32 to vector<16xi32>
          %sub3A_1084 = arith.subi %gather3A_1069, %sub3A_1083 : vector<16xi32>
          %max3A = arith.constant 0 : i32
          %max3A_1085 = vector.broadcast %max3A : i32 to vector<16xi32>
          %max3A_1086 = arith.maxsi %sub3A_1084, %max3A_1085 : vector<16xi32>
          %scan3A_1087 = arith.constant 0 : i32
          %scan3A_1088 = arith.constant 0 : i32
          %scan3A_1089 = arith.constant 64 : i32
          %scan3A_1090 = arith.addi %scan3A_1088, %scan3A_1089 : i32
          %scan3A_1091 = arith.constant 1 : i32
          %scan3A_1092 = scf.for %scan3A_1094 = %scan3A_1088 to %scan3A_1090 step %scan3A_1091 iter_args(%scan3A_1095 = %scan3A_1087) -> (i32)  : i32 {
            %broadcast_in_dim3A_1096 = vector.broadcast %scan3A_1094 : i32 to vector<16xi32>
            %gather3A_1097 = tpu.vector_load_idx %arg9[%max3A_1086, %broadcast_in_dim3A_1096] : memref<11x64xf32, #tpu.memory_space<vmem>>[vector<16xi32>, vector<16xi32>], vector<16xf32>,
            %gather3A_1098 = arith.constant 1 : i32
            %gather3A_1099 = arith.constant 3 : i32
            %gather3A_1100 = arith.constant 0 : i32
            %gather3A_1101 = arith.constant 0 : i32
            %gather3A_1102 = tpu.memref_slice %arg8[%gather3A_1098, %gather3A_1099, %gather3A_1100, %gather3A_1101] : memref<2x4x128x64xf32, #tpu.memory_space<vmem>> -> memref<1x1x128x64xf32, #tpu.memory_space<vmem>>
            %gather3A_1103 = tpu.memref_squeeze %gather3A_1102 : memref<1x1x128x64xf32, #tpu.memory_space<vmem>> -> memref<128x64xf32, #tpu.memory_space<vmem>>
            %gather3A_1104 = tpu.vector_load_idx %gather3A_1103[%add3A_1063, %broadcast_in_dim3A_1096] : memref<128x64xf32, #tpu.memory_space<vmem>>[vector<16xi32>, vector<16xi32>], vector<16xf32>,
            %add3A_1105 = arith.addf %gather3A_1104, %gather3A_1097 : vector<16xf32>
            %scatter3A = arith.constant 1 : i32
            %scatter3A_1106 = arith.constant 3 : i32
            %scatter3A_1107 = arith.constant 0 : i32
            %scatter3A_1108 = arith.constant 0 : i32
            %scatter3A_1109 = tpu.memref_slice %arg8[%scatter3A, %scatter3A_1106, %scatter3A_1107, %scatter3A_1108] : memref<2x4x128x64xf32, #tpu.memory_space<vmem>> -> memref<1x1x128x64xf32, #tpu.memory_space<vmem>>
            %scatter3A_1110 = tpu.memref_squeeze %scatter3A_1109 : memref<1x1x128x64xf32, #tpu.memory_space<vmem>> -> memref<128x64xf32, #tpu.memory_space<vmem>>
            tpu.vector_store_idx %scatter3A_1110[%add3A_1063, %broadcast_in_dim3A_1096], %add3A_1105 : memref<128x64xf32, #tpu.memory_space<vmem>>[vector<16xi32>, vector<16xi32>], vector<16xf32>,
            %scan3A_1111 = arith.constant 0 : i32
            scf.yield %scan3A_1111 : i32
          }
          %scan3A_1093 = arith.constant 64 : i32
        } else {
        }
        %scan3A_1081 = arith.constant 0 : i32
        scf.yield %scan3A_1081 : i32
      }
      %scan3A_880 = arith.constant 8 : i32
      %mul3A_881 = arith.constant 4 : i32
      %mul3A_882 = arith.muli %mul3A_881, %add3A_789 : i32
      %add3A_883 = arith.constant 0 : i32
      %add3A_884 = arith.addi %mul3A_882, %add3A_883 : i32
      %jit3A_885 = arith.constant 2 : i32
      %div3A_886 = arith.divsi %add3A_884, %jit3A_885 : i32
      %sign3A_887 = arith.constant 0 : i32
      %sign3A_888 = arith.cmpi sgt, %add3A_884, %sign3A_887 : i32
      %sign3A_889 = arith.extui %sign3A_888 : i1 to i32
      %sign3A_890 = arith.constant 0 : i32
      %sign3A_891 = arith.cmpi slt, %add3A_884, %sign3A_890 : i32
      %sign3A_892 = arith.extui %sign3A_891 : i1 to i32
      %sign3A_893 = arith.subi %sign3A_889, %sign3A_892 : i32
      %sign3A_894 = arith.constant 0 : i32
      %sign3A_895 = arith.cmpi sgt, %jit3A_885, %sign3A_894 : i32
      %sign3A_896 = arith.extui %sign3A_895 : i1 to i32
      %sign3A_897 = arith.constant 0 : i32
      %sign3A_898 = arith.cmpi slt, %jit3A_885, %sign3A_897 : i32
      %sign3A_899 = arith.extui %sign3A_898 : i1 to i32
      %sign3A_900 = arith.subi %sign3A_896, %sign3A_899 : i32
      %ne3A_901 = arith.cmpi ne, %sign3A_893, %sign3A_900 : i32
      %rem3A_902 = arith.remsi %add3A_884, %jit3A_885 : i32
      %ne3A_903 = arith.constant 0 : i32
      %ne3A_904 = arith.cmpi ne, %rem3A_902, %ne3A_903 : i32
      %and3A_905 = arith.andi %ne3A_901, %ne3A_904 : i1
      %sub3A_906 = arith.constant 1 : i32
      %sub3A_907 = arith.subi %div3A_886, %sub3A_906 : i32
      %select_n3A_908 = arith.select %and3A_905, %sub3A_907, %div3A_886 : i32
      %dma_start3A_909 = arith.constant 1 : i32
      %dma_start3A_910 = arith.constant 0 : i32
      %dma_start3A_911 = arith.constant 0 : i32
      %dma_start3A_912 = arith.constant 0 : i32
      %dma_start3A_913 = tpu.memref_slice %arg8[%dma_start3A_909, %dma_start3A_910, %dma_start3A_911, %dma_start3A_912] : memref<2x4x128x64xf32, #tpu.memory_space<vmem>> -> memref<1x1x128x64xf32, #tpu.memory_space<vmem>>
      %dma_start3A_914 = tpu.memref_squeeze %dma_start3A_913 : memref<1x1x128x64xf32, #tpu.memory_space<vmem>> -> memref<128x64xf32, #tpu.memory_space<vmem>>
      %dma_start3A_915 = arith.constant 0 : i32
      %dma_start3A_916 = tpu.memref_slice %arg5[%select_n3A_908, %mul3A_2, %dma_start3A_915] : memref<100x4096x128xf32, #tpu.memory_space<hbm>> -> memref<1x128x64xf32, #tpu.memory_space<hbm>>
      %dma_start3A_917 = tpu.memref_squeeze %dma_start3A_916 : memref<1x128x64xf32, #tpu.memory_space<hbm>> -> memref<128x64xf32, #tpu.memory_space<hbm>>
      %dma_start3A_918 = arith.constant 0 : i32
      %dma_start3A_919 = tpu.memref_slice %arg5[%select_n3A_908, %mul3A_2, %dma_start3A_918] : memref<100x4096x128xf32, #tpu.memory_space<hbm>> -> memref<1x128x64xf32, #tpu.memory_space<hbm>>
      %dma_start3A_920 = tpu.memref_squeeze %dma_start3A_919 : memref<1x128x64xf32, #tpu.memory_space<hbm>> -> memref<128x64xf32, #tpu.memory_space<hbm>>
      %dma_start3A_921 = arith.constant 0 : i32
      %dma_start3A_922 = arith.constant 0 : i32
      %dma_start3A_923 = tpu.memref_slice %arg8[%dma_start3A_909, %dma_start3A_910, %dma_start3A_921, %dma_start3A_922] : memref<2x4x128x64xf32, #tpu.memory_space<vmem>> -> memref<1x1x128x64xf32, #tpu.memory_space<vmem>>
      %dma_start3A_924 = tpu.memref_squeeze %dma_start3A_923 : memref<1x1x128x64xf32, #tpu.memory_space<vmem>> -> memref<128x64xf32, #tpu.memory_space<vmem>>
      tpu.enqueue_dma source(%dma_start3A_924 : memref<128x64xf32, #tpu.memory_space<vmem>>) target(%dma_start3A_920 : memref<128x64xf32, #tpu.memory_space<hbm>>) target_semaphore(%arg13 : memref<!tpu.dma_semaphore, #tpu.memory_space<semaphore_mem>>)
      %mul3A_925 = arith.constant 4 : i32
      %mul3A_926 = arith.muli %mul3A_925, %add3A_789 : i32
      %add3A_927 = arith.constant 1 : i32
      %add3A_928 = arith.addi %mul3A_926, %add3A_927 : i32
      %jit3A_929 = arith.constant 2 : i32
      %div3A_930 = arith.divsi %add3A_928, %jit3A_929 : i32
      %sign3A_931 = arith.constant 0 : i32
      %sign3A_932 = arith.cmpi sgt, %add3A_928, %sign3A_931 : i32
      %sign3A_933 = arith.extui %sign3A_932 : i1 to i32
      %sign3A_934 = arith.constant 0 : i32
      %sign3A_935 = arith.cmpi slt, %add3A_928, %sign3A_934 : i32
      %sign3A_936 = arith.extui %sign3A_935 : i1 to i32
      %sign3A_937 = arith.subi %sign3A_933, %sign3A_936 : i32
      %sign3A_938 = arith.constant 0 : i32
      %sign3A_939 = arith.cmpi sgt, %jit3A_929, %sign3A_938 : i32
      %sign3A_940 = arith.extui %sign3A_939 : i1 to i32
      %sign3A_941 = arith.constant 0 : i32
      %sign3A_942 = arith.cmpi slt, %jit3A_929, %sign3A_941 : i32
      %sign3A_943 = arith.extui %sign3A_942 : i1 to i32
      %sign3A_944 = arith.subi %sign3A_940, %sign3A_943 : i32
      %ne3A_945 = arith.cmpi ne, %sign3A_937, %sign3A_944 : i32
      %rem3A_946 = arith.remsi %add3A_928, %jit3A_929 : i32
      %ne3A_947 = arith.constant 0 : i32
      %ne3A_948 = arith.cmpi ne, %rem3A_946, %ne3A_947 : i32
      %and3A_949 = arith.andi %ne3A_945, %ne3A_948 : i1
      %sub3A_950 = arith.constant 1 : i32
      %sub3A_951 = arith.subi %div3A_930, %sub3A_950 : i32
      %select_n3A_952 = arith.select %and3A_949, %sub3A_951, %div3A_930 : i32
      %dma_start3A_953 = arith.constant 1 : i32
      %dma_start3A_954 = arith.constant 1 : i32
      %dma_start3A_955 = arith.constant 0 : i32
      %dma_start3A_956 = arith.constant 0 : i32
      %dma_start3A_957 = tpu.memref_slice %arg8[%dma_start3A_953, %dma_start3A_954, %dma_start3A_955, %dma_start3A_956] : memref<2x4x128x64xf32, #tpu.memory_space<vmem>> -> memref<1x1x128x64xf32, #tpu.memory_space<vmem>>
      %dma_start3A_958 = tpu.memref_squeeze %dma_start3A_957 : memref<1x1x128x64xf32, #tpu.memory_space<vmem>> -> memref<128x64xf32, #tpu.memory_space<vmem>>
      %dma_start3A_959 = arith.constant 64 : i32
      %dma_start3A_960 = tpu.memref_slice %arg5[%select_n3A_952, %mul3A_2, %dma_start3A_959] : memref<100x4096x128xf32, #tpu.memory_space<hbm>> -> memref<1x128x64xf32, #tpu.memory_space<hbm>>
      %dma_start3A_961 = tpu.memref_squeeze %dma_start3A_960 : memref<1x128x64xf32, #tpu.memory_space<hbm>> -> memref<128x64xf32, #tpu.memory_space<hbm>>
      %dma_start3A_962 = arith.constant 64 : i32
      %dma_start3A_963 = tpu.memref_slice %arg5[%select_n3A_952, %mul3A_2, %dma_start3A_962] : memref<100x4096x128xf32, #tpu.memory_space<hbm>> -> memref<1x128x64xf32, #tpu.memory_space<hbm>>
      %dma_start3A_964 = tpu.memref_squeeze %dma_start3A_963 : memref<1x128x64xf32, #tpu.memory_space<hbm>> -> memref<128x64xf32, #tpu.memory_space<hbm>>
      %dma_start3A_965 = arith.constant 0 : i32
      %dma_start3A_966 = arith.constant 0 : i32
      %dma_start3A_967 = tpu.memref_slice %arg8[%dma_start3A_953, %dma_start3A_954, %dma_start3A_965, %dma_start3A_966] : memref<2x4x128x64xf32, #tpu.memory_space<vmem>> -> memref<1x1x128x64xf32, #tpu.memory_space<vmem>>
      %dma_start3A_968 = tpu.memref_squeeze %dma_start3A_967 : memref<1x1x128x64xf32, #tpu.memory_space<vmem>> -> memref<128x64xf32, #tpu.memory_space<vmem>>
      tpu.enqueue_dma source(%dma_start3A_968 : memref<128x64xf32, #tpu.memory_space<vmem>>) target(%dma_start3A_964 : memref<128x64xf32, #tpu.memory_space<hbm>>) target_semaphore(%arg13 : memref<!tpu.dma_semaphore, #tpu.memory_space<semaphore_mem>>)
      %mul3A_969 = arith.constant 4 : i32
      %mul3A_970 = arith.muli %mul3A_969, %add3A_789 : i32
      %add3A_971 = arith.constant 2 : i32
      %add3A_972 = arith.addi %mul3A_970, %add3A_971 : i32
      %jit3A_973 = arith.constant 2 : i32
      %div3A_974 = arith.divsi %add3A_972, %jit3A_973 : i32
      %sign3A_975 = arith.constant 0 : i32
      %sign3A_976 = arith.cmpi sgt, %add3A_972, %sign3A_975 : i32
      %sign3A_977 = arith.extui %sign3A_976 : i1 to i32
      %sign3A_978 = arith.constant 0 : i32
      %sign3A_979 = arith.cmpi slt, %add3A_972, %sign3A_978 : i32
      %sign3A_980 = arith.extui %sign3A_979 : i1 to i32
      %sign3A_981 = arith.subi %sign3A_977, %sign3A_980 : i32
      %sign3A_982 = arith.constant 0 : i32
      %sign3A_983 = arith.cmpi sgt, %jit3A_973, %sign3A_982 : i32
      %sign3A_984 = arith.extui %sign3A_983 : i1 to i32
      %sign3A_985 = arith.constant 0 : i32
      %sign3A_986 = arith.cmpi slt, %jit3A_973, %sign3A_985 : i32
      %sign3A_987 = arith.extui %sign3A_986 : i1 to i32
      %sign3A_988 = arith.subi %sign3A_984, %sign3A_987 : i32
      %ne3A_989 = arith.cmpi ne, %sign3A_981, %sign3A_988 : i32
      %rem3A_990 = arith.remsi %add3A_972, %jit3A_973 : i32
      %ne3A_991 = arith.constant 0 : i32
      %ne3A_992 = arith.cmpi ne, %rem3A_990, %ne3A_991 : i32
      %and3A_993 = arith.andi %ne3A_989, %ne3A_992 : i1
      %sub3A_994 = arith.constant 1 : i32
      %sub3A_995 = arith.subi %div3A_974, %sub3A_994 : i32
      %select_n3A_996 = arith.select %and3A_993, %sub3A_995, %div3A_974 : i32
      %dma_start3A_997 = arith.constant 1 : i32
      %dma_start3A_998 = arith.constant 2 : i32
      %dma_start3A_999 = arith.constant 0 : i32
      %dma_start3A_1000 = arith.constant 0 : i32
      %dma_start3A_1001 = tpu.memref_slice %arg8[%dma_start3A_997, %dma_start3A_998, %dma_start3A_999, %dma_start3A_1000] : memref<2x4x128x64xf32, #tpu.memory_space<vmem>> -> memref<1x1x128x64xf32, #tpu.memory_space<vmem>>
      %dma_start3A_1002 = tpu.memref_squeeze %dma_start3A_1001 : memref<1x1x128x64xf32, #tpu.memory_space<vmem>> -> memref<128x64xf32, #tpu.memory_space<vmem>>
      %dma_start3A_1003 = arith.constant 0 : i32
      %dma_start3A_1004 = tpu.memref_slice %arg5[%select_n3A_996, %mul3A_2, %dma_start3A_1003] : memref<100x4096x128xf32, #tpu.memory_space<hbm>> -> memref<1x128x64xf32, #tpu.memory_space<hbm>>
      %dma_start3A_1005 = tpu.memref_squeeze %dma_start3A_1004 : memref<1x128x64xf32, #tpu.memory_space<hbm>> -> memref<128x64xf32, #tpu.memory_space<hbm>>
      %dma_start3A_1006 = arith.constant 0 : i32
      %dma_start3A_1007 = tpu.memref_slice %arg5[%select_n3A_996, %mul3A_2, %dma_start3A_1006] : memref<100x4096x128xf32, #tpu.memory_space<hbm>> -> memref<1x128x64xf32, #tpu.memory_space<hbm>>
      %dma_start3A_1008 = tpu.memref_squeeze %dma_start3A_1007 : memref<1x128x64xf32, #tpu.memory_space<hbm>> -> memref<128x64xf32, #tpu.memory_space<hbm>>
      %dma_start3A_1009 = arith.constant 0 : i32
      %dma_start3A_1010 = arith.constant 0 : i32
      %dma_start3A_1011 = tpu.memref_slice %arg8[%dma_start3A_997, %dma_start3A_998, %dma_start3A_1009, %dma_start3A_1010] : memref<2x4x128x64xf32, #tpu.memory_space<vmem>> -> memref<1x1x128x64xf32, #tpu.memory_space<vmem>>
      %dma_start3A_1012 = tpu.memref_squeeze %dma_start3A_1011 : memref<1x1x128x64xf32, #tpu.memory_space<vmem>> -> memref<128x64xf32, #tpu.memory_space<vmem>>
      tpu.enqueue_dma source(%dma_start3A_1012 : memref<128x64xf32, #tpu.memory_space<vmem>>) target(%dma_start3A_1008 : memref<128x64xf32, #tpu.memory_space<hbm>>) target_semaphore(%arg13 : memref<!tpu.dma_semaphore, #tpu.memory_space<semaphore_mem>>)
      %mul3A_1013 = arith.constant 4 : i32
      %mul3A_1014 = arith.muli %mul3A_1013, %add3A_789 : i32
      %add3A_1015 = arith.constant 3 : i32
      %add3A_1016 = arith.addi %mul3A_1014, %add3A_1015 : i32
      %jit3A_1017 = arith.constant 2 : i32
      %div3A_1018 = arith.divsi %add3A_1016, %jit3A_1017 : i32
      %sign3A_1019 = arith.constant 0 : i32
      %sign3A_1020 = arith.cmpi sgt, %add3A_1016, %sign3A_1019 : i32
      %sign3A_1021 = arith.extui %sign3A_1020 : i1 to i32
      %sign3A_1022 = arith.constant 0 : i32
      %sign3A_1023 = arith.cmpi slt, %add3A_1016, %sign3A_1022 : i32
      %sign3A_1024 = arith.extui %sign3A_1023 : i1 to i32
      %sign3A_1025 = arith.subi %sign3A_1021, %sign3A_1024 : i32
      %sign3A_1026 = arith.constant 0 : i32
      %sign3A_1027 = arith.cmpi sgt, %jit3A_1017, %sign3A_1026 : i32
      %sign3A_1028 = arith.extui %sign3A_1027 : i1 to i32
      %sign3A_1029 = arith.constant 0 : i32
      %sign3A_1030 = arith.cmpi slt, %jit3A_1017, %sign3A_1029 : i32
      %sign3A_1031 = arith.extui %sign3A_1030 : i1 to i32
      %sign3A_1032 = arith.subi %sign3A_1028, %sign3A_1031 : i32
      %ne3A_1033 = arith.cmpi ne, %sign3A_1025, %sign3A_1032 : i32
      %rem3A_1034 = arith.remsi %add3A_1016, %jit3A_1017 : i32
      %ne3A_1035 = arith.constant 0 : i32
      %ne3A_1036 = arith.cmpi ne, %rem3A_1034, %ne3A_1035 : i32
      %and3A_1037 = arith.andi %ne3A_1033, %ne3A_1036 : i1
      %sub3A_1038 = arith.constant 1 : i32
      %sub3A_1039 = arith.subi %div3A_1018, %sub3A_1038 : i32
      %select_n3A_1040 = arith.select %and3A_1037, %sub3A_1039, %div3A_1018 : i32
      %dma_start3A_1041 = arith.constant 1 : i32
      %dma_start3A_1042 = arith.constant 3 : i32
      %dma_start3A_1043 = arith.constant 0 : i32
      %dma_start3A_1044 = arith.constant 0 : i32
      %dma_start3A_1045 = tpu.memref_slice %arg8[%dma_start3A_1041, %dma_start3A_1042, %dma_start3A_1043, %dma_start3A_1044] : memref<2x4x128x64xf32, #tpu.memory_space<vmem>> -> memref<1x1x128x64xf32, #tpu.memory_space<vmem>>
      %dma_start3A_1046 = tpu.memref_squeeze %dma_start3A_1045 : memref<1x1x128x64xf32, #tpu.memory_space<vmem>> -> memref<128x64xf32, #tpu.memory_space<vmem>>
      %dma_start3A_1047 = arith.constant 64 : i32
      %dma_start3A_1048 = tpu.memref_slice %arg5[%select_n3A_1040, %mul3A_2, %dma_start3A_1047] : memref<100x4096x128xf32, #tpu.memory_space<hbm>> -> memref<1x128x64xf32, #tpu.memory_space<hbm>>
      %dma_start3A_1049 = tpu.memref_squeeze %dma_start3A_1048 : memref<1x128x64xf32, #tpu.memory_space<hbm>> -> memref<128x64xf32, #tpu.memory_space<hbm>>
      %dma_start3A_1050 = arith.constant 64 : i32
      %dma_start3A_1051 = tpu.memref_slice %arg5[%select_n3A_1040, %mul3A_2, %dma_start3A_1050] : memref<100x4096x128xf32, #tpu.memory_space<hbm>> -> memref<1x128x64xf32, #tpu.memory_space<hbm>>
      %dma_start3A_1052 = tpu.memref_squeeze %dma_start3A_1051 : memref<1x128x64xf32, #tpu.memory_space<hbm>> -> memref<128x64xf32, #tpu.memory_space<hbm>>
      %dma_start3A_1053 = arith.constant 0 : i32
      %dma_start3A_1054 = arith.constant 0 : i32
      %dma_start3A_1055 = tpu.memref_slice %arg8[%dma_start3A_1041, %dma_start3A_1042, %dma_start3A_1053, %dma_start3A_1054] : memref<2x4x128x64xf32, #tpu.memory_space<vmem>> -> memref<1x1x128x64xf32, #tpu.memory_space<vmem>>
      %dma_start3A_1056 = tpu.memref_squeeze %dma_start3A_1055 : memref<1x1x128x64xf32, #tpu.memory_space<vmem>> -> memref<128x64xf32, #tpu.memory_space<vmem>>
      tpu.enqueue_dma source(%dma_start3A_1056 : memref<128x64xf32, #tpu.memory_space<vmem>>) target(%dma_start3A_1052 : memref<128x64xf32, #tpu.memory_space<hbm>>) target_semaphore(%arg13 : memref<!tpu.dma_semaphore, #tpu.memory_space<semaphore_mem>>)
      %scan3A_1057 = arith.constant 0 : i32
      scf.yield %scan3A_1057 : i32
    }
    %scan3A_388 = arith.constant 25 : i32
    %dma_wait3A = arith.constant 0 : i32
    %dma_wait3A_389 = arith.constant 0 : i32
    %dma_wait3A_390 = arith.constant 0 : i32
    %dma_wait3A_391 = arith.constant 0 : i32
    %dma_wait3A_392 = arith.constant 0 : i32
    %dma_wait3A_393 = tpu.memref_slice %arg8[%dma_wait3A, %dma_wait3A_389, %dma_wait3A_391, %dma_wait3A_392] : memref<2x4x128x64xf32, #tpu.memory_space<vmem>> -> memref<1x1x128x64xf32, #tpu.memory_space<vmem>>
    %dma_wait3A_394 = tpu.memref_squeeze %dma_wait3A_393 : memref<1x1x128x64xf32, #tpu.memory_space<vmem>> -> memref<128x64xf32, #tpu.memory_space<vmem>>
    %dma_wait3A_395 = arith.constant 0 : i32
    %dma_wait3A_396 = tpu.memref_slice %arg5[%dma_wait3A_390, %mul3A_2, %dma_wait3A_395] : memref<100x4096x128xf32, #tpu.memory_space<hbm>> -> memref<1x128x64xf32, #tpu.memory_space<hbm>>
    %dma_wait3A_397 = tpu.memref_squeeze %dma_wait3A_396 : memref<1x128x64xf32, #tpu.memory_space<hbm>> -> memref<128x64xf32, #tpu.memory_space<hbm>>
    %dma_wait3A_398 = arith.constant 0 : i32
    %dma_wait3A_399 = tpu.memref_slice %arg5[%dma_wait3A_390, %mul3A_2, %dma_wait3A_398] : memref<100x4096x128xf32, #tpu.memory_space<hbm>> -> memref<1x128x64xf32, #tpu.memory_space<hbm>>
    %dma_wait3A_400 = tpu.memref_squeeze %dma_wait3A_399 : memref<1x128x64xf32, #tpu.memory_space<hbm>> -> memref<128x64xf32, #tpu.memory_space<hbm>>
    %dma_wait3A_401 = arith.constant 0 : i32
    %dma_wait3A_402 = arith.constant 0 : i32
    %dma_wait3A_403 = tpu.memref_slice %arg8[%dma_wait3A, %dma_wait3A_389, %dma_wait3A_401, %dma_wait3A_402] : memref<2x4x128x64xf32, #tpu.memory_space<vmem>> -> memref<1x1x128x64xf32, #tpu.memory_space<vmem>>
    %dma_wait3A_404 = tpu.memref_squeeze %dma_wait3A_403 : memref<1x1x128x64xf32, #tpu.memory_space<vmem>> -> memref<128x64xf32, #tpu.memory_space<vmem>>
    tpu.wait_dma2 semaphore(%arg12 : memref<!tpu.dma_semaphore, #tpu.memory_space<semaphore_mem>>) src(%dma_wait3A_404 : memref<128x64xf32, #tpu.memory_space<vmem>>) dst(%dma_wait3A_400 : memref<128x64xf32, #tpu.memory_space<hbm>>)
    %dma_wait3A_405 = arith.constant 0 : i32
    %dma_wait3A_406 = arith.constant 1 : i32
    %dma_wait3A_407 = arith.constant 0 : i32
    %dma_wait3A_408 = arith.constant 0 : i32
    %dma_wait3A_409 = arith.constant 0 : i32
    %dma_wait3A_410 = tpu.memref_slice %arg8[%dma_wait3A_405, %dma_wait3A_406, %dma_wait3A_408, %dma_wait3A_409] : memref<2x4x128x64xf32, #tpu.memory_space<vmem>> -> memref<1x1x128x64xf32, #tpu.memory_space<vmem>>
    %dma_wait3A_411 = tpu.memref_squeeze %dma_wait3A_410 : memref<1x1x128x64xf32, #tpu.memory_space<vmem>> -> memref<128x64xf32, #tpu.memory_space<vmem>>
    %dma_wait3A_412 = arith.constant 64 : i32
    %dma_wait3A_413 = tpu.memref_slice %arg5[%dma_wait3A_407, %mul3A_2, %dma_wait3A_412] : memref<100x4096x128xf32, #tpu.memory_space<hbm>> -> memref<1x128x64xf32, #tpu.memory_space<hbm>>
    %dma_wait3A_414 = tpu.memref_squeeze %dma_wait3A_413 : memref<1x128x64xf32, #tpu.memory_space<hbm>> -> memref<128x64xf32, #tpu.memory_space<hbm>>
    %dma_wait3A_415 = arith.constant 64 : i32
    %dma_wait3A_416 = tpu.memref_slice %arg5[%dma_wait3A_407, %mul3A_2, %dma_wait3A_415] : memref<100x4096x128xf32, #tpu.memory_space<hbm>> -> memref<1x128x64xf32, #tpu.memory_space<hbm>>
    %dma_wait3A_417 = tpu.memref_squeeze %dma_wait3A_416 : memref<1x128x64xf32, #tpu.memory_space<hbm>> -> memref<128x64xf32, #tpu.memory_space<hbm>>
    %dma_wait3A_418 = arith.constant 0 : i32
    %dma_wait3A_419 = arith.constant 0 : i32
    %dma_wait3A_420 = tpu.memref_slice %arg8[%dma_wait3A_405, %dma_wait3A_406, %dma_wait3A_418, %dma_wait3A_419] : memref<2x4x128x64xf32, #tpu.memory_space<vmem>> -> memref<1x1x128x64xf32, #tpu.memory_space<vmem>>
    %dma_wait3A_421 = tpu.memref_squeeze %dma_wait3A_420 : memref<1x1x128x64xf32, #tpu.memory_space<vmem>> -> memref<128x64xf32, #tpu.memory_space<vmem>>
    tpu.wait_dma2 semaphore(%arg12 : memref<!tpu.dma_semaphore, #tpu.memory_space<semaphore_mem>>) src(%dma_wait3A_421 : memref<128x64xf32, #tpu.memory_space<vmem>>) dst(%dma_wait3A_417 : memref<128x64xf32, #tpu.memory_space<hbm>>)
    %dma_wait3A_422 = arith.constant 0 : i32
    %dma_wait3A_423 = arith.constant 2 : i32
    %dma_wait3A_424 = arith.constant 1 : i32
    %dma_wait3A_425 = arith.constant 0 : i32
    %dma_wait3A_426 = arith.constant 0 : i32
    %dma_wait3A_427 = tpu.memref_slice %arg8[%dma_wait3A_422, %dma_wait3A_423, %dma_wait3A_425, %dma_wait3A_426] : memref<2x4x128x64xf32, #tpu.memory_space<vmem>> -> memref<1x1x128x64xf32, #tpu.memory_space<vmem>>
    %dma_wait3A_428 = tpu.memref_squeeze %dma_wait3A_427 : memref<1x1x128x64xf32, #tpu.memory_space<vmem>> -> memref<128x64xf32, #tpu.memory_space<vmem>>
    %dma_wait3A_429 = arith.constant 0 : i32
    %dma_wait3A_430 = tpu.memref_slice %arg5[%dma_wait3A_424, %mul3A_2, %dma_wait3A_429] : memref<100x4096x128xf32, #tpu.memory_space<hbm>> -> memref<1x128x64xf32, #tpu.memory_space<hbm>>
    %dma_wait3A_431 = tpu.memref_squeeze %dma_wait3A_430 : memref<1x128x64xf32, #tpu.memory_space<hbm>> -> memref<128x64xf32, #tpu.memory_space<hbm>>
    %dma_wait3A_432 = arith.constant 0 : i32
    %dma_wait3A_433 = tpu.memref_slice %arg5[%dma_wait3A_424, %mul3A_2, %dma_wait3A_432] : memref<100x4096x128xf32, #tpu.memory_space<hbm>> -> memref<1x128x64xf32, #tpu.memory_space<hbm>>
    %dma_wait3A_434 = tpu.memref_squeeze %dma_wait3A_433 : memref<1x128x64xf32, #tpu.memory_space<hbm>> -> memref<128x64xf32, #tpu.memory_space<hbm>>
    %dma_wait3A_435 = arith.constant 0 : i32
    %dma_wait3A_436 = arith.constant 0 : i32
    %dma_wait3A_437 = tpu.memref_slice %arg8[%dma_wait3A_422, %dma_wait3A_423, %dma_wait3A_435, %dma_wait3A_436] : memref<2x4x128x64xf32, #tpu.memory_space<vmem>> -> memref<1x1x128x64xf32, #tpu.memory_space<vmem>>
    %dma_wait3A_438 = tpu.memref_squeeze %dma_wait3A_437 : memref<1x1x128x64xf32, #tpu.memory_space<vmem>> -> memref<128x64xf32, #tpu.memory_space<vmem>>
    tpu.wait_dma2 semaphore(%arg12 : memref<!tpu.dma_semaphore, #tpu.memory_space<semaphore_mem>>) src(%dma_wait3A_438 : memref<128x64xf32, #tpu.memory_space<vmem>>) dst(%dma_wait3A_434 : memref<128x64xf32, #tpu.memory_space<hbm>>)
    %dma_wait3A_439 = arith.constant 0 : i32
    %dma_wait3A_440 = arith.constant 3 : i32
    %dma_wait3A_441 = arith.constant 1 : i32
    %dma_wait3A_442 = arith.constant 0 : i32
    %dma_wait3A_443 = arith.constant 0 : i32
    %dma_wait3A_444 = tpu.memref_slice %arg8[%dma_wait3A_439, %dma_wait3A_440, %dma_wait3A_442, %dma_wait3A_443] : memref<2x4x128x64xf32, #tpu.memory_space<vmem>> -> memref<1x1x128x64xf32, #tpu.memory_space<vmem>>
    %dma_wait3A_445 = tpu.memref_squeeze %dma_wait3A_444 : memref<1x1x128x64xf32, #tpu.memory_space<vmem>> -> memref<128x64xf32, #tpu.memory_space<vmem>>
    %dma_wait3A_446 = arith.constant 64 : i32
    %dma_wait3A_447 = tpu.memref_slice %arg5[%dma_wait3A_441, %mul3A_2, %dma_wait3A_446] : memref<100x4096x128xf32, #tpu.memory_space<hbm>> -> memref<1x128x64xf32, #tpu.memory_space<hbm>>
    %dma_wait3A_448 = tpu.memref_squeeze %dma_wait3A_447 : memref<1x128x64xf32, #tpu.memory_space<hbm>> -> memref<128x64xf32, #tpu.memory_space<hbm>>
    %dma_wait3A_449 = arith.constant 64 : i32
    %dma_wait3A_450 = tpu.memref_slice %arg5[%dma_wait3A_441, %mul3A_2, %dma_wait3A_449] : memref<100x4096x128xf32, #tpu.memory_space<hbm>> -> memref<1x128x64xf32, #tpu.memory_space<hbm>>
    %dma_wait3A_451 = tpu.memref_squeeze %dma_wait3A_450 : memref<1x128x64xf32, #tpu.memory_space<hbm>> -> memref<128x64xf32, #tpu.memory_space<hbm>>
    %dma_wait3A_452 = arith.constant 0 : i32
    %dma_wait3A_453 = arith.constant 0 : i32
    %dma_wait3A_454 = tpu.memref_slice %arg8[%dma_wait3A_439, %dma_wait3A_440, %dma_wait3A_452, %dma_wait3A_453] : memref<2x4x128x64xf32, #tpu.memory_space<vmem>> -> memref<1x1x128x64xf32, #tpu.memory_space<vmem>>
    %dma_wait3A_455 = tpu.memref_squeeze %dma_wait3A_454 : memref<1x1x128x64xf32, #tpu.memory_space<vmem>> -> memref<128x64xf32, #tpu.memory_space<vmem>>
    tpu.wait_dma2 semaphore(%arg12 : memref<!tpu.dma_semaphore, #tpu.memory_space<semaphore_mem>>) src(%dma_wait3A_455 : memref<128x64xf32, #tpu.memory_space<vmem>>) dst(%dma_wait3A_451 : memref<128x64xf32, #tpu.memory_space<hbm>>)
    %dma_wait3A_456 = arith.constant 1 : i32
    %dma_wait3A_457 = arith.constant 0 : i32
    %dma_wait3A_458 = arith.constant 0 : i32
    %dma_wait3A_459 = arith.constant 0 : i32
    %dma_wait3A_460 = arith.constant 0 : i32
    %dma_wait3A_461 = tpu.memref_slice %arg8[%dma_wait3A_456, %dma_wait3A_457, %dma_wait3A_459, %dma_wait3A_460] : memref<2x4x128x64xf32, #tpu.memory_space<vmem>> -> memref<1x1x128x64xf32, #tpu.memory_space<vmem>>
    %dma_wait3A_462 = tpu.memref_squeeze %dma_wait3A_461 : memref<1x1x128x64xf32, #tpu.memory_space<vmem>> -> memref<128x64xf32, #tpu.memory_space<vmem>>
    %dma_wait3A_463 = arith.constant 0 : i32
    %dma_wait3A_464 = tpu.memref_slice %arg5[%dma_wait3A_458, %mul3A_2, %dma_wait3A_463] : memref<100x4096x128xf32, #tpu.memory_space<hbm>> -> memref<1x128x64xf32, #tpu.memory_space<hbm>>
    %dma_wait3A_465 = tpu.memref_squeeze %dma_wait3A_464 : memref<1x128x64xf32, #tpu.memory_space<hbm>> -> memref<128x64xf32, #tpu.memory_space<hbm>>
    %dma_wait3A_466 = arith.constant 0 : i32
    %dma_wait3A_467 = tpu.memref_slice %arg5[%dma_wait3A_458, %mul3A_2, %dma_wait3A_466] : memref<100x4096x128xf32, #tpu.memory_space<hbm>> -> memref<1x128x64xf32, #tpu.memory_space<hbm>>
    %dma_wait3A_468 = tpu.memref_squeeze %dma_wait3A_467 : memref<1x128x64xf32, #tpu.memory_space<hbm>> -> memref<128x64xf32, #tpu.memory_space<hbm>>
    %dma_wait3A_469 = arith.constant 0 : i32
    %dma_wait3A_470 = arith.constant 0 : i32
    %dma_wait3A_471 = tpu.memref_slice %arg8[%dma_wait3A_456, %dma_wait3A_457, %dma_wait3A_469, %dma_wait3A_470] : memref<2x4x128x64xf32, #tpu.memory_space<vmem>> -> memref<1x1x128x64xf32, #tpu.memory_space<vmem>>
    %dma_wait3A_472 = tpu.memref_squeeze %dma_wait3A_471 : memref<1x1x128x64xf32, #tpu.memory_space<vmem>> -> memref<128x64xf32, #tpu.memory_space<vmem>>
    tpu.wait_dma2 semaphore(%arg13 : memref<!tpu.dma_semaphore, #tpu.memory_space<semaphore_mem>>) src(%dma_wait3A_472 : memref<128x64xf32, #tpu.memory_space<vmem>>) dst(%dma_wait3A_468 : memref<128x64xf32, #tpu.memory_space<hbm>>)
    %dma_wait3A_473 = arith.constant 1 : i32
    %dma_wait3A_474 = arith.constant 1 : i32
    %dma_wait3A_475 = arith.constant 0 : i32
    %dma_wait3A_476 = arith.constant 0 : i32
    %dma_wait3A_477 = arith.constant 0 : i32
    %dma_wait3A_478 = tpu.memref_slice %arg8[%dma_wait3A_473, %dma_wait3A_474, %dma_wait3A_476, %dma_wait3A_477] : memref<2x4x128x64xf32, #tpu.memory_space<vmem>> -> memref<1x1x128x64xf32, #tpu.memory_space<vmem>>
    %dma_wait3A_479 = tpu.memref_squeeze %dma_wait3A_478 : memref<1x1x128x64xf32, #tpu.memory_space<vmem>> -> memref<128x64xf32, #tpu.memory_space<vmem>>
    %dma_wait3A_480 = arith.constant 64 : i32
    %dma_wait3A_481 = tpu.memref_slice %arg5[%dma_wait3A_475, %mul3A_2, %dma_wait3A_480] : memref<100x4096x128xf32, #tpu.memory_space<hbm>> -> memref<1x128x64xf32, #tpu.memory_space<hbm>>
    %dma_wait3A_482 = tpu.memref_squeeze %dma_wait3A_481 : memref<1x128x64xf32, #tpu.memory_space<hbm>> -> memref<128x64xf32, #tpu.memory_space<hbm>>
    %dma_wait3A_483 = arith.constant 64 : i32
    %dma_wait3A_484 = tpu.memref_slice %arg5[%dma_wait3A_475, %mul3A_2, %dma_wait3A_483] : memref<100x4096x128xf32, #tpu.memory_space<hbm>> -> memref<1x128x64xf32, #tpu.memory_space<hbm>>
    %dma_wait3A_485 = tpu.memref_squeeze %dma_wait3A_484 : memref<1x128x64xf32, #tpu.memory_space<hbm>> -> memref<128x64xf32, #tpu.memory_space<hbm>>
    %dma_wait3A_486 = arith.constant 0 : i32
    %dma_wait3A_487 = arith.constant 0 : i32
    %dma_wait3A_488 = tpu.memref_slice %arg8[%dma_wait3A_473, %dma_wait3A_474, %dma_wait3A_486, %dma_wait3A_487] : memref<2x4x128x64xf32, #tpu.memory_space<vmem>> -> memref<1x1x128x64xf32, #tpu.memory_space<vmem>>
    %dma_wait3A_489 = tpu.memref_squeeze %dma_wait3A_488 : memref<1x1x128x64xf32, #tpu.memory_space<vmem>> -> memref<128x64xf32, #tpu.memory_space<vmem>>
    tpu.wait_dma2 semaphore(%arg13 : memref<!tpu.dma_semaphore, #tpu.memory_space<semaphore_mem>>) src(%dma_wait3A_489 : memref<128x64xf32, #tpu.memory_space<vmem>>) dst(%dma_wait3A_485 : memref<128x64xf32, #tpu.memory_space<hbm>>)
    %dma_wait3A_490 = arith.constant 1 : i32
    %dma_wait3A_491 = arith.constant 2 : i32
    %dma_wait3A_492 = arith.constant 1 : i32
    %dma_wait3A_493 = arith.constant 0 : i32
    %dma_wait3A_494 = arith.constant 0 : i32
    %dma_wait3A_495 = tpu.memref_slice %arg8[%dma_wait3A_490, %dma_wait3A_491, %dma_wait3A_493, %dma_wait3A_494] : memref<2x4x128x64xf32, #tpu.memory_space<vmem>> -> memref<1x1x128x64xf32, #tpu.memory_space<vmem>>
    %dma_wait3A_496 = tpu.memref_squeeze %dma_wait3A_495 : memref<1x1x128x64xf32, #tpu.memory_space<vmem>> -> memref<128x64xf32, #tpu.memory_space<vmem>>
    %dma_wait3A_497 = arith.constant 0 : i32
    %dma_wait3A_498 = tpu.memref_slice %arg5[%dma_wait3A_492, %mul3A_2, %dma_wait3A_497] : memref<100x4096x128xf32, #tpu.memory_space<hbm>> -> memref<1x128x64xf32, #tpu.memory_space<hbm>>
    %dma_wait3A_499 = tpu.memref_squeeze %dma_wait3A_498 : memref<1x128x64xf32, #tpu.memory_space<hbm>> -> memref<128x64xf32, #tpu.memory_space<hbm>>
    %dma_wait3A_500 = arith.constant 0 : i32
    %dma_wait3A_501 = tpu.memref_slice %arg5[%dma_wait3A_492, %mul3A_2, %dma_wait3A_500] : memref<100x4096x128xf32, #tpu.memory_space<hbm>> -> memref<1x128x64xf32, #tpu.memory_space<hbm>>
    %dma_wait3A_502 = tpu.memref_squeeze %dma_wait3A_501 : memref<1x128x64xf32, #tpu.memory_space<hbm>> -> memref<128x64xf32, #tpu.memory_space<hbm>>
    %dma_wait3A_503 = arith.constant 0 : i32
    %dma_wait3A_504 = arith.constant 0 : i32
    %dma_wait3A_505 = tpu.memref_slice %arg8[%dma_wait3A_490, %dma_wait3A_491, %dma_wait3A_503, %dma_wait3A_504] : memref<2x4x128x64xf32, #tpu.memory_space<vmem>> -> memref<1x1x128x64xf32, #tpu.memory_space<vmem>>
    %dma_wait3A_506 = tpu.memref_squeeze %dma_wait3A_505 : memref<1x1x128x64xf32, #tpu.memory_space<vmem>> -> memref<128x64xf32, #tpu.memory_space<vmem>>
    tpu.wait_dma2 semaphore(%arg13 : memref<!tpu.dma_semaphore, #tpu.memory_space<semaphore_mem>>) src(%dma_wait3A_506 : memref<128x64xf32, #tpu.memory_space<vmem>>) dst(%dma_wait3A_502 : memref<128x64xf32, #tpu.memory_space<hbm>>)
    %dma_wait3A_507 = arith.constant 1 : i32
    %dma_wait3A_508 = arith.constant 3 : i32
    %dma_wait3A_509 = arith.constant 1 : i32
    %dma_wait3A_510 = arith.constant 0 : i32
    %dma_wait3A_511 = arith.constant 0 : i32
    %dma_wait3A_512 = tpu.memref_slice %arg8[%dma_wait3A_507, %dma_wait3A_508, %dma_wait3A_510, %dma_wait3A_511] : memref<2x4x128x64xf32, #tpu.memory_space<vmem>> -> memref<1x1x128x64xf32, #tpu.memory_space<vmem>>
    %dma_wait3A_513 = tpu.memref_squeeze %dma_wait3A_512 : memref<1x1x128x64xf32, #tpu.memory_space<vmem>> -> memref<128x64xf32, #tpu.memory_space<vmem>>
    %dma_wait3A_514 = arith.constant 64 : i32
    %dma_wait3A_515 = tpu.memref_slice %arg5[%dma_wait3A_509, %mul3A_2, %dma_wait3A_514] : memref<100x4096x128xf32, #tpu.memory_space<hbm>> -> memref<1x128x64xf32, #tpu.memory_space<hbm>>
    %dma_wait3A_516 = tpu.memref_squeeze %dma_wait3A_515 : memref<1x128x64xf32, #tpu.memory_space<hbm>> -> memref<128x64xf32, #tpu.memory_space<hbm>>
    %dma_wait3A_517 = arith.constant 64 : i32
    %dma_wait3A_518 = tpu.memref_slice %arg5[%dma_wait3A_509, %mul3A_2, %dma_wait3A_517] : memref<100x4096x128xf32, #tpu.memory_space<hbm>> -> memref<1x128x64xf32, #tpu.memory_space<hbm>>
    %dma_wait3A_519 = tpu.memref_squeeze %dma_wait3A_518 : memref<1x128x64xf32, #tpu.memory_space<hbm>> -> memref<128x64xf32, #tpu.memory_space<hbm>>
    %dma_wait3A_520 = arith.constant 0 : i32
    %dma_wait3A_521 = arith.constant 0 : i32
    %dma_wait3A_522 = tpu.memref_slice %arg8[%dma_wait3A_507, %dma_wait3A_508, %dma_wait3A_520, %dma_wait3A_521] : memref<2x4x128x64xf32, #tpu.memory_space<vmem>> -> memref<1x1x128x64xf32, #tpu.memory_space<vmem>>
    %dma_wait3A_523 = tpu.memref_squeeze %dma_wait3A_522 : memref<1x1x128x64xf32, #tpu.memory_space<vmem>> -> memref<128x64xf32, #tpu.memory_space<vmem>>
    tpu.wait_dma2 semaphore(%arg13 : memref<!tpu.dma_semaphore, #tpu.memory_space<semaphore_mem>>) src(%dma_wait3A_523 : memref<128x64xf32, #tpu.memory_space<vmem>>) dst(%dma_wait3A_519 : memref<128x64xf32, #tpu.memory_space<hbm>>)
    return
  }
}

module attributes {stable_mosaic.version = 14 : i64} {
  func.func @body(%arg0: i32, %arg1: i32, %arg2: memref<1x4096x128xf32, #tpu.memory_space<vmem>>, %arg3: memref<2x64x4096xf32, #tpu.memory_space<vmem>>) attributes {dimension_semantics = [#tpu.dimension_semantics<arbitrary>, #tpu.dimension_semantics<arbitrary>], iteration_bounds = array<i64: 100, 1>, scalar_prefetch = 0 : i64, scratch_operands = 0 : i64, tpu.core_type = #tpu.core_type<tc>, window_params = [{transform_indices = @transform_0, window_bounds = array<i64: 1, 4096, 128>}, {transform_indices = @transform_1, window_bounds = array<i64: 2, 64, 4096>}]} {
    %get3A = arith.constant 0 : index
    %get3A_0 = arith.constant 0 : index
    %get3A_1 = arith.constant 0 : index
    %get3A_2 = vector.load %arg2[%get3A, %get3A_0, %get3A_1] : memref<1x4096x128xf32, #tpu.memory_space<vmem>>, vector<1x4096x128xf32>
    %get3A_3 = vector.shape_cast %get3A_2 : vector<1x4096x128xf32> to vector<4096x128xf32>
    %transpose3A = tpu.transpose %get3A_3, [1, 0] : vector<4096x128xf32> -> vector<128x4096xf32>
    %slice3A = vector.extract_strided_slice %transpose3A {offsets = [0, 0], sizes = [64, 4096], strides = [1, 1]} : vector<128x4096xf32> to vector<64x4096xf32>
    %swap3A = arith.constant 0 : index
    %swap3A_4 = arith.constant 0 : index
    %swap3A_5 = arith.constant 0 : index
    %swap3A_6 = vector.load %arg3[%swap3A, %swap3A_4, %swap3A_5] : memref<2x64x4096xf32, #tpu.memory_space<vmem>>, vector<1x64x4096xf32>
    %swap3A_7 = vector.shape_cast %swap3A_6 : vector<1x64x4096xf32> to vector<64x4096xf32>
    %swap3A_8 = vector.shape_cast %slice3A : vector<64x4096xf32> to vector<1x64x4096xf32>
    tpu.vector_store %arg3[%swap3A, %swap3A_4, %swap3A_5], %swap3A_8 {strides = array<i32>} : memref<2x64x4096xf32, #tpu.memory_space<vmem>>, vector<1x64x4096xf32>,
    %slice3A_9 = vector.extract_strided_slice %transpose3A {offsets = [64, 0], sizes = [64, 4096], strides = [1, 1]} : vector<128x4096xf32> to vector<64x4096xf32>
    %swap3A_10 = arith.constant 1 : index
    %swap3A_11 = arith.constant 0 : index
    %swap3A_12 = arith.constant 0 : index
    %swap3A_13 = vector.load %arg3[%swap3A_10, %swap3A_11, %swap3A_12] : memref<2x64x4096xf32, #tpu.memory_space<vmem>>, vector<1x64x4096xf32>
    %swap3A_14 = vector.shape_cast %swap3A_13 : vector<1x64x4096xf32> to vector<64x4096xf32>
    %swap3A_15 = vector.shape_cast %slice3A_9 : vector<64x4096xf32> to vector<1x64x4096xf32>
    tpu.vector_store %arg3[%swap3A_10, %swap3A_11, %swap3A_12], %swap3A_15 {strides = array<i32>} : memref<2x64x4096xf32, #tpu.memory_space<vmem>>, vector<1x64x4096xf32>,
    return
  }
  func.func @transform_0(%arg0: i32, %arg1: i32) -> (i32, i32, i32) {
    %c0_i32 = arith.constant 0 : i32
    %c0_i32_0 = arith.constant 0 : i32
    return %arg0, %arg1, %c0_i32 : i32, i32, i32
  }
  func.func @transform_1(%arg0: i32, %arg1: i32) -> (i32, i32, i32) {
    %c0_i32 = arith.constant 0 : i32
    %c0_i32_0 = arith.constant 0 : i32
    return %arg0, %c0_i32, %arg1 : i32, i32, i32
  }
}

</mosaic_0001>

<sc_bundles>
// kernel: kernel.4.cloned.1.call-start
scs
__scs_entry_jumppad:
0x0: {  	(pc) =	sbr.rel $0x88, $3  }
0x1: {  	(tag) =	ssettag $0x0;
	lr =	simm.s32 $0x1  }
0x2: {  	[smem:$0x3F9E] =	sst lr;
	_ =	strace $0xD0000000  }
0x3: {  	_ = 	snop  }
0x4: {  	_ = 	snop  }
0x5: {  	_ = 	snop  }
0x6: {  	_ = 	snop  }
0x7: {  	_ = 	snop  }
__scs_overlays_trampoline_lowered:
0x8: {  	[smem:$0x3FAD] =	sst s0  }
0x9: {  	[smem:$0x3FAE] =	sst s1  }
0xa: {  	[smem:$0x3FAF] =	sst s2  }
0xb: {  	[smem:$0x3FB0] =	sst s3  }
0xc: {  	[smem:$0x3FB1] =	sst s4  }
0xd: {  	[smem:$0x3FB2] =	sst s5  }
0xe: {  	[smem:$0x3FB3] =	sst s6  }
0xf: {  	[smem:$0x3FB4] =	sst s7  }
0x10: {  	[smem:$0x3FB5] =	sst s8  }
0x11: {  	[smem:$0x3FB6] =	sst s9;
	s0 =	simm.s32 @!p0 $0x0  }
0x12: {  	s1 =	sld [smem:$0x3F9C];
	s0 =	simm.s32 @p0 $0x1  }
0x13: {  	[smem:$0x3FB7] =	sst s0;
	s0 =	simm.s32 @!p1 $0x0  }
0x14: {  	s2 =	sld [smem:$0x3F9B];
	s0 =	simm.s32 @p1 $0x1  }
0x15: {  	[smem:$0x3FB8] =	sst s0;
	s0 =	simm.s32 @!p2 $0x0  }
0x16: {  	s3 =	sld [smem:$0x3FDB];
	s0 =	simm.s32 @p2 $0x1  }
0x17: {  	s4 =	simm.s32 $0x1BF5;
	[smem:$0x3FBA] =	sst s0  }
0x18: {  	s0 =	sld [smem:$0x3F9D];
	_ =	swait.ge [sflag:s4], $0x0  }
0x19: {  	s7 =	sld [smem:$0x3F9E]  }
0x1a: {  	s8 =	sadd.s32 $0xFFFFE003, lr  }
0x1b: {  	s9 =	sadd.s32 $0xFFFFFEF7, lr;
	s5 =	simm.s32 $0xFFFFFFFF;
	p2 =	slt.u32 s8, $0xFFFFF086  }
0x1c: {  	p1 =	slt.u32 s9, $0xF7A;
	s5 =	simm.s32 @!p2 $0x0  }
0x1d: {  	s5 =	simm.s32 @p1 $0x1;
	p0 =	seq.s32 s7, s2  }
0x1e: {  	s7 =	smul.u32 @!p0 $0xF7A, s2;
	p2 =	seq.s32 @!p0 s5, $0x0  }
0x1f: {  	s9 =	smul.u32 $0xF7A, s1;
	s8 =	simm.s32 @!p0 $0x1BF5;
	p2 =	por !p2, p0  }
0x20: {  	[sflag:s8] =	ssyncset.s32 @!p0 $0xFFFFF086;
	s6 =	sadd.s32 @!p0 s3, s7;
	s7 =	simm.s32 @!p0 $0x108  }
0x21: {  	s3 =	sadd.s32 s3, s9;
	s6 =	sadd.s32 @!p0 $0x88, s6;
	s7 =	simm.s32 @p2 $0x1082  }
0x22: {  	[simem:s7], [sflag:s8] =	dma.local @!p0 [hbm:s6], $0xF7A  }
0x23: {  	s9 =	sor.u32 $0xD0000000, s2;
	s6 =	simm.s32 $0x108;
	_ =	swait.ge @!p0 [sflag:s8], $0x0  }
0x24: {  	s3 =	sadd.s32 $0x88, s3;
	s6 =	simm.s32 @!p1 $0x1082;
	[sflag:s4] =	ssyncset.s32 $0xFFFFF086  }
0x25: {  	[simem:s6], [sflag:s4] =	dma.local [hbm:s3], $0xF7A  }
0x26: {  	[smem:$0x3F9E] =	sst s1;
	(tag) =	ssettag s2;
	_ =	strace s9  }
0x27: {  	s1 =	sld [smem:$0x3FAE]  }
0x28: {  	s2 =	sld [smem:$0x3FAF]  }
0x29: {  	s4 =	sld [smem:$0x3FB1]  }
0x2a: {  	p0 =	seq.s32 s5, $0x0;
	s5 =	sld [smem:$0x3FB2]  }
0x2b: {  	s6 =	sld [smem:$0x3FB3]  }
0x2c: {  	s7 =	sld [smem:$0x3FB4]  }
0x2d: {  	s3 =	simm.s32 $0x108;
	s8 =	sld [smem:$0x3FB5]  }
0x2e: {  	s3 =	simm.s32 @!p0 $0x1082;
	s9 =	sld [smem:$0x3FB6]  }
0x2f: {  	lr =	sadd.s32 s0, s3;
	s0 =	sld [smem:$0x3FAD]  }
0x30: {  	s3 =	sld [smem:$0x3FB0]  }
0x31: {  	[smem:$0x3FB9] =	sst s10  }
0x32: {  	s10 =	sld [smem:$0x3FB7];
	_ =	sdelay $0x3  }
0x33: {  	p0 =	seq.s32 s10, $0x1;
	s10 =	sld [smem:$0x3FB9];
	_ =	sdelay $0x3  }
0x34: {  	[smem:$0x3FB9] =	sst s10  }
0x35: {  	s10 =	sld [smem:$0x3FB8];
	_ =	sdelay $0x3  }
0x36: {  	p1 =	seq.s32 s10, $0x1;
	s10 =	sld [smem:$0x3FB9];
	_ =	sdelay $0x3  }
0x37: {  	[smem:$0x3FB9] =	sst s10  }
0x38: {  	s10 =	sld [smem:$0x3FBA]  }
0x39: {  	_ = 	snop;
	(pc) =	sbr.ind lr, $3  }
0x3a: {  	_ = 	snop  }
0x3b: {  	_ = 	snop  }
0x3c: {  	p2 =	seq.s32 s10, $0x1;
	s10 =	sld [smem:$0x3FB9]  }
0x3d: {  	_ =	shalt  }
0x3e: {  	_ =	shalt  }
0x3f: {  	_ =	shalt  }
0x40: {  	_ =	shalt  }
0x41: {  	_ =	shalt  }
0x42: {  	_ =	shalt  }
0x43: {  	_ =	shalt  }
0x44: {  	_ =	shalt  }
0x45: {  	_ =	shalt  }
0x46: {  	_ =	shalt  }
0x47: {  	_ =	shalt  }
0x48: {  	_ =	shalt  }
0x49: {  	_ =	shalt  }
0x4a: {  	_ =	shalt  }
0x4b: {  	_ =	shalt  }
0x4c: {  	_ =	shalt  }
0x4d: {  	_ =	shalt  }
0x4e: {  	_ =	shalt  }
0x4f: {  	_ =	shalt  }
0x50: {  	_ =	shalt  }
0x51: {  	_ =	shalt  }
0x52: {  	_ =	shalt  }
0x53: {  	_ =	shalt  }
0x54: {  	_ =	shalt  }
0x55: {  	_ =	shalt  }
0x56: {  	_ =	shalt  }
0x57: {  	_ =	shalt  }
0x58: {  	_ =	shalt  }
0x59: {  	_ =	shalt  }
0x5a: {  	_ =	shalt  }
0x5b: {  	_ =	shalt  }
0x5c: {  	_ =	shalt  }
0x5d: {  	_ =	shalt  }
0x5e: {  	_ =	shalt  }
0x5f: {  	_ =	shalt  }
0x60: {  	_ =	shalt  }
0x61: {  	_ =	shalt  }
0x62: {  	_ =	shalt  }
0x63: {  	_ =	shalt  }
0x64: {  	_ =	shalt  }
0x65: {  	_ =	shalt  }
0x66: {  	_ =	shalt  }
0x67: {  	_ =	shalt  }
0x68: {  	_ =	shalt  }
0x69: {  	_ =	shalt  }
0x6a: {  	_ =	shalt  }
0x6b: {  	_ =	shalt  }
0x6c: {  	_ =	shalt  }
0x6d: {  	_ =	shalt  }
0x6e: {  	_ =	shalt  }
0x6f: {  	_ =	shalt  }
0x70: {  	_ =	shalt  }
0x71: {  	_ =	shalt  }
0x72: {  	_ =	shalt  }
0x73: {  	_ =	shalt  }
0x74: {  	_ =	shalt  }
0x75: {  	_ =	shalt  }
0x76: {  	_ =	shalt  }
0x77: {  	_ =	shalt  }
0x78: {  	_ =	shalt  }
0x79: {  	_ =	shalt  }
0x7a: {  	_ =	shalt  }
0x7b: {  	_ =	shalt  }
0x7c: {  	_ =	shalt  }
0x7d: {  	_ =	shalt  }
0x7e: {  	_ =	shalt  }
0x7f: {  	_ =	shalt  }
0x80: {  	_ =	shalt  }
0x81: {  	_ =	shalt  }
0x82: {  	_ =	shalt  }
0x83: {  	_ =	shalt  }
0x84: {  	_ =	shalt  }
0x85: {  	_ =	shalt  }
0x86: {  	_ =	shalt  }
0x87: {  	_ =	shalt  }
.Lfunc_end0:
.L_simem_size_0:
called_computation_lowered:
.L_overlay_start_0:
0x88: {  	s2 =	sld [smem:$0x3FD9]  }
0x89: {  	s3 =	sld [smem:$0x3FFE];
	_ =	sdelay $0x1  }
0x8a: {  	s1 =	srdreg.scid  }
0x8b: {  	s0 =	sand.u32 $0x1, s1  }
0x8c: {  	s16 =	sshll.u32 s0, $0xA;
	s2 =	sadd.s32 s3, s2  }
0x8d: {  	s2 =	sadd.s32 s2, s16  }
0x8e: {  	[smem:$0x3FC5] =	sst s2  }
0x8f: {  	_ = 	snop  }
0x90: {  	(tm) =	ssettm $0x1  }
0x91: {  	s17 =	sld [smem:$0x3FFB];
	_ =	sdelay $0x3  }
0x92: {  	_ =	strace s17  }
0x93: {  	s2 =	sld [smem:$0x3FFC];
	_ =	sdelay $0x3  }
0x94: {  	_ =	strace s2  }
0x95: {  	s2 =	sld [smem:$0x3FFD];
	_ =	sdelay $0x3  }
0x96: {  	_ =	strace s2  }
0x97: {  	_ =	strace $0x8FFFFFFF  }
0x98: {  	s18 =	sld [smem:$0x3FDB];
	_ =	sdelay $0x1  }
0x99: {  	s19 =	simm.s32 $_scs_section_size  }
0x9a: {  	s4 =	simm.s32 $_size__tile_overlayer_lowered;
	s5 =	simm.s32 $_tile_overlayer_lowered  }
0x9b: {  	s22 =	simm.s32 $0x1BFF;
	s21 =	sshll.u32 s5, $0x1;
	s2 =	sadd.s32 s19, s18  }
0x9c: {  	s6 =	simm.s32 $0x0;
	s20 =	sshll.u32 s4, $0x1;
	s4 =	sadd.s32 s21, s2  }
0x9d: {  	[timem:s6], [sflag:s22] =	dma.local [hbm:s4], s20  }
0x9e: {  	_ =	swait.ge [sflag:s22], s20  }
0x9f: {  	s3 =	ssub.s32 $0x0, s20;
	[sflag:s22] =	ssyncset.done $0x0  }
0xa0: {  	[sflag:s22] =	ssyncadd.s32 s3;
	_ =	sdelay $0x1  }
0xa1: {  	s23 =	simm.s32 $0x1B8B  }
0xa2: {  	_ =	swait.ge [sflag:s23], $0x1  }
0xa3: {  	[sflag:s23] =	ssyncset.done $0x0  }
0xa4: {  	s25 =	simm.s32 $0x1B8E;
	s24 =	sld [smem:$0x3FFE];
	[sflag:s23] =	ssyncadd.s32 $0xFFFFFFFF  }
0xa5: {  	s26 =	simm.s32 $execute0_lowered;
	[smem:$0x3FD2] =	sst s25  }
0xa6: {  	s4 =	sshll.u32 s26, $0x1;
	_ =	strace $0x80000046;
	[dreg:$0x1] =	wrdreg $0xFFFFFFFF  }
0xa7: {  	s28 =	simm.s32 $_size_execute0_lowered;
	s2 =	sadd.s32 s2, s4;
	[dreg:$0x0] =	wrdreg $0x0  }
0xa8: {  	s4 =	sshll.u32 s28, $0x1;
	[dreg:$0x2] =	wrdreg s2  }
0xa9: {  	[dreg:$0x3] =	wrdreg s4  }
0xaa: {  	[dreg:$0x4] =	wrdreg $0xC0  }
0xab: {  	_ =	task [dreg:s6], $0x5FFFF  }
0xac: {  	[dreg:$0x1] =	wrdreg $0xFFFFFFFF  }
0xad: {  	[dreg:$0x0] =	wrdreg $0x60  }
0xae: {  	[dreg:$0x2] =	wrdreg s24  }
0xaf: {  	[dreg:$0x3] =	wrdreg $0x9  }
0xb0: {  	_ =	task.clear_ibuf [dreg:s6], $0x4FFFF;
	_ =	strace $0x90000046  }
0xb1: {  	s29 =	simm.s32 $0x9;
	_ =	strace $0x80000048  }
0xb2: {  	_ =	swait.ge [sflag:s29], $0x1  }
0xb3: {  	[sflag:s29] =	ssyncadd.s32 $0xFFFFFFFF  }
0xb4: {  	_ =	strace $0x90000048  }
0xb5: {  	_ =	sfence  }
0xb6: {  	s30 =	sld [smem:$0x0];
	_ =	sdelay $0x2  }
0xb7: {  	s31 =	sshll.u32 s1, $0xD;
	s1 =	sshrl.u32 s1, $0x2  }
0xb8: {  	s3 =	sand.u32 $0x4000, s31;
	s1 =	sadd.s32 s1, s30  }
0xb9: {  	s0 =	sor.u32 s3, s0;
	s1 =	sshll.u32 s1, $0x11  }
0xba: {  	s0 =	sor.u32 s1, s0  }
0xbb: {  	s0 =	sadd.s32 $0x8F2B, s0  }
0xbc: {  	[sflag:s0] =	ssyncadd.remote.s32 $0x1  }
0xbd: {  	_ =	sfence.sel $0xFFFF  }
0xbe: {  	[dreg:$0x0] =	wrdreg $0xFFFFFFFF;
	(pc) =	sbr.abs _section_cstart, $3  }
0xbf: {  	[dreg:$0x1] =	wrdreg $0xFFFFFFFF  }
0xc0: {  	_ =	task.clear_ibuf [dreg:s6], $0x2FFFF;
	_ =	strace $0x9FFFFFFF  }
0xc1: {  	(tm) =	ssettm $0x7FFFFFFF  }
tec
execute0_lowered:
.L_overlay_start_1:
0x0: {  	(tag) =	ssettag $0x1  }
0x1: {  	v0 =	vlaneseq.u32  }
0x2: {  	v1 =	vmul.u32 $0xC8, v0;
	_ =	sdelay $0x1  }
0x3: {  	v2 =	vadd.s32 $0xC80, v1;
	v12 =	vadd.s32 $0x2581, v1;
	v13 =	vadd.s32 $0x3201, v1  }
0x4: {  	v14 =	vadd.s32 $0x3E81, v1;
	v15 =	vadd.s32 $0x4B01, v1;
	v16 =	vadd.s32 $0x5781, v1  }
0x5: {  	v17 =	vor.u32 $0x2, v1;
	v18 =	vadd.s32 $0xC82, v1;
	v19 =	vadd.s32 $0x1902, v1  }
0x6: {  	s12 =	simm.s32 $0x16800;
	s15 =	simm.s32 $0x6400;
	v20 =	vadd.s32 $0x2582, v1;
	v21 =	vadd.s32 $0x3202, v1;
	v22 =	vadd.s32 $0x3E82, v1  }
0x7: {  	s16 =	simm.s32 $0x6800;
	s17 =	simm.s32 $0x6480;
	s18 =	simm.s32 $0x8800;
	v23 =	vadd.s32 $0x4B02, v1;
	v24 =	vadd.s32 $0x5782, v1;
	v25 =	vor.u32 $0x3, v1  }
0x8: {  	s0 =	srdreg.scid;
	s19 =	simm.s32 $0x6500;
	s20 =	simm.s32 $0xA800;
	v26 =	vadd.s32 $0xC83, v1;
	v27 =	vadd.s32 $0x1903, v1;
	[tilespmem:$0x1FF60] =	vst v2;
	v2 =	vadd.s32 $0x1900, v1  }
0x9: {  	s1 =	stileid.u32;
	s21 =	simm.s32 $0x6580;
	s22 =	simm.s32 $0xC800;
	v28 =	vadd.s32 $0x2583, v1;
	v29 =	vadd.s32 $0x3203, v1;
	[tilespmem:$0x1FF70] =	vst v2;
	v2 =	vadd.s32 $0x2580, v1  }
0xa: {  	s4 =	rddreg [dreg:$0x0];
	s23 =	simm.s32 $0x6600;
	s24 =	simm.s32 $0xE800;
	v30 =	vadd.s32 $0x3E83, v1;
	v31 =	vadd.s32 $0x4B03, v1;
	[tilespmem:$0x1FF80] =	vst v2;
	v2 =	vadd.s32 $0x3200, v1  }
0xb: {  	s25 =	simm.s32 $0x6680;
	s28 =	simm.s32 $0x6700;
	s29 =	simm.s32 $0x12800;
	v32 =	vadd.s32 $0x5783, v1;
	v33 =	vor.u32 $0x4, v1;
	[tilespmem:$0x1FF90] =	vst v2;
	v2 =	vadd.s32 $0x3E80, v1  }
0xc: {  	s14 =	simm.s32 $0x80;
	s30 =	simm.s32 $0x6780;
	s31 =	simm.s32 $0x14800;
	v34 =	vadd.s32 $0xC84, v1;
	v35 =	vadd.s32 $0x1904, v1;
	[tilespmem:$0x1FFA0] =	vst v2;
	v2 =	vadd.s32 $0x4B00, v1  }
0xd: {  	s11 =	simm.s32 $0x0;
	s0 =	sand.u32 $0x1, s0;
	s1 =	sshll.u32 s1, $0x8;
	v36 =	vadd.s32 $0x2584, v1;
	v37 =	vadd.s32 $0x3204, v1;
	[tilespmem:$0x1FFB0] =	vst v2;
	v2 =	vadd.s32 $0x5780, v1  }
0xe: {  	s6 =	sadd.s32 $0x400, s4;
	s7 =	sadd.s32 $0xDCC00, s4;
	s2 =	sshll.u32 s0, $0x7;
	v38 =	vadd.s32 $0x3E84, v1;
	v39 =	vadd.s32 $0x4B04, v1;
	[tilespmem:$0x1FFC0] =	vst v2;
	v2 =	vor.u32 $0x1, v1  }
0xf: {  	s8 =	sadd.s32 $0xDCC08, s4;
	s9 =	sadd.s32 $0xECC00, s4;
	s1 =	sor.u32 s2, s1;
	v40 =	vadd.s32 $0x5784, v1;
	v41 =	vor.u32 $0x5, v1;
	[tilespmem:$0x1FFD0] =	vst v2;
	v2 =	vadd.s32 $0xC81, v1  }
0x10: {  	s0 =	ssub.s32 $0x2, s0;
	s2 =	simm.s32 $0x0;
	v42 =	vadd.s32 $0xC85, v1;
	v43 =	vadd.s32 $0x1905, v1;
	s3 =	smul.u32 $0x19, s1;
	[tilespmem:$0x1FFE0] =	vst v2;
	v2 =	vadd.s32 $0x1901, v1  }
0x11: {  	s10 =	sadd.s32 $0xECC08, s4;
	s26 =	sshrl.u32 s0, $0x1;
	v44 =	vadd.s32 $0x2585, v1;
	v45 =	vadd.s32 $0x3205, v1;
	v46 =	vadd.s32 $0x3E85, v1;
	[smem:$0x7FF] =	sst s2;
	[tilespmem:$0x1FFF0] =	vst v2  }
0x12: {  	v47 =	vadd.s32 $0x4B05, v1;
	v48 =	vadd.s32 $0x5785, v1;
	v49 =	vor.u32 $0x6, v1;
	s5 =	sadd.s32 s3, s4;
	_ =	strace $0x80000047;
	[dreg:$0x2] =	wrdreg s6  }
.Ltmp0:
0x13: {  	v50 =	vadd.s32 $0xC86, v1;
	v51 =	vadd.s32 $0x1906, v1;
	v52 =	vadd.s32 $0x2586, v1;
	s5 =	sadd.s32 $0x600, s5;
	[dreg:$0x3] =	wrdreg s7;
	(pc) =	sbr.rel .LBB2_1-.Ltmp0, $4  }
0x14: {  	v53 =	vadd.s32 $0x3206, v1;
	v54 =	vadd.s32 $0x3E86, v1;
	v55 =	vadd.s32 $0x4B06, v1;
	s0 =	ssub.s32 s0, s26;
	s1 =	sshll.u32 s1, $0x7;
	[dreg:$0x4] =	wrdreg s5  }
0x15: {  	v56 =	vadd.s32 $0x5786, v1;
	v57 =	vor.u32 $0x7, v1;
	v58 =	vadd.s32 $0xC87, v1;
	s26 =	simm.s32 $0x10800;
	s0 =	smax.u32 s0, $0x1;
	[dreg:$0x5] =	wrdreg s1  }
0x16: {  	v59 =	vadd.s32 $0x1907, v1;
	v60 =	vadd.s32 $0x2587, v1;
	v61 =	vadd.s32 $0x3207, v1;
	s3 =	sadd.s32 $0x19600, s4;
	s4 =	simm.s32 $0x2;
	[dreg:$0x6] =	wrdreg s0  }
0x17: {  	v62 =	vadd.s32 $0x3E87, v1;
	v63 =	vadd.s32 $0x4B07, v1;
	v2 =	vadd.s32 $0x5787, v1;
	s1 =	simm.s32 $0x1;
	s0 =	simm.s32 $0x40;
	s6 =	simm.s32 $0x3  }
.LBB2_53:
0x18: {  	_ =	swait.ge [sflag:s6], $0x2000  }
0x19: {  	[sflag:s6] =	ssyncset.done $0x0  }
0x1a: {  	[sflag:s6] =	ssyncadd.s32 $0xFFFFE000  }
0x1b: {  	_ =	swait.ge [sflag:s6], $0x2000  }
0x1c: {  	[sflag:s6] =	ssyncset.done $0x0  }
0x1d: {  	[sflag:s6] =	ssyncadd.s32 $0xFFFFE000  }
0x1e: {  	_ =	swait.ge [sflag:s6], $0x2000  }
0x1f: {  	[sflag:s6] =	ssyncset.done $0x0  }
0x20: {  	[sflag:s6] =	ssyncadd.s32 $0xFFFFE000  }
0x21: {  	_ =	swait.ge [sflag:s6], $0x2000  }
0x22: {  	[sflag:s6] =	ssyncset.done $0x0  }
0x23: {  	s7 =	simm.s32 $0x4;
	[sflag:s6] =	ssyncadd.s32 $0xFFFFE000  }
0x24: {  	_ =	swait.ge [sflag:s7], $0x2000  }
0x25: {  	[sflag:s7] =	ssyncset.done $0x0  }
0x26: {  	[sflag:s7] =	ssyncadd.s32 $0xFFFFE000  }
0x27: {  	_ =	swait.ge [sflag:s7], $0x2000  }
0x28: {  	[sflag:s7] =	ssyncset.done $0x0  }
0x29: {  	[sflag:s7] =	ssyncadd.s32 $0xFFFFE000  }
0x2a: {  	_ =	swait.ge [sflag:s7], $0x2000  }
0x2b: {  	[sflag:s7] =	ssyncset.done $0x0  }
0x2c: {  	[sflag:s7] =	ssyncadd.s32 $0xFFFFE000  }
0x2d: {  	_ =	swait.ge [sflag:s7], $0x2000  }
0x2e: {  	s11 =	rddreg [dreg:$0x7]  }
0x2f: {  	s5 =	rddreg [dreg:$0x6];
	s11 =	sadd.s32 $0x1, s11  }
0x30: {  	p0 =	sne.s32 s11, s5  }
.Ltmp1:
0x31: {  	_ = 	snop;
	(pc) =	sbr.rel @!p0 .LBB2_54-.Ltmp1, $3  }
0x32: {  	_ =	sdelay $0x1  }
0x33: {  	[sflag:s7] =	ssyncset.done $0x0  }
0x34: {  	[sflag:s7] =	ssyncadd.s32 $0xFFFFE000  }
.LBB2_1:
0x35: {  	[dreg:$0x7] =	wrdreg s11  }
0x36: {  	s5 =	rddreg [dreg:$0x2];
	s7 =	simm.s32 $0x5  }
0x37: {  	[tilespmem:s12], [sflag:$0x5] =	stream.linear.gather [hbm4b:s5+s2], $0x2C0, $0x38;
	[tilespmem:$0x16AC0] =	vst v63  }
0x38: {  	_ =	swait.ge [sflag:s7], $0x2C0  }
0x39: {  	[sflag:s7] =	ssyncset.done $0x0  }
0x3a: {  	s13 =	rddreg [dreg:$0x4];
	[sflag:s7] =	ssyncadd.s32 $0xFFFFFD40  }
0x3b: {  	[tilespmem:s2], [sflag:$0x5] =	stream.linear.gather [hbm4b:s13+s2], $0x6400, $0x38;
	[tilespmem:$0x16AC0] =	vst v63  }
0x3c: {  	_ =	swait.ge [sflag:s7], $0x6400  }
0x3d: {  	[sflag:s7] =	ssyncset.done $0x0  }
0x3e: {  	[sflag:s7] =	ssyncadd.s32 $0xFFFF9C00  }
0x3f: {  	v3 =	vld.idx.msk [tilespmem:v1+s2+$0x0], $0xffff;
	_ =	sdelay $0x4  }
0x40: {  	[tilespmem:$0x6400] =	vst v3;
	v3 =	vld [tilespmem:$0x1FF60];
	_ =	sdelay $0x7  }
0x41: {  	v3 =	vld.idx.msk [tilespmem:v3+s2+$0x0], $0xffff;
	_ =	sdelay $0x4  }
0x42: {  	[tilespmem:$0x6410] =	vst v3;
	v3 =	vld [tilespmem:$0x1FF70];
	_ =	sdelay $0x7  }
0x43: {  	v3 =	vld.idx.msk [tilespmem:v3+s2+$0x0], $0xffff;
	_ =	sdelay $0x4  }
0x44: {  	[tilespmem:$0x6420] =	vst v3;
	v3 =	vld [tilespmem:$0x1FF80];
	_ =	sdelay $0x7  }
0x45: {  	v3 =	vld.idx.msk [tilespmem:v3+s2+$0x0], $0xffff;
	_ =	sdelay $0x4  }
0x46: {  	[tilespmem:$0x6430] =	vst v3;
	v3 =	vld [tilespmem:$0x1FF90];
	_ =	sdelay $0x7  }
0x47: {  	v3 =	vld.idx.msk [tilespmem:v3+s2+$0x0], $0xffff;
	_ =	sdelay $0x4  }
0x48: {  	[tilespmem:$0x6440] =	vst v3;
	v3 =	vld [tilespmem:$0x1FFA0];
	_ =	sdelay $0x7  }
0x49: {  	v3 =	vld.idx.msk [tilespmem:v3+s2+$0x0], $0xffff;
	_ =	sdelay $0x4  }
0x4a: {  	[tilespmem:$0x6450] =	vst v3;
	v3 =	vld [tilespmem:$0x1FFB0];
	_ =	sdelay $0x7  }
0x4b: {  	v3 =	vld.idx.msk [tilespmem:v3+s2+$0x0], $0xffff;
	_ =	sdelay $0x4  }
0x4c: {  	[tilespmem:$0x6460] =	vst v3;
	v3 =	vld [tilespmem:$0x1FFC0];
	_ =	sdelay $0x7  }
0x4d: {  	v3 =	vld.idx.msk [tilespmem:v3+s2+$0x0], $0xffff;
	_ =	sdelay $0x4  }
0x4e: {  	[tilespmem:$0x6470] =	vst v3;
	v3 =	vld [tilespmem:$0x1FFD0];
	_ =	sdelay $0x7  }
0x4f: {  	v3 =	vld.idx.msk [tilespmem:v3+s2+$0x0], $0xffff;
	_ =	sdelay $0x4  }
0x50: {  	[tilespmem:$0x6480] =	vst v3;
	v3 =	vld [tilespmem:$0x1FFE0];
	_ =	sdelay $0x7  }
0x51: {  	v3 =	vld.idx.msk [tilespmem:v3+s2+$0x0], $0xffff;
	_ =	sdelay $0x4  }
0x52: {  	[tilespmem:$0x6490] =	vst v3;
	v3 =	vld [tilespmem:$0x1FFF0];
	_ =	sdelay $0x7  }
0x53: {  	v3 =	vld.idx.msk [tilespmem:v3+s2+$0x0], $0xffff;
	_ =	sdelay $0x4  }
0x54: {  	[tilespmem:$0x64A0] =	vst v3  }
0x55: {  	v3 =	vld.idx.msk [tilespmem:v12+s2+$0x0], $0xffff;
	_ =	sdelay $0x4  }
0x56: {  	[tilespmem:$0x64B0] =	vst v3  }
0x57: {  	v3 =	vld.idx.msk [tilespmem:v13+s2+$0x0], $0xffff;
	_ =	sdelay $0x4  }
0x58: {  	[tilespmem:$0x64C0] =	vst v3  }
0x59: {  	v3 =	vld.idx.msk [tilespmem:v14+s2+$0x0], $0xffff;
	_ =	sdelay $0x4  }
0x5a: {  	[tilespmem:$0x64D0] =	vst v3  }
0x5b: {  	v3 =	vld.idx.msk [tilespmem:v15+s2+$0x0], $0xffff;
	_ =	sdelay $0x4  }
0x5c: {  	[tilespmem:$0x64E0] =	vst v3  }
0x5d: {  	v3 =	vld.idx.msk [tilespmem:v16+s2+$0x0], $0xffff;
	_ =	sdelay $0x4  }
0x5e: {  	[tilespmem:$0x64F0] =	vst v3  }
0x5f: {  	v3 =	vld.idx.msk [tilespmem:v17+s2+$0x0], $0xffff;
	_ =	sdelay $0x4  }
0x60: {  	[tilespmem:$0x6500] =	vst v3  }
0x61: {  	v3 =	vld.idx.msk [tilespmem:v18+s2+$0x0], $0xffff;
	_ =	sdelay $0x4  }
0x62: {  	[tilespmem:$0x6510] =	vst v3  }
0x63: {  	v3 =	vld.idx.msk [tilespmem:v19+s2+$0x0], $0xffff;
	_ =	sdelay $0x4  }
0x64: {  	[tilespmem:$0x6520] =	vst v3  }
0x65: {  	v3 =	vld.idx.msk [tilespmem:v20+s2+$0x0], $0xffff;
	_ =	sdelay $0x4  }
0x66: {  	[tilespmem:$0x6530] =	vst v3  }
0x67: {  	v3 =	vld.idx.msk [tilespmem:v21+s2+$0x0], $0xffff;
	_ =	sdelay $0x4  }
0x68: {  	[tilespmem:$0x6540] =	vst v3  }
0x69: {  	v3 =	vld.idx.msk [tilespmem:v22+s2+$0x0], $0xffff;
	_ =	sdelay $0x4  }
0x6a: {  	[tilespmem:$0x6550] =	vst v3  }
0x6b: {  	v3 =	vld.idx.msk [tilespmem:v23+s2+$0x0], $0xffff;
	_ =	sdelay $0x4  }
0x6c: {  	[tilespmem:$0x6560] =	vst v3  }
0x6d: {  	v3 =	vld.idx.msk [tilespmem:v24+s2+$0x0], $0xffff;
	_ =	sdelay $0x4  }
0x6e: {  	[tilespmem:$0x6570] =	vst v3  }
0x6f: {  	v3 =	vld.idx.msk [tilespmem:v25+s2+$0x0], $0xffff;
	_ =	sdelay $0x4  }
0x70: {  	[tilespmem:$0x6580] =	vst v3  }
0x71: {  	v3 =	vld.idx.msk [tilespmem:v26+s2+$0x0], $0xffff;
	_ =	sdelay $0x4  }
0x72: {  	[tilespmem:$0x6590] =	vst v3  }
0x73: {  	v3 =	vld.idx.msk [tilespmem:v27+s2+$0x0], $0xffff;
	_ =	sdelay $0x4  }
0x74: {  	[tilespmem:$0x65A0] =	vst v3  }
0x75: {  	v3 =	vld.idx.msk [tilespmem:v28+s2+$0x0], $0xffff;
	_ =	sdelay $0x4  }
0x76: {  	[tilespmem:$0x65B0] =	vst v3  }
0x77: {  	v3 =	vld.idx.msk [tilespmem:v29+s2+$0x0], $0xffff;
	_ =	sdelay $0x4  }
0x78: {  	[tilespmem:$0x65C0] =	vst v3  }
0x79: {  	v3 =	vld.idx.msk [tilespmem:v30+s2+$0x0], $0xffff;
	_ =	sdelay $0x4  }
0x7a: {  	[tilespmem:$0x65D0] =	vst v3  }
0x7b: {  	v3 =	vld.idx.msk [tilespmem:v31+s2+$0x0], $0xffff;
	_ =	sdelay $0x4  }
0x7c: {  	[tilespmem:$0x65E0] =	vst v3  }
0x7d: {  	v3 =	vld.idx.msk [tilespmem:v32+s2+$0x0], $0xffff;
	_ =	sdelay $0x4  }
0x7e: {  	[tilespmem:$0x65F0] =	vst v3  }
0x7f: {  	[tilespmem:s16], [sflag:$0x1] =	stream.indirect.gather [hbm4b:s3+s14], $0x40, s15, s14, $0xb8;
	[tilespmem:$0x16AC0] =	vst v63  }
0x80: {  	_ = 	snop  }
0x81: {  	[tilespmem:s18], [sflag:$0x1] =	stream.indirect.gather [hbm4b:s3+s14], $0x40, s17, s14, $0xb8;
	[tilespmem:$0x16AC0] =	vst v63  }
.Ltmp2:
0x82: {  	_ = 	snop;
	(pc) =	sbr.rel .LBB2_2-.Ltmp2, $4  }
0x83: {  	_ = 	snop  }
0x84: {  	[tilespmem:s20], [sflag:$0x1] =	stream.indirect.gather [hbm4b:s3+s14], $0x40, s19, s14, $0xb8;
	[tilespmem:$0x16AC0] =	vst v63  }
0x85: {  	s11 =	simm.s32 $0x0  }
0x86: {  	[tilespmem:s22], [sflag:$0x1] =	stream.indirect.gather [hbm4b:s3+s14], $0x40, s21, s14, $0xb8;
	[tilespmem:$0x16AC0] =	vst v63  }
.LBB2_52:
0x87: {  	s5 =	sshll.u32 s13, $0x14;
	s7 =	rddreg [dreg:$0x5]  }
0x88: {  	s5 =	sor.u32 s7, s5  }
0x89: {  	s13 =	rddreg [dreg:$0x3];
	s5 =	sshrl.u32 s5, $0x3  }
0x8a: {  	s11 =	sadd.s32 $0x1, s11;
	s7 =	sadd.s32 s13, s5  }
0x8b: {  	[hbm4b:s7+s0] =	stream.strided.scatter [tilespmem:s24], [sflag:$0x4], $0x2000, s14, s0, $0x38;
	[tilespmem:$0x16AC0] =	vst v63  }
0x8c: {  	p0 =	sne.s32 s11, $0x19;
	s13 =	sadd.s32 s5, s8  }
0x8d: {  	[hbm4b:s13+s0] =	stream.strided.scatter [tilespmem:s26], [sflag:$0x4], $0x2000, s14, s0, $0x38;
	[tilespmem:$0x16AC0] =	vst v63  }
.Ltmp3:
0x8e: {  	_ = 	snop;
	(pc) =	sbr.rel @!p0 .LBB2_53-.Ltmp3, $4  }
0x8f: {  	s13 =	sadd.s32 s5, s9  }
0x90: {  	[hbm4b:s13+s0] =	stream.strided.scatter [tilespmem:s29], [sflag:$0x4], $0x2000, s14, s0, $0x38;
	[tilespmem:$0x16AC0] =	vst v63  }
0x91: {  	s5 =	sadd.s32 s5, s10  }
0x92: {  	[hbm4b:s5+s0] =	stream.strided.scatter [tilespmem:s31], [sflag:$0x4], $0x2000, s14, s0, $0x38;
	[tilespmem:$0x16AC0] =	vst v63  }
.LBB2_2:
0x93: {  	p0 =	seq.s32 s11, $0x0  }
0x94: {  	s5 =	simm.s32 @!p0 $0x4  }
0x95: {  	s13 =	sshllo.u32 s11, $0x1;
	_ =	swait.ge @!p0 [sflag:s5], $0x2000  }
0x96: {  	s7 =	sshll.u32 s13, $0x2;
	[sflag:s5] =	ssyncset.done @!p0 $0x0  }
0x97: {  	v3 =	vmov s7;
	[sflag:s5] =	ssyncadd.s32 @!p0 $0xFFFFE000  }
0x98: {  	v3 =	vshrl.u32 v3, $0x3;
	_ =	swait.ge @!p0 [sflag:s5], $0x2000  }
0x99: {  	v3 =	vshll.u32 v3, $0x3;
	[sflag:s5] =	ssyncset.done @!p0 $0x0  }
0x9a: {  	v3 =	vbroadcast v3, $0x0;
	[sflag:s5] =	ssyncadd.s32 @!p0 $0xFFFFE000  }
0x9b: {  	_ =	swait.ge @!p0 [sflag:s5], $0x2000  }
0x9c: {  	v4 =	vadd.s32 v33, v3;
	[sflag:s5] =	ssyncset.done @!p0 $0x0  }
0x9d: {  	[sflag:s5] =	ssyncadd.s32 @!p0 $0xFFFFE000  }
0x9e: {  	_ =	swait.ge @!p0 [sflag:s5], $0x2000  }
0x9f: {  	[sflag:s5] =	ssyncset.done @!p0 $0x0  }
0xa0: {  	[sflag:s5] =	ssyncadd.s32 @!p0 $0xFFFFE000;
	s5 =	simm.s32 $0x0  }
0xa1: {  	v4 =	vld.idx.msk [tilespmem:v4+s5+$0x0], $0xffff  }
0xa2: {  	v5 =	vadd.s32 v34, v3;
	_ =	sdelay $0x3  }
0xa3: {  	[tilespmem:$0x6600] =	vst v4  }
0xa4: {  	v4 =	vld.idx.msk [tilespmem:v5+s5+$0x0], $0xffff  }
0xa5: {  	v11 =	vadd.s32 v35, v3;
	_ =	sdelay $0x3  }
0xa6: {  	[tilespmem:$0x6610] =	vst v4  }
0xa7: {  	v4 =	vld.idx.msk [tilespmem:v11+s5+$0x0], $0xffff  }
0xa8: {  	v8 =	vadd.s32 v36, v3;
	_ =	sdelay $0x3  }
0xa9: {  	[tilespmem:$0x6620] =	vst v4  }
0xaa: {  	v4 =	vld.idx.msk [tilespmem:v8+s5+$0x0], $0xffff  }
0xab: {  	v9 =	vadd.s32 v37, v3;
	_ =	sdelay $0x3  }
0xac: {  	[tilespmem:$0x6630] =	vst v4  }
0xad: {  	v4 =	vld.idx.msk [tilespmem:v9+s5+$0x0], $0xffff  }
0xae: {  	v10 =	vadd.s32 v38, v3;
	_ =	sdelay $0x3  }
0xaf: {  	[tilespmem:$0x6640] =	vst v4  }
0xb0: {  	v4 =	vld.idx.msk [tilespmem:v10+s5+$0x0], $0xffff  }
0xb1: {  	v11 =	vadd.s32 v39, v3;
	_ =	sdelay $0x3  }
0xb2: {  	[tilespmem:$0x6650] =	vst v4  }
0xb3: {  	v4 =	vld.idx.msk [tilespmem:v11+s5+$0x0], $0xffff  }
0xb4: {  	v8 =	vadd.s32 v40, v3;
	_ =	sdelay $0x3  }
0xb5: {  	[tilespmem:$0x6660] =	vst v4  }
0xb6: {  	v4 =	vld.idx.msk [tilespmem:v8+s5+$0x0], $0xffff  }
0xb7: {  	v9 =	vadd.s32 v41, v3;
	_ =	sdelay $0x3  }
0xb8: {  	[tilespmem:$0x6670] =	vst v4  }
0xb9: {  	v4 =	vld.idx.msk [tilespmem:v9+s5+$0x0], $0xffff  }
0xba: {  	v10 =	vadd.s32 v42, v3;
	_ =	sdelay $0x3  }
0xbb: {  	[tilespmem:$0x6680] =	vst v4  }
0xbc: {  	v4 =	vld.idx.msk [tilespmem:v10+s5+$0x0], $0xffff  }
0xbd: {  	v11 =	vadd.s32 v43, v3;
	_ =	sdelay $0x3  }
0xbe: {  	[tilespmem:$0x6690] =	vst v4  }
0xbf: {  	v4 =	vld.idx.msk [tilespmem:v11+s5+$0x0], $0xffff  }
0xc0: {  	v8 =	vadd.s32 v44, v3;
	_ =	sdelay $0x3  }
0xc1: {  	[tilespmem:$0x66A0] =	vst v4  }
0xc2: {  	v4 =	vld.idx.msk [tilespmem:v8+s5+$0x0], $0xffff  }
0xc3: {  	v9 =	vadd.s32 v45, v3;
	_ =	sdelay $0x3  }
0xc4: {  	[tilespmem:$0x66B0] =	vst v4  }
0xc5: {  	v4 =	vld.idx.msk [tilespmem:v9+s5+$0x0], $0xffff  }
0xc6: {  	v10 =	vadd.s32 v46, v3;
	_ =	sdelay $0x3  }
0xc7: {  	[tilespmem:$0x66C0] =	vst v4  }
0xc8: {  	v4 =	vld.idx.msk [tilespmem:v10+s5+$0x0], $0xffff  }
0xc9: {  	v11 =	vadd.s32 v47, v3;
	_ =	sdelay $0x3  }
0xca: {  	[tilespmem:$0x66D0] =	vst v4  }
0xcb: {  	v4 =	vld.idx.msk [tilespmem:v11+s5+$0x0], $0xffff  }
0xcc: {  	v8 =	vadd.s32 v48, v3;
	_ =	sdelay $0x3  }
0xcd: {  	[tilespmem:$0x66E0] =	vst v4  }
0xce: {  	v4 =	vld.idx.msk [tilespmem:v8+s5+$0x0], $0xffff  }
0xcf: {  	v9 =	vadd.s32 v49, v3;
	_ =	sdelay $0x3  }
0xd0: {  	[tilespmem:$0x66F0] =	vst v4  }
0xd1: {  	v4 =	vld.idx.msk [tilespmem:v9+s5+$0x0], $0xffff  }
0xd2: {  	v10 =	vadd.s32 v50, v3;
	_ =	sdelay $0x3  }
0xd3: {  	[tilespmem:$0x6700] =	vst v4  }
0xd4: {  	v4 =	vld.idx.msk [tilespmem:v10+s5+$0x0], $0xffff  }
0xd5: {  	v11 =	vadd.s32 v51, v3;
	_ =	sdelay $0x3  }
0xd6: {  	[tilespmem:$0x6710] =	vst v4  }
0xd7: {  	v4 =	vld.idx.msk [tilespmem:v11+s5+$0x0], $0xffff  }
0xd8: {  	v8 =	vadd.s32 v52, v3;
	_ =	sdelay $0x3  }
0xd9: {  	[tilespmem:$0x6720] =	vst v4  }
0xda: {  	v4 =	vld.idx.msk [tilespmem:v8+s5+$0x0], $0xffff  }
0xdb: {  	v9 =	vadd.s32 v53, v3;
	_ =	sdelay $0x3  }
0xdc: {  	[tilespmem:$0x6730] =	vst v4  }
0xdd: {  	v4 =	vld.idx.msk [tilespmem:v9+s5+$0x0], $0xffff  }
0xde: {  	v10 =	vadd.s32 v54, v3;
	_ =	sdelay $0x3  }
0xdf: {  	[tilespmem:$0x6740] =	vst v4  }
0xe0: {  	v4 =	vld.idx.msk [tilespmem:v10+s5+$0x0], $0xffff  }
0xe1: {  	v11 =	vadd.s32 v55, v3;
	_ =	sdelay $0x3  }
0xe2: {  	[tilespmem:$0x6750] =	vst v4  }
0xe3: {  	v4 =	vld.idx.msk [tilespmem:v11+s5+$0x0], $0xffff  }
0xe4: {  	v8 =	vadd.s32 v56, v3;
	_ =	sdelay $0x3  }
0xe5: {  	[tilespmem:$0x6760] =	vst v4  }
0xe6: {  	v4 =	vld.idx.msk [tilespmem:v8+s5+$0x0], $0xffff  }
0xe7: {  	v9 =	vadd.s32 v57, v3;
	_ =	sdelay $0x3  }
0xe8: {  	[tilespmem:$0x6770] =	vst v4  }
0xe9: {  	v4 =	vld.idx.msk [tilespmem:v9+s5+$0x0], $0xffff  }
0xea: {  	v10 =	vadd.s32 v58, v3;
	_ =	sdelay $0x3  }
0xeb: {  	[tilespmem:$0x6780] =	vst v4  }
0xec: {  	v4 =	vld.idx.msk [tilespmem:v10+s5+$0x0], $0xffff  }
0xed: {  	v11 =	vadd.s32 v59, v3;
	_ =	sdelay $0x3  }
0xee: {  	[tilespmem:$0x6790] =	vst v4  }
0xef: {  	v4 =	vld.idx.msk [tilespmem:v11+s5+$0x0], $0xffff  }
0xf0: {  	v8 =	vadd.s32 v60, v3;
	_ =	sdelay $0x3  }
0xf1: {  	[tilespmem:$0x67A0] =	vst v4  }
0xf2: {  	v4 =	vld.idx.msk [tilespmem:v8+s5+$0x0], $0xffff  }
0xf3: {  	v9 =	vadd.s32 v61, v3;
	_ =	sdelay $0x3  }
0xf4: {  	[tilespmem:$0x67B0] =	vst v4  }
0xf5: {  	v4 =	vld.idx.msk [tilespmem:v9+s5+$0x0], $0xffff  }
0xf6: {  	v10 =	vadd.s32 v62, v3;
	_ =	sdelay $0x3  }
0xf7: {  	[tilespmem:$0x67C0] =	vst v4  }
0xf8: {  	v4 =	vld.idx.msk [tilespmem:v10+s5+$0x0], $0xffff  }
0xf9: {  	v11 =	vadd.s32 v63, v3;
	_ =	sdelay $0x3  }
0xfa: {  	[tilespmem:$0x67D0] =	vst v4  }
0xfb: {  	v4 =	vld.idx.msk [tilespmem:v11+s5+$0x0], $0xffff  }
0xfc: {  	v3 =	vadd.s32 v2, v3;
	_ =	sdelay $0x3  }
0xfd: {  	[tilespmem:$0x67E0] =	vst v4  }
0xfe: {  	v3 =	vld.idx.msk [tilespmem:v3+s5+$0x0], $0xffff;
	_ =	sdelay $0x4  }
0xff: {  	[tilespmem:$0x67F0] =	vst v3  }
0x100: {  	[tilespmem:s24], [sflag:$0x2] =	stream.indirect.gather [hbm4b:s3+s14], $0x40, s23, s14, $0xb8;
	[tilespmem:$0x16AC0] =	vst v63  }
0x101: {  	_ = 	snop  }
0x102: {  	[tilespmem:s26], [sflag:$0x2] =	stream.indirect.gather [hbm4b:s3+s14], $0x40, s25, s14, $0xb8;
	[tilespmem:$0x16AC0] =	vst v63  }
0x103: {  	_ = 	snop  }
0x104: {  	[tilespmem:s29], [sflag:$0x2] =	stream.indirect.gather [hbm4b:s3+s14], $0x40, s28, s14, $0xb8;
	[tilespmem:$0x16AC0] =	vst v63  }
0x105: {  	_ = 	snop  }
0x106: {  	[tilespmem:s31], [sflag:$0x2] =	stream.indirect.gather [hbm4b:s3+s14], $0x40, s30, s14, $0xb8;
	[tilespmem:$0x16AC0] =	vst v63  }
0x107: {  	_ =	swait.ge [sflag:s1], $0x2000  }
0x108: {  	[sflag:s1] =	ssyncset.done $0x0  }
0x109: {  	[sflag:s1] =	ssyncadd.s32 $0xFFFFE000  }
0x10a: {  	_ =	swait.ge [sflag:s1], $0x2000  }
0x10b: {  	[sflag:s1] =	ssyncset.done $0x0  }
0x10c: {  	[sflag:s1] =	ssyncadd.s32 $0xFFFFE000  }
0x10d: {  	_ =	swait.ge [sflag:s1], $0x2000  }
.Ltmp4:
0x10e: {  	[sflag:s1] =	ssyncset.done $0x0;
	(pc) =	sbr.rel .LBB2_3-.Ltmp4, $4  }
0x10f: {  	[sflag:s1] =	ssyncadd.s32 $0xFFFFE000  }
0x110: {  	_ =	swait.ge [sflag:s1], $0x2000  }
0x111: {  	[sflag:s1] =	ssyncset.done $0x0  }
0x112: {  	[sflag:s1] =	ssyncadd.s32 $0xFFFFE000  }
.LBB2_6:
0x113: {  	v10 =	vand.u32 $0x7, v10;
	v4 =	vor.u32 v4, v9  }
0x114: {  	v5 =	vor.u32 v5, v9;
	v4 =	vor.u32 v10, v4  }
0x115: {  	v5 =	vor.u32 v10, v5  }
0x116: {  	v7 =	vadd.f32 v7, v8;
	_ =	sdelay $0x1  }
0x117: {  	[tilespmem:v6+s16+$0x0] =	vst.idx.msk $0xffff, v7  }
0x118: {  	v6 =	vld.idx.msk [tilespmem:v4+s16+$0x0], $0xffff  }
0x119: {  	v5 =	vld.idx.msk [tilespmem:v5+s12+$0x0], $0xffff;
	_ =	sdelay $0x4  }
0x11a: {  	v5 =	vadd.f32 v6, v5;
	_ =	sdelay $0x1  }
0x11b: {  	[tilespmem:v4+s16+$0x0] =	vst.idx.msk $0xffff, v5  }
.LBB2_7:
0x11c: {  	s5 =	sadd.s32 $0x1, s5  }
0x11d: {  	p0 =	sne.s32 s5, $0x8  }
.Ltmp5:
0x11e: {  	_ = 	snop;
	(pc) =	sbr.rel @!p0 .LBB2_8-.Ltmp5, $1  }
0x11f: {  	_ =	sdelay $0x3  }
.LBB2_3:
0x120: {  	s7 =	sshll.u32 s5, $0x4  }
0x121: {  	v3 =	vor.u32 $0xFFFFFFF8, v0;
	v4 =	vor.u32 s7, v0  }
0x122: {  	v5 =	vand.u32 v3, v4;
	_ =	sdelay $0x4  }
0x123: {  	v5 =	vld.idx.msk [tilespmem:v5+s15+$0x0], $0xffff;
	_ =	sdelay $0x4  }
0x124: {  	v6 =	vxor.u32 $0x80000000, v5  }
0x125: {  	(xrf0) =	vmax.scan.msk.u32 $0xffff, v6;
	_ =	sdelay $0x5  }
0x126: {  	v6, _, _ =	vpop (xrf0)  }
0x127: {  	(v2sf) =	vpush v6, $0xF;
	_ =	sdelay $0xe  }
0x128: {  	s7 =	spop (v2sf)  }
0x129: {  	p0 =	slt.u32 s7, $0x80018697  }
.Ltmp6:
0x12a: {  	_ = 	snop;
	(pc) =	sbr.rel @p0 .LBB2_7-.Ltmp6, $1  }
0x12b: {  	_ =	sdelay $0x3  }
0x12c: {  	v5 =	vadd.s32 $0xFFFE796A, v5;
	s7 =	simm.s32 $0x0  }
0x12d: {  	vm0 =	vgt.s32 v5, $0x0;
	v6 =	vmov s7  }
0x12e: {  	v4 =	vshll.u32 v4, $0x6;
	v5 =	vnsel vm0, $0x0, v5;
	v7 =	vand.u32 $0x38, v6  }
0x12f: {  	v8 =	vand.u32 $0x7, v6;
	v5 =	vshll.u32 v5, $0x6;
	v6 =	vor.u32 v4, v7  }
0x130: {  	v7 =	vor.u32 v5, v7;
	v6 =	vor.u32 v8, v6  }
0x131: {  	v8 =	vor.u32 v8, v7;
	_ =	sdelay $0x3  }
0x132: {  	s7 =	simm.s32 $0x1;
	v7 =	vld.idx.msk [tilespmem:v6+s16+$0x0], $0xffff  }
0x133: {  	v10 =	vmov s7;
	v8 =	vld.idx.msk [tilespmem:v8+s12+$0x0], $0xffff  }
0x134: {  	s7 =	simm.s32 $0x2;
	v9 =	vand.u32 $0x38, v10  }
.LBB2_5:
0x135: {  	p0 =	sne.s32 s7, $0x3F;
	v10 =	vand.u32 $0x7, v10;
	v11 =	vor.u32 v4, v9  }
0x136: {  	v9 =	vor.u32 v5, v9;
	v11 =	vor.u32 v10, v11  }
0x137: {  	v9 =	vor.u32 v10, v9  }
0x138: {  	v7 =	vadd.f32 v7, v8;
	_ =	sdelay $0x1  }
.Ltmp7:
0x139: {  	[tilespmem:v6+s16+$0x0] =	vst.idx.msk $0xffff, v7;
	v6 =	vmov v11;
	(pc) =	sbr.rel @p0 .LBB2_5-.Ltmp7, $4  }
0x13a: {  	v7 =	vld.idx.msk [tilespmem:v11+s16+$0x0], $0xffff  }
0x13b: {  	v8 =	vld.idx.msk [tilespmem:v9+s12+$0x0], $0xffff  }
0x13c: {  	v10 =	vmov s7  }
0x13d: {  	s7 =	sadd.s32 $0x1, s7;
	v9 =	vand.u32 $0x38, v10  }
.Ltmp8:
0x13e: {  	_ = 	snop;
	(pc) =	sbr.rel .LBB2_6-.Ltmp8, $1  }
0x13f: {  	_ =	sdelay $0x3  }
.LBB2_8:
.Ltmp9:
0x140: {  	(pc) =	sbr.rel .LBB2_9-.Ltmp9, $2  }
0x141: {  	_ =	sdelay $0x2  }
0x142: {  	s5 =	simm.s32 $0x0  }
.LBB2_12:
0x143: {  	v10 =	vand.u32 $0x7, v10;
	v4 =	vor.u32 v4, v9  }
0x144: {  	v5 =	vor.u32 v5, v9;
	v4 =	vor.u32 v10, v4  }
0x145: {  	v5 =	vor.u32 v10, v5  }
0x146: {  	v7 =	vadd.f32 v7, v8;
	_ =	sdelay $0x1  }
0x147: {  	[tilespmem:v6+s18+$0x0] =	vst.idx.msk $0xffff, v7  }
0x148: {  	v6 =	vld.idx.msk [tilespmem:v4+s18+$0x0], $0xffff  }
0x149: {  	v5 =	vld.idx.msk [tilespmem:v5+s12+$0x0], $0xffff;
	_ =	sdelay $0x4  }
0x14a: {  	v5 =	vadd.f32 v6, v5;
	_ =	sdelay $0x1  }
0x14b: {  	[tilespmem:v4+s18+$0x0] =	vst.idx.msk $0xffff, v5  }
.LBB2_13:
0x14c: {  	s5 =	sadd.s32 $0x1, s5  }
0x14d: {  	p0 =	sne.s32 s5, $0x8  }
.Ltmp10:
0x14e: {  	_ = 	snop;
	(pc) =	sbr.rel @!p0 .LBB2_14-.Ltmp10, $1  }
0x14f: {  	_ =	sdelay $0x3  }
.LBB2_9:
0x150: {  	s7 =	sshll.u32 s5, $0x4  }
0x151: {  	v4 =	vor.u32 s7, v0  }
0x152: {  	v5 =	vand.u32 v3, v4;
	_ =	sdelay $0x4  }
0x153: {  	v5 =	vld.idx.msk [tilespmem:v5+s17+$0x0], $0xffff;
	_ =	sdelay $0x4  }
0x154: {  	v6 =	vxor.u32 $0x80000000, v5  }
0x155: {  	(xrf0) =	vmax.scan.msk.u32 $0xffff, v6;
	_ =	sdelay $0x5  }
0x156: {  	v6, _, _ =	vpop (xrf0)  }
0x157: {  	(v2sf) =	vpush v6, $0xF;
	_ =	sdelay $0xe  }
0x158: {  	s7 =	spop (v2sf)  }
0x159: {  	p0 =	slt.u32 s7, $0x80018697  }
.Ltmp11:
0x15a: {  	_ = 	snop;
	(pc) =	sbr.rel @p0 .LBB2_13-.Ltmp11, $1  }
0x15b: {  	_ =	sdelay $0x3  }
0x15c: {  	v5 =	vadd.s32 $0xFFFE796A, v5;
	s7 =	simm.s32 $0x0  }
0x15d: {  	vm0 =	vgt.s32 v5, $0x0;
	v6 =	vmov s7  }
0x15e: {  	v4 =	vshll.u32 v4, $0x6;
	v5 =	vnsel vm0, $0x0, v5;
	v7 =	vand.u32 $0x38, v6  }
0x15f: {  	v8 =	vand.u32 $0x7, v6;
	v5 =	vshll.u32 v5, $0x6;
	v6 =	vor.u32 v4, v7  }
0x160: {  	v7 =	vor.u32 v5, v7;
	v6 =	vor.u32 v8, v6  }
0x161: {  	v8 =	vor.u32 v8, v7;
	_ =	sdelay $0x3  }
0x162: {  	s7 =	simm.s32 $0x1;
	v7 =	vld.idx.msk [tilespmem:v6+s18+$0x0], $0xffff  }
0x163: {  	v10 =	vmov s7;
	v8 =	vld.idx.msk [tilespmem:v8+s12+$0x0], $0xffff  }
0x164: {  	s7 =	simm.s32 $0x2;
	v9 =	vand.u32 $0x38, v10  }
.LBB2_11:
0x165: {  	p0 =	sne.s32 s7, $0x3F;
	v10 =	vand.u32 $0x7, v10;
	v11 =	vor.u32 v4, v9  }
0x166: {  	v9 =	vor.u32 v5, v9;
	v11 =	vor.u32 v10, v11  }
0x167: {  	v9 =	vor.u32 v10, v9  }
0x168: {  	v7 =	vadd.f32 v7, v8;
	_ =	sdelay $0x1  }
.Ltmp12:
0x169: {  	[tilespmem:v6+s18+$0x0] =	vst.idx.msk $0xffff, v7;
	v6 =	vmov v11;
	(pc) =	sbr.rel @p0 .LBB2_11-.Ltmp12, $4  }
0x16a: {  	v7 =	vld.idx.msk [tilespmem:v11+s18+$0x0], $0xffff  }
0x16b: {  	v8 =	vld.idx.msk [tilespmem:v9+s12+$0x0], $0xffff  }
0x16c: {  	v10 =	vmov s7  }
0x16d: {  	s7 =	sadd.s32 $0x1, s7;
	v9 =	vand.u32 $0x38, v10  }
.Ltmp13:
0x16e: {  	_ = 	snop;
	(pc) =	sbr.rel .LBB2_12-.Ltmp13, $1  }
0x16f: {  	_ =	sdelay $0x3  }
.LBB2_14:
.Ltmp14:
0x170: {  	(pc) =	sbr.rel .LBB2_15-.Ltmp14, $2  }
0x171: {  	_ =	sdelay $0x2  }
0x172: {  	s5 =	simm.s32 $0x0  }
.LBB2_18:
0x173: {  	v10 =	vand.u32 $0x7, v10;
	v4 =	vor.u32 v4, v9  }
0x174: {  	v5 =	vor.u32 v5, v9;
	v4 =	vor.u32 v10, v4  }
0x175: {  	v5 =	vor.u32 v10, v5  }
0x176: {  	v7 =	vadd.f32 v7, v8;
	_ =	sdelay $0x1  }
0x177: {  	[tilespmem:v6+s20+$0x0] =	vst.idx.msk $0xffff, v7  }
0x178: {  	v6 =	vld.idx.msk [tilespmem:v4+s20+$0x0], $0xffff  }
0x179: {  	v5 =	vld.idx.msk [tilespmem:v5+s12+$0x0], $0xffff;
	_ =	sdelay $0x4  }
0x17a: {  	v5 =	vadd.f32 v6, v5;
	_ =	sdelay $0x1  }
0x17b: {  	[tilespmem:v4+s20+$0x0] =	vst.idx.msk $0xffff, v5  }
.LBB2_19:
0x17c: {  	s5 =	sadd.s32 $0x1, s5  }
0x17d: {  	p0 =	sne.s32 s5, $0x8  }
.Ltmp15:
0x17e: {  	_ = 	snop;
	(pc) =	sbr.rel @!p0 .LBB2_20-.Ltmp15, $1  }
0x17f: {  	_ =	sdelay $0x3  }
.LBB2_15:
0x180: {  	s7 =	sshll.u32 s5, $0x4  }
0x181: {  	v4 =	vor.u32 s7, v0  }
0x182: {  	v5 =	vand.u32 v3, v4;
	_ =	sdelay $0x4  }
0x183: {  	v5 =	vld.idx.msk [tilespmem:v5+s19+$0x0], $0xffff;
	_ =	sdelay $0x4  }
0x184: {  	v6 =	vxor.u32 $0x80000000, v5  }
0x185: {  	(xrf0) =	vmax.scan.msk.u32 $0xffff, v6;
	_ =	sdelay $0x5  }
0x186: {  	v6, _, _ =	vpop (xrf0)  }
0x187: {  	(v2sf) =	vpush v6, $0xF;
	_ =	sdelay $0xe  }
0x188: {  	s7 =	spop (v2sf)  }
0x189: {  	p0 =	slt.u32 s7, $0x80018697  }
.Ltmp16:
0x18a: {  	_ = 	snop;
	(pc) =	sbr.rel @p0 .LBB2_19-.Ltmp16, $1  }
0x18b: {  	_ =	sdelay $0x3  }
0x18c: {  	v5 =	vadd.s32 $0xFFFE796A, v5;
	s7 =	simm.s32 $0x0  }
0x18d: {  	vm0 =	vgt.s32 v5, $0x0;
	v6 =	vmov s7  }
0x18e: {  	v4 =	vshll.u32 v4, $0x6;
	v5 =	vnsel vm0, $0x0, v5;
	v7 =	vand.u32 $0x38, v6  }
0x18f: {  	v8 =	vand.u32 $0x7, v6;
	v5 =	vshll.u32 v5, $0x6;
	v6 =	vor.u32 v4, v7  }
0x190: {  	v7 =	vor.u32 v5, v7;
	v6 =	vor.u32 v8, v6  }
0x191: {  	v8 =	vor.u32 v8, v7;
	_ =	sdelay $0x3  }
0x192: {  	s7 =	simm.s32 $0x1;
	v7 =	vld.idx.msk [tilespmem:v6+s20+$0x0], $0xffff  }
0x193: {  	v10 =	vmov s7;
	v8 =	vld.idx.msk [tilespmem:v8+s12+$0x0], $0xffff  }
0x194: {  	s7 =	simm.s32 $0x2;
	v9 =	vand.u32 $0x38, v10  }
.LBB2_17:
0x195: {  	p0 =	sne.s32 s7, $0x3F;
	v10 =	vand.u32 $0x7, v10;
	v11 =	vor.u32 v4, v9  }
0x196: {  	v9 =	vor.u32 v5, v9;
	v11 =	vor.u32 v10, v11  }
0x197: {  	v9 =	vor.u32 v10, v9  }
0x198: {  	v7 =	vadd.f32 v7, v8;
	_ =	sdelay $0x1  }
.Ltmp17:
0x199: {  	[tilespmem:v6+s20+$0x0] =	vst.idx.msk $0xffff, v7;
	v6 =	vmov v11;
	(pc) =	sbr.rel @p0 .LBB2_17-.Ltmp17, $4  }
0x19a: {  	v7 =	vld.idx.msk [tilespmem:v11+s20+$0x0], $0xffff  }
0x19b: {  	v8 =	vld.idx.msk [tilespmem:v9+s12+$0x0], $0xffff  }
0x19c: {  	v10 =	vmov s7  }
0x19d: {  	s7 =	sadd.s32 $0x1, s7;
	v9 =	vand.u32 $0x38, v10  }
.Ltmp18:
0x19e: {  	_ = 	snop;
	(pc) =	sbr.rel .LBB2_18-.Ltmp18, $1  }
0x19f: {  	_ =	sdelay $0x3  }
.LBB2_20:
.Ltmp19:
0x1a0: {  	(pc) =	sbr.rel .LBB2_21-.Ltmp19, $2  }
0x1a1: {  	_ =	sdelay $0x2  }
0x1a2: {  	s5 =	simm.s32 $0x0  }
.LBB2_24:
0x1a3: {  	v10 =	vand.u32 $0x7, v10;
	v4 =	vor.u32 v4, v9  }
0x1a4: {  	v5 =	vor.u32 v5, v9;
	v4 =	vor.u32 v10, v4  }
0x1a5: {  	v5 =	vor.u32 v10, v5  }
0x1a6: {  	v7 =	vadd.f32 v7, v8;
	_ =	sdelay $0x1  }
0x1a7: {  	[tilespmem:v6+s22+$0x0] =	vst.idx.msk $0xffff, v7  }
0x1a8: {  	v6 =	vld.idx.msk [tilespmem:v4+s22+$0x0], $0xffff  }
0x1a9: {  	v5 =	vld.idx.msk [tilespmem:v5+s12+$0x0], $0xffff;
	_ =	sdelay $0x4  }
0x1aa: {  	v5 =	vadd.f32 v6, v5;
	_ =	sdelay $0x1  }
0x1ab: {  	[tilespmem:v4+s22+$0x0] =	vst.idx.msk $0xffff, v5  }
.LBB2_25:
0x1ac: {  	s5 =	sadd.s32 $0x1, s5  }
0x1ad: {  	p0 =	sne.s32 s5, $0x8  }
.Ltmp20:
0x1ae: {  	_ = 	snop;
	(pc) =	sbr.rel @!p0 .LBB2_26-.Ltmp20, $1  }
0x1af: {  	_ =	sdelay $0x3  }
.LBB2_21:
0x1b0: {  	s7 =	sshll.u32 s5, $0x4  }
0x1b1: {  	v4 =	vor.u32 s7, v0  }
0x1b2: {  	v5 =	vand.u32 v3, v4;
	_ =	sdelay $0x4  }
0x1b3: {  	v5 =	vld.idx.msk [tilespmem:v5+s21+$0x0], $0xffff;
	_ =	sdelay $0x4  }
0x1b4: {  	v6 =	vxor.u32 $0x80000000, v5  }
0x1b5: {  	(xrf0) =	vmax.scan.msk.u32 $0xffff, v6;
	_ =	sdelay $0x5  }
0x1b6: {  	v6, _, _ =	vpop (xrf0)  }
0x1b7: {  	(v2sf) =	vpush v6, $0xF;
	_ =	sdelay $0xe  }
0x1b8: {  	s7 =	spop (v2sf)  }
0x1b9: {  	p0 =	slt.u32 s7, $0x80018697  }
.Ltmp21:
0x1ba: {  	_ = 	snop;
	(pc) =	sbr.rel @p0 .LBB2_25-.Ltmp21, $1  }
0x1bb: {  	_ =	sdelay $0x3  }
0x1bc: {  	v5 =	vadd.s32 $0xFFFE796A, v5;
	s7 =	simm.s32 $0x0  }
0x1bd: {  	vm0 =	vgt.s32 v5, $0x0;
	v6 =	vmov s7  }
0x1be: {  	v4 =	vshll.u32 v4, $0x6;
	v5 =	vnsel vm0, $0x0, v5;
	v7 =	vand.u32 $0x38, v6  }
0x1bf: {  	v8 =	vand.u32 $0x7, v6;
	v5 =	vshll.u32 v5, $0x6;
	v6 =	vor.u32 v4, v7  }
0x1c0: {  	v7 =	vor.u32 v5, v7;
	v6 =	vor.u32 v8, v6  }
0x1c1: {  	v8 =	vor.u32 v8, v7;
	_ =	sdelay $0x3  }
0x1c2: {  	s7 =	simm.s32 $0x1;
	v7 =	vld.idx.msk [tilespmem:v6+s22+$0x0], $0xffff  }
0x1c3: {  	v10 =	vmov s7;
	v8 =	vld.idx.msk [tilespmem:v8+s12+$0x0], $0xffff  }
0x1c4: {  	s7 =	simm.s32 $0x2;
	v9 =	vand.u32 $0x38, v10  }
.LBB2_23:
0x1c5: {  	p0 =	sne.s32 s7, $0x3F;
	v10 =	vand.u32 $0x7, v10;
	v11 =	vor.u32 v4, v9  }
0x1c6: {  	v9 =	vor.u32 v5, v9;
	v11 =	vor.u32 v10, v11  }
0x1c7: {  	v9 =	vor.u32 v10, v9  }
0x1c8: {  	v7 =	vadd.f32 v7, v8;
	_ =	sdelay $0x1  }
.Ltmp22:
0x1c9: {  	[tilespmem:v6+s22+$0x0] =	vst.idx.msk $0xffff, v7;
	v6 =	vmov v11;
	(pc) =	sbr.rel @p0 .LBB2_23-.Ltmp22, $4  }
0x1ca: {  	v7 =	vld.idx.msk [tilespmem:v11+s22+$0x0], $0xffff  }
0x1cb: {  	v8 =	vld.idx.msk [tilespmem:v9+s12+$0x0], $0xffff  }
0x1cc: {  	v10 =	vmov s7  }
0x1cd: {  	s7 =	sadd.s32 $0x1, s7;
	v9 =	vand.u32 $0x38, v10  }
.Ltmp23:
0x1ce: {  	_ = 	snop;
	(pc) =	sbr.rel .LBB2_24-.Ltmp23, $1  }
0x1cf: {  	_ =	sdelay $0x3  }
.LBB2_26:
0x1d0: {  	s5 =	sshll.u32 s11, $0x15;
	s7 =	rddreg [dreg:$0x5]  }
0x1d1: {  	s5 =	sor.u32 s7, s5  }
0x1d2: {  	s7 =	rddreg [dreg:$0x3];
	s5 =	sshrl.u32 s5, $0x3  }
0x1d3: {  	s7 =	sadd.s32 s7, s5  }
0x1d4: {  	[hbm4b:s7+s0] =	stream.strided.scatter [tilespmem:s16], [sflag:$0x3], $0x2000, s14, s0, $0x38;
	[tilespmem:$0x16AC0] =	vst v63  }
0x1d5: {  	p0 =	seq.s32 s11, $0x18;
	s7 =	sadd.s32 s5, s8  }
0x1d6: {  	[hbm4b:s7+s0] =	stream.strided.scatter [tilespmem:s18], [sflag:$0x3], $0x2000, s14, s0, $0x38;
	[tilespmem:$0x16AC0] =	vst v63  }
.Ltmp24:
0x1d7: {  	_ = 	snop;
	(pc) =	sbr.rel @p0 .LBB2_28-.Ltmp24, $4  }
0x1d8: {  	s7 =	sadd.s32 s5, s9  }
0x1d9: {  	[hbm4b:s7+s0] =	stream.strided.scatter [tilespmem:s20], [sflag:$0x3], $0x2000, s14, s0, $0x38;
	[tilespmem:$0x16AC0] =	vst v63  }
0x1da: {  	s5 =	sadd.s32 s5, s10  }
0x1db: {  	[hbm4b:s5+s0] =	stream.strided.scatter [tilespmem:s22], [sflag:$0x3], $0x2000, s14, s0, $0x38;
	[tilespmem:$0x16AC0] =	vst v63  }
0x1dc: {  	_ =	swait.ge [sflag:s6], $0x2000  }
0x1dd: {  	[sflag:s6] =	ssyncset.done $0x0  }
0x1de: {  	s5 =	sshll.u32 s11, $0x3;
	[sflag:s6] =	ssyncadd.s32 $0xFFFFE000  }
0x1df: {  	s5 =	sadd.s32 $0x8, s5;
	_ =	swait.ge [sflag:s6], $0x2000  }
0x1e0: {  	v4 =	vmov s5;
	[sflag:s6] =	ssyncset.done $0x0  }
0x1e1: {  	v4 =	vshrl.u32 v4, $0x3;
	[sflag:s6] =	ssyncadd.s32 $0xFFFFE000  }
0x1e2: {  	v4 =	vshll.u32 v4, $0x3;
	_ =	swait.ge [sflag:s6], $0x2000  }
0x1e3: {  	v4 =	vbroadcast v4, $0x0;
	[sflag:s6] =	ssyncset.done $0x0  }
0x1e4: {  	[sflag:s6] =	ssyncadd.s32 $0xFFFFE000  }
0x1e5: {  	v5 =	vadd.s32 v1, v4;
	_ =	swait.ge [sflag:s6], $0x2000  }
0x1e6: {  	v6 =	vld [tilespmem:$0x1FF60];
	_ =	sdelay $0x1  }
0x1e7: {  	[sflag:s6] =	ssyncset.done $0x0  }
0x1e8: {  	[sflag:s6] =	ssyncadd.s32 $0xFFFFE000  }
0x1e9: {  	v5 =	vld.idx.msk [tilespmem:v5+s2+$0x0], $0xffff  }
0x1ea: {  	v6 =	vadd.s32 v6, v4  }
0x1eb: {  	v10 =	vld [tilespmem:$0x1FF70];
	_ =	sdelay $0x2  }
0x1ec: {  	[tilespmem:$0x6400] =	vst v5  }
0x1ed: {  	v5 =	vld.idx.msk [tilespmem:v6+s2+$0x0], $0xffff  }
0x1ee: {  	v6 =	vadd.s32 v10, v4  }
0x1ef: {  	v11 =	vld [tilespmem:$0x1FF80];
	_ =	sdelay $0x2  }
0x1f0: {  	[tilespmem:$0x6410] =	vst v5  }
0x1f1: {  	v5 =	vld.idx.msk [tilespmem:v6+s2+$0x0], $0xffff  }
0x1f2: {  	v6 =	vadd.s32 v11, v4  }
0x1f3: {  	v9 =	vld [tilespmem:$0x1FF90];
	_ =	sdelay $0x2  }
0x1f4: {  	[tilespmem:$0x6420] =	vst v5  }
0x1f5: {  	v5 =	vld.idx.msk [tilespmem:v6+s2+$0x0], $0xffff  }
0x1f6: {  	v6 =	vadd.s32 v9, v4  }
0x1f7: {  	v10 =	vld [tilespmem:$0x1FFA0];
	_ =	sdelay $0x2  }
0x1f8: {  	[tilespmem:$0x6430] =	vst v5  }
0x1f9: {  	v5 =	vld.idx.msk [tilespmem:v6+s2+$0x0], $0xffff  }
0x1fa: {  	v6 =	vadd.s32 v10, v4  }
0x1fb: {  	v11 =	vld [tilespmem:$0x1FFB0];
	_ =	sdelay $0x2  }
0x1fc: {  	[tilespmem:$0x6440] =	vst v5  }
0x1fd: {  	v5 =	vld.idx.msk [tilespmem:v6+s2+$0x0], $0xffff  }
0x1fe: {  	v6 =	vadd.s32 v11, v4  }
0x1ff: {  	v9 =	vld [tilespmem:$0x1FFC0];
	_ =	sdelay $0x2  }
0x200: {  	[tilespmem:$0x6450] =	vst v5  }
0x201: {  	v5 =	vld.idx.msk [tilespmem:v6+s2+$0x0], $0xffff  }
0x202: {  	v6 =	vadd.s32 v9, v4  }
0x203: {  	v10 =	vld [tilespmem:$0x1FFD0];
	_ =	sdelay $0x2  }
0x204: {  	[tilespmem:$0x6460] =	vst v5  }
0x205: {  	v5 =	vld.idx.msk [tilespmem:v6+s2+$0x0], $0xffff  }
0x206: {  	v6 =	vadd.s32 v10, v4  }
0x207: {  	v11 =	vld [tilespmem:$0x1FFE0];
	_ =	sdelay $0x2  }
0x208: {  	[tilespmem:$0x6470] =	vst v5  }
0x209: {  	v5 =	vld.idx.msk [tilespmem:v6+s2+$0x0], $0xffff  }
0x20a: {  	v6 =	vadd.s32 v11, v4  }
0x20b: {  	v9 =	vld [tilespmem:$0x1FFF0];
	_ =	sdelay $0x2  }
0x20c: {  	[tilespmem:$0x6480] =	vst v5  }
0x20d: {  	v5 =	vld.idx.msk [tilespmem:v6+s2+$0x0], $0xffff  }
0x20e: {  	v6 =	vadd.s32 v9, v4;
	_ =	sdelay $0x3  }
0x20f: {  	[tilespmem:$0x6490] =	vst v5  }
0x210: {  	v5 =	vld.idx.msk [tilespmem:v6+s2+$0x0], $0xffff  }
0x211: {  	v10 =	vadd.s32 v12, v4;
	_ =	sdelay $0x3  }
0x212: {  	[tilespmem:$0x64A0] =	vst v5  }
0x213: {  	v5 =	vld.idx.msk [tilespmem:v10+s2+$0x0], $0xffff  }
0x214: {  	v11 =	vadd.s32 v13, v4;
	_ =	sdelay $0x3  }
0x215: {  	[tilespmem:$0x64B0] =	vst v5  }
0x216: {  	v5 =	vld.idx.msk [tilespmem:v11+s2+$0x0], $0xffff  }
0x217: {  	v9 =	vadd.s32 v14, v4;
	_ =	sdelay $0x3  }
0x218: {  	[tilespmem:$0x64C0] =	vst v5  }
0x219: {  	v5 =	vld.idx.msk [tilespmem:v9+s2+$0x0], $0xffff  }
0x21a: {  	v10 =	vadd.s32 v15, v4;
	_ =	sdelay $0x3  }
0x21b: {  	[tilespmem:$0x64D0] =	vst v5  }
0x21c: {  	v5 =	vld.idx.msk [tilespmem:v10+s2+$0x0], $0xffff  }
0x21d: {  	v11 =	vadd.s32 v16, v4;
	_ =	sdelay $0x3  }
0x21e: {  	[tilespmem:$0x64E0] =	vst v5  }
0x21f: {  	v5 =	vld.idx.msk [tilespmem:v11+s2+$0x0], $0xffff  }
0x220: {  	v9 =	vadd.s32 v17, v4;
	_ =	sdelay $0x3  }
0x221: {  	[tilespmem:$0x64F0] =	vst v5  }
0x222: {  	v5 =	vld.idx.msk [tilespmem:v9+s2+$0x0], $0xffff  }
0x223: {  	v10 =	vadd.s32 v18, v4;
	_ =	sdelay $0x3  }
0x224: {  	[tilespmem:$0x6500] =	vst v5  }
0x225: {  	v5 =	vld.idx.msk [tilespmem:v10+s2+$0x0], $0xffff  }
0x226: {  	v11 =	vadd.s32 v19, v4;
	_ =	sdelay $0x3  }
0x227: {  	[tilespmem:$0x6510] =	vst v5  }
0x228: {  	v5 =	vld.idx.msk [tilespmem:v11+s2+$0x0], $0xffff  }
0x229: {  	v9 =	vadd.s32 v20, v4;
	_ =	sdelay $0x3  }
0x22a: {  	[tilespmem:$0x6520] =	vst v5  }
0x22b: {  	v5 =	vld.idx.msk [tilespmem:v9+s2+$0x0], $0xffff  }
0x22c: {  	v10 =	vadd.s32 v21, v4;
	_ =	sdelay $0x3  }
0x22d: {  	[tilespmem:$0x6530] =	vst v5  }
0x22e: {  	v5 =	vld.idx.msk [tilespmem:v10+s2+$0x0], $0xffff  }
0x22f: {  	v11 =	vadd.s32 v22, v4;
	_ =	sdelay $0x3  }
0x230: {  	[tilespmem:$0x6540] =	vst v5  }
0x231: {  	v5 =	vld.idx.msk [tilespmem:v11+s2+$0x0], $0xffff  }
0x232: {  	v9 =	vadd.s32 v23, v4;
	_ =	sdelay $0x3  }
0x233: {  	[tilespmem:$0x6550] =	vst v5  }
0x234: {  	v5 =	vld.idx.msk [tilespmem:v9+s2+$0x0], $0xffff  }
0x235: {  	v10 =	vadd.s32 v24, v4;
	_ =	sdelay $0x3  }
0x236: {  	[tilespmem:$0x6560] =	vst v5  }
0x237: {  	v5 =	vld.idx.msk [tilespmem:v10+s2+$0x0], $0xffff  }
0x238: {  	v11 =	vadd.s32 v25, v4;
	_ =	sdelay $0x3  }
0x239: {  	[tilespmem:$0x6570] =	vst v5  }
0x23a: {  	v5 =	vld.idx.msk [tilespmem:v11+s2+$0x0], $0xffff  }
0x23b: {  	v9 =	vadd.s32 v26, v4;
	_ =	sdelay $0x3  }
0x23c: {  	[tilespmem:$0x6580] =	vst v5  }
0x23d: {  	v5 =	vld.idx.msk [tilespmem:v9+s2+$0x0], $0xffff  }
0x23e: {  	v10 =	vadd.s32 v27, v4;
	_ =	sdelay $0x3  }
0x23f: {  	[tilespmem:$0x6590] =	vst v5  }
0x240: {  	v5 =	vld.idx.msk [tilespmem:v10+s2+$0x0], $0xffff  }
0x241: {  	v11 =	vadd.s32 v28, v4;
	_ =	sdelay $0x3  }
0x242: {  	[tilespmem:$0x65A0] =	vst v5  }
0x243: {  	v5 =	vld.idx.msk [tilespmem:v11+s2+$0x0], $0xffff  }
0x244: {  	v9 =	vadd.s32 v29, v4;
	_ =	sdelay $0x3  }
0x245: {  	[tilespmem:$0x65B0] =	vst v5  }
0x246: {  	v5 =	vld.idx.msk [tilespmem:v9+s2+$0x0], $0xffff  }
0x247: {  	v10 =	vadd.s32 v30, v4;
	_ =	sdelay $0x3  }
0x248: {  	[tilespmem:$0x65C0] =	vst v5  }
0x249: {  	v5 =	vld.idx.msk [tilespmem:v10+s2+$0x0], $0xffff  }
0x24a: {  	v11 =	vadd.s32 v31, v4;
	_ =	sdelay $0x3  }
0x24b: {  	[tilespmem:$0x65D0] =	vst v5  }
0x24c: {  	v5 =	vld.idx.msk [tilespmem:v11+s2+$0x0], $0xffff  }
0x24d: {  	v4 =	vadd.s32 v32, v4;
	_ =	sdelay $0x3  }
0x24e: {  	[tilespmem:$0x65E0] =	vst v5  }
0x24f: {  	v4 =	vld.idx.msk [tilespmem:v4+s2+$0x0], $0xffff;
	_ =	sdelay $0x4  }
0x250: {  	[tilespmem:$0x65F0] =	vst v4  }
0x251: {  	[tilespmem:s16], [sflag:$0x1] =	stream.indirect.gather [hbm4b:s3+s14], $0x40, s15, s14, $0xb8;
	[tilespmem:$0x16AC0] =	vst v63  }
0x252: {  	_ = 	snop  }
0x253: {  	[tilespmem:s18], [sflag:$0x1] =	stream.indirect.gather [hbm4b:s3+s14], $0x40, s17, s14, $0xb8;
	[tilespmem:$0x16AC0] =	vst v63  }
0x254: {  	_ = 	snop  }
0x255: {  	[tilespmem:s20], [sflag:$0x1] =	stream.indirect.gather [hbm4b:s3+s14], $0x40, s19, s14, $0xb8;
	[tilespmem:$0x16AC0] =	vst v63  }
0x256: {  	_ = 	snop  }
0x257: {  	[tilespmem:s22], [sflag:$0x1] =	stream.indirect.gather [hbm4b:s3+s14], $0x40, s21, s14, $0xb8;
	[tilespmem:$0x16AC0] =	vst v63  }
.LBB2_28:
0x258: {  	_ =	swait.ge [sflag:s4], $0x2000  }
0x259: {  	[sflag:s4] =	ssyncset.done $0x0  }
0x25a: {  	[sflag:s4] =	ssyncadd.s32 $0xFFFFE000  }
0x25b: {  	_ =	swait.ge [sflag:s4], $0x2000  }
0x25c: {  	[sflag:s4] =	ssyncset.done $0x0  }
0x25d: {  	[sflag:s4] =	ssyncadd.s32 $0xFFFFE000  }
0x25e: {  	_ =	swait.ge [sflag:s4], $0x2000  }
.Ltmp25:
0x25f: {  	[sflag:s4] =	ssyncset.done $0x0;
	(pc) =	sbr.rel .LBB2_29-.Ltmp25, $4  }
0x260: {  	[sflag:s4] =	ssyncadd.s32 $0xFFFFE000  }
0x261: {  	_ =	swait.ge [sflag:s4], $0x2000  }
0x262: {  	[sflag:s4] =	ssyncset.done $0x0  }
0x263: {  	s5 =	simm.s32 $0x0;
	[sflag:s4] =	ssyncadd.s32 $0xFFFFE000  }
.LBB2_32:
0x264: {  	v10 =	vand.u32 $0x7, v10;
	v4 =	vor.u32 v4, v9  }
0x265: {  	v5 =	vor.u32 v5, v9;
	v4 =	vor.u32 v10, v4  }
0x266: {  	v5 =	vor.u32 v10, v5  }
0x267: {  	v7 =	vadd.f32 v7, v8;
	_ =	sdelay $0x1  }
0x268: {  	[tilespmem:v6+s24+$0x0] =	vst.idx.msk $0xffff, v7  }
0x269: {  	v6 =	vld.idx.msk [tilespmem:v4+s24+$0x0], $0xffff  }
0x26a: {  	v5 =	vld.idx.msk [tilespmem:v5+s12+$0x0], $0xffff;
	_ =	sdelay $0x4  }
0x26b: {  	v5 =	vadd.f32 v6, v5;
	_ =	sdelay $0x1  }
0x26c: {  	[tilespmem:v4+s24+$0x0] =	vst.idx.msk $0xffff, v5  }
.LBB2_33:
0x26d: {  	s5 =	sadd.s32 $0x1, s5  }
0x26e: {  	p0 =	sne.s32 s5, $0x8  }
.Ltmp26:
0x26f: {  	_ = 	snop;
	(pc) =	sbr.rel @!p0 .LBB2_34-.Ltmp26, $1  }
0x270: {  	_ =	sdelay $0x3  }
.LBB2_29:
0x271: {  	s7 =	sshll.u32 s5, $0x4  }
0x272: {  	v4 =	vor.u32 s7, v0  }
0x273: {  	v5 =	vand.u32 v3, v4;
	_ =	sdelay $0x4  }
0x274: {  	v5 =	vld.idx.msk [tilespmem:v5+s23+$0x0], $0xffff;
	_ =	sdelay $0x4  }
0x275: {  	v6 =	vxor.u32 $0x80000000, v5  }
0x276: {  	(xrf0) =	vmax.scan.msk.u32 $0xffff, v6;
	_ =	sdelay $0x5  }
0x277: {  	v6, _, _ =	vpop (xrf0)  }
0x278: {  	(v2sf) =	vpush v6, $0xF;
	_ =	sdelay $0xe  }
0x279: {  	s7 =	spop (v2sf)  }
0x27a: {  	p0 =	slt.u32 s7, $0x80018697  }
.Ltmp27:
0x27b: {  	_ = 	snop;
	(pc) =	sbr.rel @p0 .LBB2_33-.Ltmp27, $1  }
0x27c: {  	_ =	sdelay $0x3  }
0x27d: {  	v5 =	vadd.s32 $0xFFFE796A, v5;
	s7 =	simm.s32 $0x0  }
0x27e: {  	vm0 =	vgt.s32 v5, $0x0;
	v6 =	vmov s7  }
0x27f: {  	v4 =	vshll.u32 v4, $0x6;
	v5 =	vnsel vm0, $0x0, v5;
	v7 =	vand.u32 $0x38, v6  }
0x280: {  	v8 =	vand.u32 $0x7, v6;
	v5 =	vshll.u32 v5, $0x6;
	v6 =	vor.u32 v4, v7  }
0x281: {  	v7 =	vor.u32 v5, v7;
	v6 =	vor.u32 v8, v6  }
0x282: {  	v8 =	vor.u32 v8, v7;
	_ =	sdelay $0x3  }
0x283: {  	s7 =	simm.s32 $0x1;
	v7 =	vld.idx.msk [tilespmem:v6+s24+$0x0], $0xffff  }
0x284: {  	v10 =	vmov s7;
	v8 =	vld.idx.msk [tilespmem:v8+s12+$0x0], $0xffff  }
0x285: {  	s7 =	simm.s32 $0x2;
	v9 =	vand.u32 $0x38, v10  }
.LBB2_31:
0x286: {  	p0 =	sne.s32 s7, $0x3F;
	v10 =	vand.u32 $0x7, v10;
	v11 =	vor.u32 v4, v9  }
0x287: {  	v9 =	vor.u32 v5, v9;
	v11 =	vor.u32 v10, v11  }
0x288: {  	v9 =	vor.u32 v10, v9  }
0x289: {  	v7 =	vadd.f32 v7, v8;
	_ =	sdelay $0x1  }
.Ltmp28:
0x28a: {  	[tilespmem:v6+s24+$0x0] =	vst.idx.msk $0xffff, v7;
	v6 =	vmov v11;
	(pc) =	sbr.rel @p0 .LBB2_31-.Ltmp28, $4  }
0x28b: {  	v7 =	vld.idx.msk [tilespmem:v11+s24+$0x0], $0xffff  }
0x28c: {  	v8 =	vld.idx.msk [tilespmem:v9+s12+$0x0], $0xffff  }
0x28d: {  	v10 =	vmov s7  }
0x28e: {  	s7 =	sadd.s32 $0x1, s7;
	v9 =	vand.u32 $0x38, v10  }
.Ltmp29:
0x28f: {  	_ = 	snop;
	(pc) =	sbr.rel .LBB2_32-.Ltmp29, $1  }
0x290: {  	_ =	sdelay $0x3  }
.LBB2_34:
.Ltmp30:
0x291: {  	(pc) =	sbr.rel .LBB2_35-.Ltmp30, $2  }
0x292: {  	_ =	sdelay $0x2  }
0x293: {  	s5 =	simm.s32 $0x0  }
.LBB2_38:
0x294: {  	v10 =	vand.u32 $0x7, v10;
	v4 =	vor.u32 v4, v9  }
0x295: {  	v5 =	vor.u32 v5, v9;
	v4 =	vor.u32 v10, v4  }
0x296: {  	v5 =	vor.u32 v10, v5  }
0x297: {  	v7 =	vadd.f32 v7, v8;
	_ =	sdelay $0x1  }
0x298: {  	[tilespmem:v6+s26+$0x0] =	vst.idx.msk $0xffff, v7  }
0x299: {  	v6 =	vld.idx.msk [tilespmem:v4+s26+$0x0], $0xffff  }
0x29a: {  	v5 =	vld.idx.msk [tilespmem:v5+s12+$0x0], $0xffff;
	_ =	sdelay $0x4  }
0x29b: {  	v5 =	vadd.f32 v6, v5;
	_ =	sdelay $0x1  }
0x29c: {  	[tilespmem:v4+s26+$0x0] =	vst.idx.msk $0xffff, v5  }
.LBB2_39:
0x29d: {  	s5 =	sadd.s32 $0x1, s5  }
0x29e: {  	p0 =	sne.s32 s5, $0x8  }
.Ltmp31:
0x29f: {  	_ = 	snop;
	(pc) =	sbr.rel @!p0 .LBB2_40-.Ltmp31, $1  }
0x2a0: {  	_ =	sdelay $0x3  }
.LBB2_35:
0x2a1: {  	s7 =	sshll.u32 s5, $0x4  }
0x2a2: {  	v4 =	vor.u32 s7, v0  }
0x2a3: {  	v5 =	vand.u32 v3, v4;
	_ =	sdelay $0x4  }
0x2a4: {  	v5 =	vld.idx.msk [tilespmem:v5+s25+$0x0], $0xffff;
	_ =	sdelay $0x4  }
0x2a5: {  	v6 =	vxor.u32 $0x80000000, v5  }
0x2a6: {  	(xrf0) =	vmax.scan.msk.u32 $0xffff, v6;
	_ =	sdelay $0x5  }
0x2a7: {  	v6, _, _ =	vpop (xrf0)  }
0x2a8: {  	(v2sf) =	vpush v6, $0xF;
	_ =	sdelay $0xe  }
0x2a9: {  	s7 =	spop (v2sf)  }
0x2aa: {  	p0 =	slt.u32 s7, $0x80018697  }
.Ltmp32:
0x2ab: {  	_ = 	snop;
	(pc) =	sbr.rel @p0 .LBB2_39-.Ltmp32, $1  }
0x2ac: {  	_ =	sdelay $0x3  }
0x2ad: {  	v5 =	vadd.s32 $0xFFFE796A, v5;
	s7 =	simm.s32 $0x0  }
0x2ae: {  	vm0 =	vgt.s32 v5, $0x0;
	v6 =	vmov s7  }
0x2af: {  	v4 =	vshll.u32 v4, $0x6;
	v5 =	vnsel vm0, $0x0, v5;
	v7 =	vand.u32 $0x38, v6  }
0x2b0: {  	v8 =	vand.u32 $0x7, v6;
	v5 =	vshll.u32 v5, $0x6;
	v6 =	vor.u32 v4, v7  }
0x2b1: {  	v7 =	vor.u32 v5, v7;
	v6 =	vor.u32 v8, v6  }
0x2b2: {  	v8 =	vor.u32 v8, v7;
	_ =	sdelay $0x3  }
0x2b3: {  	s7 =	simm.s32 $0x1;
	v7 =	vld.idx.msk [tilespmem:v6+s26+$0x0], $0xffff  }
0x2b4: {  	v10 =	vmov s7;
	v8 =	vld.idx.msk [tilespmem:v8+s12+$0x0], $0xffff  }
0x2b5: {  	s7 =	simm.s32 $0x2;
	v9 =	vand.u32 $0x38, v10  }
.LBB2_37:
0x2b6: {  	p0 =	sne.s32 s7, $0x3F;
	v10 =	vand.u32 $0x7, v10;
	v11 =	vor.u32 v4, v9  }
0x2b7: {  	v9 =	vor.u32 v5, v9;
	v11 =	vor.u32 v10, v11  }
0x2b8: {  	v9 =	vor.u32 v10, v9  }
0x2b9: {  	v7 =	vadd.f32 v7, v8;
	_ =	sdelay $0x1  }
.Ltmp33:
0x2ba: {  	[tilespmem:v6+s26+$0x0] =	vst.idx.msk $0xffff, v7;
	v6 =	vmov v11;
	(pc) =	sbr.rel @p0 .LBB2_37-.Ltmp33, $4  }
0x2bb: {  	v7 =	vld.idx.msk [tilespmem:v11+s26+$0x0], $0xffff  }
0x2bc: {  	v8 =	vld.idx.msk [tilespmem:v9+s12+$0x0], $0xffff  }
0x2bd: {  	v10 =	vmov s7  }
0x2be: {  	s7 =	sadd.s32 $0x1, s7;
	v9 =	vand.u32 $0x38, v10  }
.Ltmp34:
0x2bf: {  	_ = 	snop;
	(pc) =	sbr.rel .LBB2_38-.Ltmp34, $1  }
0x2c0: {  	_ =	sdelay $0x3  }
.LBB2_40:
.Ltmp35:
0x2c1: {  	(pc) =	sbr.rel .LBB2_41-.Ltmp35, $2  }
0x2c2: {  	_ =	sdelay $0x2  }
0x2c3: {  	s5 =	simm.s32 $0x0  }
.LBB2_44:
0x2c4: {  	v10 =	vand.u32 $0x7, v10;
	v4 =	vor.u32 v4, v9  }
0x2c5: {  	v5 =	vor.u32 v5, v9;
	v4 =	vor.u32 v10, v4  }
0x2c6: {  	v5 =	vor.u32 v10, v5  }
0x2c7: {  	v7 =	vadd.f32 v7, v8;
	_ =	sdelay $0x1  }
0x2c8: {  	[tilespmem:v6+s29+$0x0] =	vst.idx.msk $0xffff, v7  }
0x2c9: {  	v6 =	vld.idx.msk [tilespmem:v4+s29+$0x0], $0xffff  }
0x2ca: {  	v5 =	vld.idx.msk [tilespmem:v5+s12+$0x0], $0xffff;
	_ =	sdelay $0x4  }
0x2cb: {  	v5 =	vadd.f32 v6, v5;
	_ =	sdelay $0x1  }
0x2cc: {  	[tilespmem:v4+s29+$0x0] =	vst.idx.msk $0xffff, v5  }
.LBB2_45:
0x2cd: {  	s5 =	sadd.s32 $0x1, s5  }
0x2ce: {  	p0 =	sne.s32 s5, $0x8  }
.Ltmp36:
0x2cf: {  	_ = 	snop;
	(pc) =	sbr.rel @!p0 .LBB2_46-.Ltmp36, $1  }
0x2d0: {  	_ =	sdelay $0x3  }
.LBB2_41:
0x2d1: {  	s7 =	sshll.u32 s5, $0x4  }
0x2d2: {  	v4 =	vor.u32 s7, v0  }
0x2d3: {  	v5 =	vand.u32 v3, v4;
	_ =	sdelay $0x4  }
0x2d4: {  	v5 =	vld.idx.msk [tilespmem:v5+s28+$0x0], $0xffff;
	_ =	sdelay $0x4  }
0x2d5: {  	v6 =	vxor.u32 $0x80000000, v5  }
0x2d6: {  	(xrf0) =	vmax.scan.msk.u32 $0xffff, v6;
	_ =	sdelay $0x5  }
0x2d7: {  	v6, _, _ =	vpop (xrf0)  }
0x2d8: {  	(v2sf) =	vpush v6, $0xF;
	_ =	sdelay $0xe  }
0x2d9: {  	s7 =	spop (v2sf)  }
0x2da: {  	p0 =	slt.u32 s7, $0x80018697  }
.Ltmp37:
0x2db: {  	_ = 	snop;
	(pc) =	sbr.rel @p0 .LBB2_45-.Ltmp37, $1  }
0x2dc: {  	_ =	sdelay $0x3  }
0x2dd: {  	v5 =	vadd.s32 $0xFFFE796A, v5;
	s7 =	simm.s32 $0x0  }
0x2de: {  	vm0 =	vgt.s32 v5, $0x0;
	v6 =	vmov s7  }
0x2df: {  	v4 =	vshll.u32 v4, $0x6;
	v5 =	vnsel vm0, $0x0, v5;
	v7 =	vand.u32 $0x38, v6  }
0x2e0: {  	v8 =	vand.u32 $0x7, v6;
	v5 =	vshll.u32 v5, $0x6;
	v6 =	vor.u32 v4, v7  }
0x2e1: {  	v7 =	vor.u32 v5, v7;
	v6 =	vor.u32 v8, v6  }
0x2e2: {  	v8 =	vor.u32 v8, v7;
	_ =	sdelay $0x3  }
0x2e3: {  	s7 =	simm.s32 $0x1;
	v7 =	vld.idx.msk [tilespmem:v6+s29+$0x0], $0xffff  }
0x2e4: {  	v10 =	vmov s7;
	v8 =	vld.idx.msk [tilespmem:v8+s12+$0x0], $0xffff  }
0x2e5: {  	s7 =	simm.s32 $0x2;
	v9 =	vand.u32 $0x38, v10  }
.LBB2_43:
0x2e6: {  	p0 =	sne.s32 s7, $0x3F;
	v10 =	vand.u32 $0x7, v10;
	v11 =	vor.u32 v4, v9  }
0x2e7: {  	v9 =	vor.u32 v5, v9;
	v11 =	vor.u32 v10, v11  }
0x2e8: {  	v9 =	vor.u32 v10, v9  }
0x2e9: {  	v7 =	vadd.f32 v7, v8;
	_ =	sdelay $0x1  }
.Ltmp38:
0x2ea: {  	[tilespmem:v6+s29+$0x0] =	vst.idx.msk $0xffff, v7;
	v6 =	vmov v11;
	(pc) =	sbr.rel @p0 .LBB2_43-.Ltmp38, $4  }
0x2eb: {  	v7 =	vld.idx.msk [tilespmem:v11+s29+$0x0], $0xffff  }
0x2ec: {  	v8 =	vld.idx.msk [tilespmem:v9+s12+$0x0], $0xffff  }
0x2ed: {  	v10 =	vmov s7  }
0x2ee: {  	s7 =	sadd.s32 $0x1, s7;
	v9 =	vand.u32 $0x38, v10  }
.Ltmp39:
0x2ef: {  	_ = 	snop;
	(pc) =	sbr.rel .LBB2_44-.Ltmp39, $1  }
0x2f0: {  	_ =	sdelay $0x3  }
.LBB2_46:
.Ltmp40:
0x2f1: {  	(pc) =	sbr.rel .LBB2_47-.Ltmp40, $2  }
0x2f2: {  	_ =	sdelay $0x2  }
0x2f3: {  	s5 =	simm.s32 $0x0  }
.LBB2_50:
0x2f4: {  	v10 =	vand.u32 $0x7, v10;
	v4 =	vor.u32 v4, v9  }
0x2f5: {  	v5 =	vor.u32 v5, v9;
	v4 =	vor.u32 v10, v4  }
0x2f6: {  	v5 =	vor.u32 v10, v5  }
0x2f7: {  	v7 =	vadd.f32 v7, v8;
	_ =	sdelay $0x1  }
0x2f8: {  	[tilespmem:v6+s31+$0x0] =	vst.idx.msk $0xffff, v7  }
0x2f9: {  	v6 =	vld.idx.msk [tilespmem:v4+s31+$0x0], $0xffff  }
0x2fa: {  	v5 =	vld.idx.msk [tilespmem:v5+s12+$0x0], $0xffff;
	_ =	sdelay $0x4  }
0x2fb: {  	v5 =	vadd.f32 v6, v5;
	_ =	sdelay $0x1  }
0x2fc: {  	[tilespmem:v4+s31+$0x0] =	vst.idx.msk $0xffff, v5  }
.LBB2_51:
0x2fd: {  	s5 =	sadd.s32 $0x1, s5  }
0x2fe: {  	p0 =	sne.s32 s5, $0x8  }
.Ltmp41:
0x2ff: {  	_ = 	snop;
	(pc) =	sbr.rel @!p0 .LBB2_52-.Ltmp41, $1  }
0x300: {  	_ =	sdelay $0x3  }
.LBB2_47:
0x301: {  	s7 =	sshll.u32 s5, $0x4  }
0x302: {  	v4 =	vor.u32 s7, v0  }
0x303: {  	v5 =	vand.u32 v3, v4;
	_ =	sdelay $0x4  }
0x304: {  	v5 =	vld.idx.msk [tilespmem:v5+s30+$0x0], $0xffff;
	_ =	sdelay $0x4  }
0x305: {  	v6 =	vxor.u32 $0x80000000, v5  }
0x306: {  	(xrf0) =	vmax.scan.msk.u32 $0xffff, v6;
	_ =	sdelay $0x5  }
0x307: {  	v6, _, _ =	vpop (xrf0)  }
0x308: {  	(v2sf) =	vpush v6, $0xF;
	_ =	sdelay $0xe  }
0x309: {  	s7 =	spop (v2sf)  }
0x30a: {  	p0 =	slt.u32 s7, $0x80018697  }
.Ltmp42:
0x30b: {  	_ = 	snop;
	(pc) =	sbr.rel @p0 .LBB2_51-.Ltmp42, $1  }
0x30c: {  	_ =	sdelay $0x3  }
0x30d: {  	v5 =	vadd.s32 $0xFFFE796A, v5;
	s7 =	simm.s32 $0x0  }
0x30e: {  	vm0 =	vgt.s32 v5, $0x0;
	v6 =	vmov s7  }
0x30f: {  	v4 =	vshll.u32 v4, $0x6;
	v5 =	vnsel vm0, $0x0, v5;
	v7 =	vand.u32 $0x38, v6  }
0x310: {  	v8 =	vand.u32 $0x7, v6;
	v5 =	vshll.u32 v5, $0x6;
	v6 =	vor.u32 v4, v7  }
0x311: {  	v7 =	vor.u32 v5, v7;
	v6 =	vor.u32 v8, v6  }
0x312: {  	v8 =	vor.u32 v8, v7;
	_ =	sdelay $0x3  }
0x313: {  	s7 =	simm.s32 $0x1;
	v7 =	vld.idx.msk [tilespmem:v6+s31+$0x0], $0xffff  }
0x314: {  	v10 =	vmov s7;
	v8 =	vld.idx.msk [tilespmem:v8+s12+$0x0], $0xffff  }
0x315: {  	s7 =	simm.s32 $0x2;
	v9 =	vand.u32 $0x38, v10  }
.LBB2_49:
0x316: {  	p0 =	sne.s32 s7, $0x3F;
	v10 =	vand.u32 $0x7, v10;
	v11 =	vor.u32 v4, v9  }
0x317: {  	v9 =	vor.u32 v5, v9;
	v11 =	vor.u32 v10, v11  }
0x318: {  	v9 =	vor.u32 v10, v9  }
0x319: {  	v7 =	vadd.f32 v7, v8;
	_ =	sdelay $0x1  }
.Ltmp43:
0x31a: {  	[tilespmem:v6+s31+$0x0] =	vst.idx.msk $0xffff, v7;
	v6 =	vmov v11;
	(pc) =	sbr.rel @p0 .LBB2_49-.Ltmp43, $4  }
0x31b: {  	v7 =	vld.idx.msk [tilespmem:v11+s31+$0x0], $0xffff  }
0x31c: {  	v8 =	vld.idx.msk [tilespmem:v9+s12+$0x0], $0xffff  }
0x31d: {  	v10 =	vmov s7  }
0x31e: {  	s7 =	sadd.s32 $0x1, s7;
	v9 =	vand.u32 $0x38, v10  }
.Ltmp44:
0x31f: {  	_ = 	snop;
	(pc) =	sbr.rel .LBB2_50-.Ltmp44, $1  }
0x320: {  	_ =	sdelay $0x3  }
.LBB2_54:
0x321: {  	_ =	sfence.sel $0x180000  }
0x322: {  	[bflag:$0x0] =	sbarrier.arrive $0xFFFF  }
0x323: {  	_ =	strace $0x90000047  }
0x324: {  	s0 =	stileid.u32;
	[bflag:$0x2] =	sbarrier.arrive $0xFFFF  }
0x325: {  	p0 =	sne.s32 s0, $0x0;
	s0 =	rddreg [dreg:$0x1]  }
0x326: {  	s0 =	sadd.s32 @!p0 $0x100000, s0  }
0x327: {  	[sflag:s0] =	ssyncadd.tile.s32 @!p0 $0x1;
	_ =	shalt  }
.Lfunc_end2:
_tile_overlayer_lowered:
.L_overlay_start_2:
0x328: {  	(tag) =	ssettag $0x2  }
0x329: {  	s0 =	rddreg [dreg:$0x0];
	s2 =	stileid.u32  }
0x32a: {  	s1 =	rddreg [dreg:$0x1];
	p0 =	sne.s32 s2, $0x0  }
0x32b: {  	s3 =	rddreg [dreg:$0x2];
	[bflag:$0x3] =	sbarrier.arrive $0xFFFF;
	s2 =	simm.s32 @!p0 $0x1C05  }
0x32c: {  	[timem:s3], [sflag:s2] =	dma.local @!p0 [hbm:s0], s1  }
0x32d: {  	s0 =	simm.s32 @!p0 $0x5  }
0x32e: {  	_ =	swait.ge @!p0 [sflag:s0], s1  }
0x32f: {  	s1 =	ssub.s32 @!p0 $0x0, s1;
	[sflag:s0] =	ssyncset.done @!p0 $0x0  }
0x330: {  	[sflag:s0] =	ssyncadd.s32 @!p0 s1  }
0x331: {  	[bflag:$0x3] =	sbarrier.arrive $0xFFFF  }
0x332: {  	_ =	shalt  }

</sc_bundles>
